<compile_context>
chip_gen: v7x
topology: tpu7x:2x2x1
jax: 0.10.2.dev20260603
libtpu: 0.0.44.dev20260713+nightly
codegen_flags: <defaults>
</compile_context>

<pallas_src>
import functools

import jax
import jax.numpy as jnp
from jax import lax
from jax.experimental import pallas as pl
from jax.experimental.pallas import tpu as pltpu
from jax.experimental.pallas import tpu_sc as plsc

M = 16384
N = 16384
B = 64

NC = 2
NS = 16
NW = NC * NS
L = 16

CH = 1024
SLOTS = 4
GRP = CH // L
GI = 8


def _sc_spmm(nchunks):
    mesh = plsc.VectorSubcoreMesh(core_axis_name="c", subcore_axis_name="s")

    @functools.partial(
        pl.kernel,
        out_type=jax.ShapeDtypeStruct((B, M), jnp.float32),
        mesh=mesh,
        scratch_types=[
            pltpu.VMEM((N,), jnp.int32),
            pltpu.VMEM((M,), jnp.float32),
            pltpu.VMEM((M,), jnp.float32),
            pltpu.VMEM((SLOTS, CH), jnp.int32),
            pltpu.VMEM((SLOTS, CH), jnp.float32),
            pltpu.SemaphoreType.DMA,
            pltpu.SemaphoreType.DMA,
        ],
        compiler_params=pltpu.CompilerParams(needs_layout_passes=False),
    )
    def kfn(xpack, pidx, vals, bias, out, xab, ya, yb, iv, vv, semx, semd):
        wid = lax.axis_index("s") * NC + lax.axis_index("c")

        pltpu.async_copy(xpack.at[wid], xab, semx)
        pltpu.async_copy(bias, ya, semx)
        pltpu.async_copy(bias, yb, semx)

        def start(c, slot):
            pltpu.make_async_copy(
                pidx.at[pl.ds(c * CH, CH)], iv.at[slot], semd).start()
            pltpu.make_async_copy(
                vals.at[pl.ds(c * CH, CH)], vv.at[slot], semd).start()

        def wait(c, slot):
            pltpu.make_async_copy(
                pidx.at[pl.ds(c * CH, CH)], iv.at[slot], semd).wait()
            pltpu.make_async_copy(
                vals.at[pl.ds(c * CH, CH)], vv.at[slot], semd).wait()

        for s in range(SLOTS):
            start(s, s)
        pltpu.make_async_copy(xpack.at[wid], xab, semx).wait()
        pltpu.make_async_copy(bias, ya, semx).wait()
        pltpu.make_async_copy(bias, yb, semx).wait()

        def chunk_body(c, slot):
            wait(c, slot)

            def groups(g, _):
                base = g * (L * GI)
                pvs = [iv[slot, pl.ds(base + k * L, L)] for k in range(GI)]
                vs = [vv[slot, pl.ds(base + k * L, L)] for k in range(GI)]
                col = [pv & 0xFFFF for pv in pvs]
                row = [lax.shift_right_logical(pv, 16) for pv in pvs]
                pk = [plsc.load_gather(xab, [c2]) for c2 in col]
                ab = [
                    plsc.unpack(
                        plsc.bitcast(p, jnp.bfloat16),
                        format=plsc.PackFormat.INTERLEAVED,
                        preferred_element_type=jnp.float32,
                    )
                    for p in pk
                ]
                for k in range(GI):
                    plsc.addupdate_scatter(ya, [row[k]], ab[k][0] * vs[k])
                    plsc.addupdate_scatter(yb, [row[k]], ab[k][1] * vs[k])
                return 0

            lax.fori_loop(0, GRP // GI, groups, 0)

        def outer(i, _):
            for s in range(SLOTS):
                c = i * SLOTS + s
                chunk_body(c, s)
                @pl.when(c + SLOTS < nchunks)
                def _():
                    start(c + SLOTS, s)
            return 0

        lax.fori_loop(0, nchunks // SLOTS, outer, 0)

        pltpu.sync_copy(ya, out.at[wid])
        pltpu.sync_copy(yb, out.at[wid + NW])

    return kfn


def kernel(x, sparse_weight_indices, sparse_weight_values, bias):
    rows = sparse_weight_indices[0]
    cols = sparse_weight_indices[1]
    nnz = rows.shape[0]

    nnzp = ((nnz + SLOTS * CH - 1) // (SLOTS * CH)) * (SLOTS * CH)
    pad = nnzp - nnz
    pidx = (rows.astype(jnp.int32) << 16) | cols.astype(jnp.int32)
    pidx = jnp.pad(pidx, (0, pad))
    vals = jnp.pad(sparse_weight_values, (0, pad))

    lo = lax.bitcast_convert_type(
        x[:NW].astype(jnp.bfloat16), jnp.uint16).astype(jnp.uint32)
    hi = lax.bitcast_convert_type(
        x[NW:].astype(jnp.bfloat16), jnp.uint16).astype(jnp.uint32)
    xpack = lax.bitcast_convert_type((hi << 16) | lo, jnp.int32)

    return _sc_spmm(nnzp // CH)(xpack, pidx, vals, bias)

# --- scband reference (transcript-rebuilt; emitter-appended) ---
"""Pipeline reference for scband-sparse-linear-82935818485772 (READ-ONLY COPY).

The authoritative reference and input builder live on the scoring server;
editing this copy changes nothing except your own understanding.
"""

import jax, jax.numpy as jnp
import numpy as np

M = 16384   # out_features
N = 16384   # in_features
NNZ = 268435  # n*n*density = 16384*16384*0.001
B = 64      # batch (dense_cols)


def setup_inputs(seed: int = 0) -> dict:
    key = jax.random.key(seed)
    k1, k2, k3, k4, k5 = jax.random.split(key, 5)
    x = jax.random.normal(k1, (B, N), dtype=jnp.float32)
    rows = jax.random.randint(k2, (NNZ,), 0, M, dtype=jnp.int32)
    cols = jax.random.randint(k3, (NNZ,), 0, N, dtype=jnp.int32)
    sparse_weight_indices = jnp.stack([rows, cols], axis=0)
    sparse_weight_values = jax.random.normal(k4, (NNZ,), dtype=jnp.float32)
    bias = jax.random.normal(k5, (M,), dtype=jnp.float32)
    return {
        "x": x,
        "sparse_weight_indices": sparse_weight_indices,
        "sparse_weight_values": sparse_weight_values,
        "bias": bias,
    }


def reference(x, sparse_weight_indices, sparse_weight_values, bias):
    # Torch forward: y = spmm(indices, values, m=M, n=N, x.T).T + bias
    # i.e. y = x @ W_sparse.T + bias, W_sparse is [M, N] COO.
    rows = sparse_weight_indices[0]
    cols = sparse_weight_indices[1]
    # gather columns of x corresponding to each nnz's input-feature index
    gathered = jnp.take(x, cols, axis=1)              # [B, NNZ]
    contrib = gathered * sparse_weight_values[None, :]  # [B, NNZ]
    # scatter-add into output rows: y_T[m, b] = sum_{nnz: rows==m} contrib[b, nnz]
    y_T = jax.ops.segment_sum(contrib.T, rows, num_segments=M)  # [M, B]
    y = y_T.T                                          # [B, M]
    y = y + bias[None, :]
    return y

if __name__ == "__main__":
    import jax
    _d = setup_inputs()
    print(jax.jit(kernel)(*tuple(_d.values())))

</pallas_src>

<mosaic_0001>
#map = affine_map<(d0, d1) -> (0, 0)>
#map1 = affine_map<(d0, d1) -> (0)>
module attributes {stable_mosaic.version = 14 : i64} {
  func.func @kfn(%arg0: i32, %arg1: i32, %arg2: memref<32x16384xi32, #tpu.memory_space<hbm>>, %arg3: memref<270336xi32, #tpu.memory_space<hbm>>, %arg4: memref<270336xf32, #tpu.memory_space<hbm>>, %arg5: memref<16384xf32, #tpu.memory_space<hbm>>, %arg6: memref<64x16384xf32, #tpu.memory_space<hbm>>, %arg7: memref<16384xi32, #tpu.memory_space<vmem>>, %arg8: memref<16384xf32, #tpu.memory_space<vmem>>, %arg9: memref<16384xf32, #tpu.memory_space<vmem>>, %arg10: memref<4x1024xi32, #tpu.memory_space<vmem>>, %arg11: memref<4x1024xf32, #tpu.memory_space<vmem>>, %arg12: memref<!tpu.dma_semaphore, #tpu.memory_space<semaphore_mem>>, %arg13: memref<!tpu.dma_semaphore, #tpu.memory_space<semaphore_mem>>) attributes {dimension_semantics = [#tpu.dimension_semantics<core_parallel>, #tpu.dimension_semantics<subcore_parallel>], iteration_bounds = array<i64: 2, 16>, scalar_prefetch = 0 : i64, scratch_operands = 7 : i64, tpu.core_type = #tpu.core_type<sc_vector_subcore>, window_params = [{transform_indices = #map}, {transform_indices = #map1}, {transform_indices = #map1}, {transform_indices = #map1}, {transform_indices = #map}]} {
    %mul3A = arith.constant 2 : i32
    %mul3A_0 = arith.muli %arg1, %mul3A : i32
    %add3A = arith.addi %mul3A_0, %arg0 : i32
    %dma_start3A = arith.constant 0 : i32
    %dma_start3A_1 = tpu.memref_slice %arg2[%add3A, %dma_start3A] : memref<32x16384xi32, #tpu.memory_space<hbm>> -> memref<1x16384xi32, #tpu.memory_space<hbm>>
    %dma_start3A_2 = tpu.memref_squeeze %dma_start3A_1 : memref<1x16384xi32, #tpu.memory_space<hbm>> -> memref<16384xi32, #tpu.memory_space<hbm>>
    %dma_start3A_3 = arith.constant 0 : i32
    %dma_start3A_4 = tpu.memref_slice %arg2[%add3A, %dma_start3A_3] : memref<32x16384xi32, #tpu.memory_space<hbm>> -> memref<1x16384xi32, #tpu.memory_space<hbm>>
    %dma_start3A_5 = tpu.memref_squeeze %dma_start3A_4 : memref<1x16384xi32, #tpu.memory_space<hbm>> -> memref<16384xi32, #tpu.memory_space<hbm>>
    tpu.enqueue_dma source(%dma_start3A_5 : memref<16384xi32, #tpu.memory_space<hbm>>) target(%arg7 : memref<16384xi32, #tpu.memory_space<vmem>>) target_semaphore(%arg12 : memref<!tpu.dma_semaphore, #tpu.memory_space<semaphore_mem>>)
    tpu.enqueue_dma source(%arg5 : memref<16384xf32, #tpu.memory_space<hbm>>) target(%arg8 : memref<16384xf32, #tpu.memory_space<vmem>>) target_semaphore(%arg12 : memref<!tpu.dma_semaphore, #tpu.memory_space<semaphore_mem>>)
    tpu.enqueue_dma source(%arg5 : memref<16384xf32, #tpu.memory_space<hbm>>) target(%arg9 : memref<16384xf32, #tpu.memory_space<vmem>>) target_semaphore(%arg12 : memref<!tpu.dma_semaphore, #tpu.memory_space<semaphore_mem>>)
    %dma_start3A_6 = arith.constant 0 : i32
    %dma_start3A_7 = arith.constant 0 : i32
    %dma_start3A_8 = tpu.memref_slice %arg10[%dma_start3A_6, %dma_start3A_7] : memref<4x1024xi32, #tpu.memory_space<vmem>> -> memref<1x1024xi32, #tpu.memory_space<vmem>>
    %dma_start3A_9 = tpu.memref_squeeze %dma_start3A_8 : memref<1x1024xi32, #tpu.memory_space<vmem>> -> memref<1024xi32, #tpu.memory_space<vmem>>
    %dma_start3A_10 = arith.constant 0 : i32
    %dma_start3A_11 = tpu.memref_slice %arg3[%dma_start3A_10] : memref<270336xi32, #tpu.memory_space<hbm>> -> memref<1024xi32, #tpu.memory_space<hbm>>
    %dma_start3A_12 = arith.constant 0 : i32
    %dma_start3A_13 = tpu.memref_slice %arg10[%dma_start3A_6, %dma_start3A_12] : memref<4x1024xi32, #tpu.memory_space<vmem>> -> memref<1x1024xi32, #tpu.memory_space<vmem>>
    %dma_start3A_14 = tpu.memref_squeeze %dma_start3A_13 : memref<1x1024xi32, #tpu.memory_space<vmem>> -> memref<1024xi32, #tpu.memory_space<vmem>>
    %dma_start3A_15 = arith.constant 0 : i32
    %dma_start3A_16 = tpu.memref_slice %arg3[%dma_start3A_15] : memref<270336xi32, #tpu.memory_space<hbm>> -> memref<1024xi32, #tpu.memory_space<hbm>>
    tpu.enqueue_dma source(%dma_start3A_16 : memref<1024xi32, #tpu.memory_space<hbm>>) target(%dma_start3A_14 : memref<1024xi32, #tpu.memory_space<vmem>>) target_semaphore(%arg13 : memref<!tpu.dma_semaphore, #tpu.memory_space<semaphore_mem>>)
    %dma_start3A_17 = arith.constant 0 : i32
    %dma_start3A_18 = arith.constant 0 : i32
    %dma_start3A_19 = tpu.memref_slice %arg11[%dma_start3A_17, %dma_start3A_18] : memref<4x1024xf32, #tpu.memory_space<vmem>> -> memref<1x1024xf32, #tpu.memory_space<vmem>>
    %dma_start3A_20 = tpu.memref_squeeze %dma_start3A_19 : memref<1x1024xf32, #tpu.memory_space<vmem>> -> memref<1024xf32, #tpu.memory_space<vmem>>
    %dma_start3A_21 = arith.constant 0 : i32
    %dma_start3A_22 = tpu.memref_slice %arg4[%dma_start3A_21] : memref<270336xf32, #tpu.memory_space<hbm>> -> memref<1024xf32, #tpu.memory_space<hbm>>
    %dma_start3A_23 = arith.constant 0 : i32
    %dma_start3A_24 = tpu.memref_slice %arg11[%dma_start3A_17, %dma_start3A_23] : memref<4x1024xf32, #tpu.memory_space<vmem>> -> memref<1x1024xf32, #tpu.memory_space<vmem>>
    %dma_start3A_25 = tpu.memref_squeeze %dma_start3A_24 : memref<1x1024xf32, #tpu.memory_space<vmem>> -> memref<1024xf32, #tpu.memory_space<vmem>>
    %dma_start3A_26 = arith.constant 0 : i32
    %dma_start3A_27 = tpu.memref_slice %arg4[%dma_start3A_26] : memref<270336xf32, #tpu.memory_space<hbm>> -> memref<1024xf32, #tpu.memory_space<hbm>>
    tpu.enqueue_dma source(%dma_start3A_27 : memref<1024xf32, #tpu.memory_space<hbm>>) target(%dma_start3A_25 : memref<1024xf32, #tpu.memory_space<vmem>>) target_semaphore(%arg13 : memref<!tpu.dma_semaphore, #tpu.memory_space<semaphore_mem>>)
    %dma_start3A_28 = arith.constant 1 : i32
    %dma_start3A_29 = arith.constant 0 : i32
    %dma_start3A_30 = tpu.memref_slice %arg10[%dma_start3A_28, %dma_start3A_29] : memref<4x1024xi32, #tpu.memory_space<vmem>> -> memref<1x1024xi32, #tpu.memory_space<vmem>>
    %dma_start3A_31 = tpu.memref_squeeze %dma_start3A_30 : memref<1x1024xi32, #tpu.memory_space<vmem>> -> memref<1024xi32, #tpu.memory_space<vmem>>
    %dma_start3A_32 = arith.constant 1024 : i32
    %dma_start3A_33 = tpu.memref_slice %arg3[%dma_start3A_32] : memref<270336xi32, #tpu.memory_space<hbm>> -> memref<1024xi32, #tpu.memory_space<hbm>>
    %dma_start3A_34 = arith.constant 0 : i32
    %dma_start3A_35 = tpu.memref_slice %arg10[%dma_start3A_28, %dma_start3A_34] : memref<4x1024xi32, #tpu.memory_space<vmem>> -> memref<1x1024xi32, #tpu.memory_space<vmem>>
    %dma_start3A_36 = tpu.memref_squeeze %dma_start3A_35 : memref<1x1024xi32, #tpu.memory_space<vmem>> -> memref<1024xi32, #tpu.memory_space<vmem>>
    %dma_start3A_37 = arith.constant 1024 : i32
    %dma_start3A_38 = tpu.memref_slice %arg3[%dma_start3A_37] : memref<270336xi32, #tpu.memory_space<hbm>> -> memref<1024xi32, #tpu.memory_space<hbm>>
    tpu.enqueue_dma source(%dma_start3A_38 : memref<1024xi32, #tpu.memory_space<hbm>>) target(%dma_start3A_36 : memref<1024xi32, #tpu.memory_space<vmem>>) target_semaphore(%arg13 : memref<!tpu.dma_semaphore, #tpu.memory_space<semaphore_mem>>)
    %dma_start3A_39 = arith.constant 1 : i32
    %dma_start3A_40 = arith.constant 0 : i32
    %dma_start3A_41 = tpu.memref_slice %arg11[%dma_start3A_39, %dma_start3A_40] : memref<4x1024xf32, #tpu.memory_space<vmem>> -> memref<1x1024xf32, #tpu.memory_space<vmem>>
    %dma_start3A_42 = tpu.memref_squeeze %dma_start3A_41 : memref<1x1024xf32, #tpu.memory_space<vmem>> -> memref<1024xf32, #tpu.memory_space<vmem>>
    %dma_start3A_43 = arith.constant 1024 : i32
    %dma_start3A_44 = tpu.memref_slice %arg4[%dma_start3A_43] : memref<270336xf32, #tpu.memory_space<hbm>> -> memref<1024xf32, #tpu.memory_space<hbm>>
    %dma_start3A_45 = arith.constant 0 : i32
    %dma_start3A_46 = tpu.memref_slice %arg11[%dma_start3A_39, %dma_start3A_45] : memref<4x1024xf32, #tpu.memory_space<vmem>> -> memref<1x1024xf32, #tpu.memory_space<vmem>>
    %dma_start3A_47 = tpu.memref_squeeze %dma_start3A_46 : memref<1x1024xf32, #tpu.memory_space<vmem>> -> memref<1024xf32, #tpu.memory_space<vmem>>
    %dma_start3A_48 = arith.constant 1024 : i32
    %dma_start3A_49 = tpu.memref_slice %arg4[%dma_start3A_48] : memref<270336xf32, #tpu.memory_space<hbm>> -> memref<1024xf32, #tpu.memory_space<hbm>>
    tpu.enqueue_dma source(%dma_start3A_49 : memref<1024xf32, #tpu.memory_space<hbm>>) target(%dma_start3A_47 : memref<1024xf32, #tpu.memory_space<vmem>>) target_semaphore(%arg13 : memref<!tpu.dma_semaphore, #tpu.memory_space<semaphore_mem>>)
    %dma_start3A_50 = arith.constant 2 : i32
    %dma_start3A_51 = arith.constant 0 : i32
    %dma_start3A_52 = tpu.memref_slice %arg10[%dma_start3A_50, %dma_start3A_51] : memref<4x1024xi32, #tpu.memory_space<vmem>> -> memref<1x1024xi32, #tpu.memory_space<vmem>>
    %dma_start3A_53 = tpu.memref_squeeze %dma_start3A_52 : memref<1x1024xi32, #tpu.memory_space<vmem>> -> memref<1024xi32, #tpu.memory_space<vmem>>
    %dma_start3A_54 = arith.constant 2048 : i32
    %dma_start3A_55 = tpu.memref_slice %arg3[%dma_start3A_54] : memref<270336xi32, #tpu.memory_space<hbm>> -> memref<1024xi32, #tpu.memory_space<hbm>>
    %dma_start3A_56 = arith.constant 0 : i32
    %dma_start3A_57 = tpu.memref_slice %arg10[%dma_start3A_50, %dma_start3A_56] : memref<4x1024xi32, #tpu.memory_space<vmem>> -> memref<1x1024xi32, #tpu.memory_space<vmem>>
    %dma_start3A_58 = tpu.memref_squeeze %dma_start3A_57 : memref<1x1024xi32, #tpu.memory_space<vmem>> -> memref<1024xi32, #tpu.memory_space<vmem>>
    %dma_start3A_59 = arith.constant 2048 : i32
    %dma_start3A_60 = tpu.memref_slice %arg3[%dma_start3A_59] : memref<270336xi32, #tpu.memory_space<hbm>> -> memref<1024xi32, #tpu.memory_space<hbm>>
    tpu.enqueue_dma source(%dma_start3A_60 : memref<1024xi32, #tpu.memory_space<hbm>>) target(%dma_start3A_58 : memref<1024xi32, #tpu.memory_space<vmem>>) target_semaphore(%arg13 : memref<!tpu.dma_semaphore, #tpu.memory_space<semaphore_mem>>)
    %dma_start3A_61 = arith.constant 2 : i32
    %dma_start3A_62 = arith.constant 0 : i32
    %dma_start3A_63 = tpu.memref_slice %arg11[%dma_start3A_61, %dma_start3A_62] : memref<4x1024xf32, #tpu.memory_space<vmem>> -> memref<1x1024xf32, #tpu.memory_space<vmem>>
    %dma_start3A_64 = tpu.memref_squeeze %dma_start3A_63 : memref<1x1024xf32, #tpu.memory_space<vmem>> -> memref<1024xf32, #tpu.memory_space<vmem>>
    %dma_start3A_65 = arith.constant 2048 : i32
    %dma_start3A_66 = tpu.memref_slice %arg4[%dma_start3A_65] : memref<270336xf32, #tpu.memory_space<hbm>> -> memref<1024xf32, #tpu.memory_space<hbm>>
    %dma_start3A_67 = arith.constant 0 : i32
    %dma_start3A_68 = tpu.memref_slice %arg11[%dma_start3A_61, %dma_start3A_67] : memref<4x1024xf32, #tpu.memory_space<vmem>> -> memref<1x1024xf32, #tpu.memory_space<vmem>>
    %dma_start3A_69 = tpu.memref_squeeze %dma_start3A_68 : memref<1x1024xf32, #tpu.memory_space<vmem>> -> memref<1024xf32, #tpu.memory_space<vmem>>
    %dma_start3A_70 = arith.constant 2048 : i32
    %dma_start3A_71 = tpu.memref_slice %arg4[%dma_start3A_70] : memref<270336xf32, #tpu.memory_space<hbm>> -> memref<1024xf32, #tpu.memory_space<hbm>>
    tpu.enqueue_dma source(%dma_start3A_71 : memref<1024xf32, #tpu.memory_space<hbm>>) target(%dma_start3A_69 : memref<1024xf32, #tpu.memory_space<vmem>>) target_semaphore(%arg13 : memref<!tpu.dma_semaphore, #tpu.memory_space<semaphore_mem>>)
    %dma_start3A_72 = arith.constant 3 : i32
    %dma_start3A_73 = arith.constant 0 : i32
    %dma_start3A_74 = tpu.memref_slice %arg10[%dma_start3A_72, %dma_start3A_73] : memref<4x1024xi32, #tpu.memory_space<vmem>> -> memref<1x1024xi32, #tpu.memory_space<vmem>>
    %dma_start3A_75 = tpu.memref_squeeze %dma_start3A_74 : memref<1x1024xi32, #tpu.memory_space<vmem>> -> memref<1024xi32, #tpu.memory_space<vmem>>
    %dma_start3A_76 = arith.constant 3072 : i32
    %dma_start3A_77 = tpu.memref_slice %arg3[%dma_start3A_76] : memref<270336xi32, #tpu.memory_space<hbm>> -> memref<1024xi32, #tpu.memory_space<hbm>>
    %dma_start3A_78 = arith.constant 0 : i32
    %dma_start3A_79 = tpu.memref_slice %arg10[%dma_start3A_72, %dma_start3A_78] : memref<4x1024xi32, #tpu.memory_space<vmem>> -> memref<1x1024xi32, #tpu.memory_space<vmem>>
    %dma_start3A_80 = tpu.memref_squeeze %dma_start3A_79 : memref<1x1024xi32, #tpu.memory_space<vmem>> -> memref<1024xi32, #tpu.memory_space<vmem>>
    %dma_start3A_81 = arith.constant 3072 : i32
    %dma_start3A_82 = tpu.memref_slice %arg3[%dma_start3A_81] : memref<270336xi32, #tpu.memory_space<hbm>> -> memref<1024xi32, #tpu.memory_space<hbm>>
    tpu.enqueue_dma source(%dma_start3A_82 : memref<1024xi32, #tpu.memory_space<hbm>>) target(%dma_start3A_80 : memref<1024xi32, #tpu.memory_space<vmem>>) target_semaphore(%arg13 : memref<!tpu.dma_semaphore, #tpu.memory_space<semaphore_mem>>)
    %dma_start3A_83 = arith.constant 3 : i32
    %dma_start3A_84 = arith.constant 0 : i32
    %dma_start3A_85 = tpu.memref_slice %arg11[%dma_start3A_83, %dma_start3A_84] : memref<4x1024xf32, #tpu.memory_space<vmem>> -> memref<1x1024xf32, #tpu.memory_space<vmem>>
    %dma_start3A_86 = tpu.memref_squeeze %dma_start3A_85 : memref<1x1024xf32, #tpu.memory_space<vmem>> -> memref<1024xf32, #tpu.memory_space<vmem>>
    %dma_start3A_87 = arith.constant 3072 : i32
    %dma_start3A_88 = tpu.memref_slice %arg4[%dma_start3A_87] : memref<270336xf32, #tpu.memory_space<hbm>> -> memref<1024xf32, #tpu.memory_space<hbm>>
    %dma_start3A_89 = arith.constant 0 : i32
    %dma_start3A_90 = tpu.memref_slice %arg11[%dma_start3A_83, %dma_start3A_89] : memref<4x1024xf32, #tpu.memory_space<vmem>> -> memref<1x1024xf32, #tpu.memory_space<vmem>>
    %dma_start3A_91 = tpu.memref_squeeze %dma_start3A_90 : memref<1x1024xf32, #tpu.memory_space<vmem>> -> memref<1024xf32, #tpu.memory_space<vmem>>
    %dma_start3A_92 = arith.constant 3072 : i32
    %dma_start3A_93 = tpu.memref_slice %arg4[%dma_start3A_92] : memref<270336xf32, #tpu.memory_space<hbm>> -> memref<1024xf32, #tpu.memory_space<hbm>>
    tpu.enqueue_dma source(%dma_start3A_93 : memref<1024xf32, #tpu.memory_space<hbm>>) target(%dma_start3A_91 : memref<1024xf32, #tpu.memory_space<vmem>>) target_semaphore(%arg13 : memref<!tpu.dma_semaphore, #tpu.memory_space<semaphore_mem>>)
    %dma_wait3A = arith.constant 0 : i32
    %dma_wait3A_94 = tpu.memref_slice %arg2[%add3A, %dma_wait3A] : memref<32x16384xi32, #tpu.memory_space<hbm>> -> memref<1x16384xi32, #tpu.memory_space<hbm>>
    %dma_wait3A_95 = tpu.memref_squeeze %dma_wait3A_94 : memref<1x16384xi32, #tpu.memory_space<hbm>> -> memref<16384xi32, #tpu.memory_space<hbm>>
    %dma_wait3A_96 = arith.constant 0 : i32
    %dma_wait3A_97 = tpu.memref_slice %arg2[%add3A, %dma_wait3A_96] : memref<32x16384xi32, #tpu.memory_space<hbm>> -> memref<1x16384xi32, #tpu.memory_space<hbm>>
    %dma_wait3A_98 = tpu.memref_squeeze %dma_wait3A_97 : memref<1x16384xi32, #tpu.memory_space<hbm>> -> memref<16384xi32, #tpu.memory_space<hbm>>
    tpu.wait_dma2 semaphore(%arg12 : memref<!tpu.dma_semaphore, #tpu.memory_space<semaphore_mem>>) src(%dma_wait3A_98 : memref<16384xi32, #tpu.memory_space<hbm>>) dst(%arg7 : memref<16384xi32, #tpu.memory_space<vmem>>)
    tpu.wait_dma2 semaphore(%arg12 : memref<!tpu.dma_semaphore, #tpu.memory_space<semaphore_mem>>) src(%arg5 : memref<16384xf32, #tpu.memory_space<hbm>>) dst(%arg8 : memref<16384xf32, #tpu.memory_space<vmem>>)
    tpu.wait_dma2 semaphore(%arg12 : memref<!tpu.dma_semaphore, #tpu.memory_space<semaphore_mem>>) src(%arg5 : memref<16384xf32, #tpu.memory_space<hbm>>) dst(%arg9 : memref<16384xf32, #tpu.memory_space<vmem>>)
    %scan3A = arith.constant 0 : i32
    %scan3A_99 = arith.constant 0 : i32
    %scan3A_100 = arith.constant 66 : i32
    %scan3A_101 = arith.addi %scan3A_99, %scan3A_100 : i32
    %scan3A_102 = arith.constant 1 : i32
    %scan3A_103 = scf.for %scan3A_107 = %scan3A_99 to %scan3A_101 step %scan3A_102 iter_args(%scan3A_108 = %scan3A) -> (i32)  : i32 {
      %mul3A_109 = arith.constant 4 : i32
      %mul3A_110 = arith.muli %scan3A_107, %mul3A_109 : i32
      %add3A_111 = arith.constant 0 : i32
      %add3A_112 = arith.addi %mul3A_110, %add3A_111 : i32
      %mul3A_113 = arith.constant 1024 : i32
      %mul3A_114 = arith.muli %add3A_112, %mul3A_113 : i32
      %dma_wait3A_115 = arith.constant 0 : i32
      %dma_wait3A_116 = arith.constant 0 : i32
      %dma_wait3A_117 = tpu.memref_slice %arg10[%dma_wait3A_115, %dma_wait3A_116] : memref<4x1024xi32, #tpu.memory_space<vmem>> -> memref<1x1024xi32, #tpu.memory_space<vmem>>
      %dma_wait3A_118 = tpu.memref_squeeze %dma_wait3A_117 : memref<1x1024xi32, #tpu.memory_space<vmem>> -> memref<1024xi32, #tpu.memory_space<vmem>>
      %dma_wait3A_119 = tpu.memref_slice %arg3[%mul3A_114] : memref<270336xi32, #tpu.memory_space<hbm>> -> memref<1024xi32, #tpu.memory_space<hbm>>
      %dma_wait3A_120 = arith.constant 0 : i32
      %dma_wait3A_121 = tpu.memref_slice %arg10[%dma_wait3A_115, %dma_wait3A_120] : memref<4x1024xi32, #tpu.memory_space<vmem>> -> memref<1x1024xi32, #tpu.memory_space<vmem>>
      %dma_wait3A_122 = tpu.memref_squeeze %dma_wait3A_121 : memref<1x1024xi32, #tpu.memory_space<vmem>> -> memref<1024xi32, #tpu.memory_space<vmem>>
      %dma_wait3A_123 = tpu.memref_slice %arg3[%mul3A_114] : memref<270336xi32, #tpu.memory_space<hbm>> -> memref<1024xi32, #tpu.memory_space<hbm>>
      tpu.wait_dma2 semaphore(%arg13 : memref<!tpu.dma_semaphore, #tpu.memory_space<semaphore_mem>>) src(%dma_wait3A_123 : memref<1024xi32, #tpu.memory_space<hbm>>) dst(%dma_wait3A_122 : memref<1024xi32, #tpu.memory_space<vmem>>)
      %mul3A_124 = arith.constant 1024 : i32
      %mul3A_125 = arith.muli %add3A_112, %mul3A_124 : i32
      %dma_wait3A_126 = arith.constant 0 : i32
      %dma_wait3A_127 = arith.constant 0 : i32
      %dma_wait3A_128 = tpu.memref_slice %arg11[%dma_wait3A_126, %dma_wait3A_127] : memref<4x1024xf32, #tpu.memory_space<vmem>> -> memref<1x1024xf32, #tpu.memory_space<vmem>>
      %dma_wait3A_129 = tpu.memref_squeeze %dma_wait3A_128 : memref<1x1024xf32, #tpu.memory_space<vmem>> -> memref<1024xf32, #tpu.memory_space<vmem>>
      %dma_wait3A_130 = tpu.memref_slice %arg4[%mul3A_125] : memref<270336xf32, #tpu.memory_space<hbm>> -> memref<1024xf32, #tpu.memory_space<hbm>>
      %dma_wait3A_131 = arith.constant 0 : i32
      %dma_wait3A_132 = tpu.memref_slice %arg11[%dma_wait3A_126, %dma_wait3A_131] : memref<4x1024xf32, #tpu.memory_space<vmem>> -> memref<1x1024xf32, #tpu.memory_space<vmem>>
      %dma_wait3A_133 = tpu.memref_squeeze %dma_wait3A_132 : memref<1x1024xf32, #tpu.memory_space<vmem>> -> memref<1024xf32, #tpu.memory_space<vmem>>
      %dma_wait3A_134 = tpu.memref_slice %arg4[%mul3A_125] : memref<270336xf32, #tpu.memory_space<hbm>> -> memref<1024xf32, #tpu.memory_space<hbm>>
      tpu.wait_dma2 semaphore(%arg13 : memref<!tpu.dma_semaphore, #tpu.memory_space<semaphore_mem>>) src(%dma_wait3A_134 : memref<1024xf32, #tpu.memory_space<hbm>>) dst(%dma_wait3A_133 : memref<1024xf32, #tpu.memory_space<vmem>>)
      %scan3A_135 = arith.constant 0 : i32
      %scan3A_136 = arith.constant 0 : i32
      %scan3A_137 = arith.constant 8 : i32
      %scan3A_138 = arith.addi %scan3A_136, %scan3A_137 : i32
      %scan3A_139 = arith.constant 1 : i32
      %scan3A_140 = scf.for %scan3A_267 = %scan3A_136 to %scan3A_138 step %scan3A_139 iter_args(%scan3A_268 = %scan3A_135) -> (i32)  : i32 {
        %mul3A_269 = arith.constant 128 : i32
        %mul3A_270 = arith.muli %scan3A_267, %mul3A_269 : i32
        %add3A_271 = arith.constant 0 : i32
        %add3A_272 = arith.addi %mul3A_270, %add3A_271 : i32
        %get3A = arith.constant 0 : i32
        %get3A_273 = arith.index_cast %get3A : i32 to index
        %get3A_274 = arith.index_cast %add3A_272 : i32 to index
        %get3A_275 = tpu.vector_load %arg10[%get3A_273, %get3A_274] {strides = array<i32>} : memref<4x1024xi32, #tpu.memory_space<vmem>>, vector<16xi32>,
        %add3A_276 = arith.constant 16 : i32
        %add3A_277 = arith.addi %mul3A_270, %add3A_276 : i32
        %get3A_278 = arith.constant 0 : i32
        %get3A_279 = arith.index_cast %get3A_278 : i32 to index
        %get3A_280 = arith.index_cast %add3A_277 : i32 to index
        %get3A_281 = tpu.vector_load %arg10[%get3A_279, %get3A_280] {strides = array<i32>} : memref<4x1024xi32, #tpu.memory_space<vmem>>, vector<16xi32>,
        %add3A_282 = arith.constant 32 : i32
        %add3A_283 = arith.addi %mul3A_270, %add3A_282 : i32
        %get3A_284 = arith.constant 0 : i32
        %get3A_285 = arith.index_cast %get3A_284 : i32 to index
        %get3A_286 = arith.index_cast %add3A_283 : i32 to index
        %get3A_287 = tpu.vector_load %arg10[%get3A_285, %get3A_286] {strides = array<i32>} : memref<4x1024xi32, #tpu.memory_space<vmem>>, vector<16xi32>,
        %add3A_288 = arith.constant 48 : i32
        %add3A_289 = arith.addi %mul3A_270, %add3A_288 : i32
        %get3A_290 = arith.constant 0 : i32
        %get3A_291 = arith.index_cast %get3A_290 : i32 to index
        %get3A_292 = arith.index_cast %add3A_289 : i32 to index
        %get3A_293 = tpu.vector_load %arg10[%get3A_291, %get3A_292] {strides = array<i32>} : memref<4x1024xi32, #tpu.memory_space<vmem>>, vector<16xi32>,
        %add3A_294 = arith.constant 64 : i32
        %add3A_295 = arith.addi %mul3A_270, %add3A_294 : i32
        %get3A_296 = arith.constant 0 : i32
        %get3A_297 = arith.index_cast %get3A_296 : i32 to index
        %get3A_298 = arith.index_cast %add3A_295 : i32 to index
        %get3A_299 = tpu.vector_load %arg10[%get3A_297, %get3A_298] {strides = array<i32>} : memref<4x1024xi32, #tpu.memory_space<vmem>>, vector<16xi32>,
        %add3A_300 = arith.constant 80 : i32
        %add3A_301 = arith.addi %mul3A_270, %add3A_300 : i32
        %get3A_302 = arith.constant 0 : i32
        %get3A_303 = arith.index_cast %get3A_302 : i32 to index
        %get3A_304 = arith.index_cast %add3A_301 : i32 to index
        %get3A_305 = tpu.vector_load %arg10[%get3A_303, %get3A_304] {strides = array<i32>} : memref<4x1024xi32, #tpu.memory_space<vmem>>, vector<16xi32>,
        %add3A_306 = arith.constant 96 : i32
        %add3A_307 = arith.addi %mul3A_270, %add3A_306 : i32
        %get3A_308 = arith.constant 0 : i32
        %get3A_309 = arith.index_cast %get3A_308 : i32 to index
        %get3A_310 = arith.index_cast %add3A_307 : i32 to index
        %get3A_311 = tpu.vector_load %arg10[%get3A_309, %get3A_310] {strides = array<i32>} : memref<4x1024xi32, #tpu.memory_space<vmem>>, vector<16xi32>,
        %add3A_312 = arith.constant 112 : i32
        %add3A_313 = arith.addi %mul3A_270, %add3A_312 : i32
        %get3A_314 = arith.constant 0 : i32
        %get3A_315 = arith.index_cast %get3A_314 : i32 to index
        %get3A_316 = arith.index_cast %add3A_313 : i32 to index
        %get3A_317 = tpu.vector_load %arg10[%get3A_315, %get3A_316] {strides = array<i32>} : memref<4x1024xi32, #tpu.memory_space<vmem>>, vector<16xi32>,
        %add3A_318 = arith.constant 0 : i32
        %add3A_319 = arith.addi %mul3A_270, %add3A_318 : i32
        %get3A_320 = arith.constant 0 : i32
        %get3A_321 = arith.index_cast %get3A_320 : i32 to index
        %get3A_322 = arith.index_cast %add3A_319 : i32 to index
        %get3A_323 = tpu.vector_load %arg11[%get3A_321, %get3A_322] {strides = array<i32>} : memref<4x1024xf32, #tpu.memory_space<vmem>>, vector<16xf32>,
        %add3A_324 = arith.constant 16 : i32
        %add3A_325 = arith.addi %mul3A_270, %add3A_324 : i32
        %get3A_326 = arith.constant 0 : i32
        %get3A_327 = arith.index_cast %get3A_326 : i32 to index
        %get3A_328 = arith.index_cast %add3A_325 : i32 to index
        %get3A_329 = tpu.vector_load %arg11[%get3A_327, %get3A_328] {strides = array<i32>} : memref<4x1024xf32, #tpu.memory_space<vmem>>, vector<16xf32>,
        %add3A_330 = arith.constant 32 : i32
        %add3A_331 = arith.addi %mul3A_270, %add3A_330 : i32
        %get3A_332 = arith.constant 0 : i32
        %get3A_333 = arith.index_cast %get3A_332 : i32 to index
        %get3A_334 = arith.index_cast %add3A_331 : i32 to index
        %get3A_335 = tpu.vector_load %arg11[%get3A_333, %get3A_334] {strides = array<i32>} : memref<4x1024xf32, #tpu.memory_space<vmem>>, vector<16xf32>,
        %add3A_336 = arith.constant 48 : i32
        %add3A_337 = arith.addi %mul3A_270, %add3A_336 : i32
        %get3A_338 = arith.constant 0 : i32
        %get3A_339 = arith.index_cast %get3A_338 : i32 to index
        %get3A_340 = arith.index_cast %add3A_337 : i32 to index
        %get3A_341 = tpu.vector_load %arg11[%get3A_339, %get3A_340] {strides = array<i32>} : memref<4x1024xf32, #tpu.memory_space<vmem>>, vector<16xf32>,
        %add3A_342 = arith.constant 64 : i32
        %add3A_343 = arith.addi %mul3A_270, %add3A_342 : i32
        %get3A_344 = arith.constant 0 : i32
        %get3A_345 = arith.index_cast %get3A_344 : i32 to index
        %get3A_346 = arith.index_cast %add3A_343 : i32 to index
        %get3A_347 = tpu.vector_load %arg11[%get3A_345, %get3A_346] {strides = array<i32>} : memref<4x1024xf32, #tpu.memory_space<vmem>>, vector<16xf32>,
        %add3A_348 = arith.constant 80 : i32
        %add3A_349 = arith.addi %mul3A_270, %add3A_348 : i32
        %get3A_350 = arith.constant 0 : i32
        %get3A_351 = arith.index_cast %get3A_350 : i32 to index
        %get3A_352 = arith.index_cast %add3A_349 : i32 to index
        %get3A_353 = tpu.vector_load %arg11[%get3A_351, %get3A_352] {strides = array<i32>} : memref<4x1024xf32, #tpu.memory_space<vmem>>, vector<16xf32>,
        %add3A_354 = arith.constant 96 : i32
        %add3A_355 = arith.addi %mul3A_270, %add3A_354 : i32
        %get3A_356 = arith.constant 0 : i32
        %get3A_357 = arith.index_cast %get3A_356 : i32 to index
        %get3A_358 = arith.index_cast %add3A_355 : i32 to index
        %get3A_359 = tpu.vector_load %arg11[%get3A_357, %get3A_358] {strides = array<i32>} : memref<4x1024xf32, #tpu.memory_space<vmem>>, vector<16xf32>,
        %add3A_360 = arith.constant 112 : i32
        %add3A_361 = arith.addi %mul3A_270, %add3A_360 : i32
        %get3A_362 = arith.constant 0 : i32
        %get3A_363 = arith.index_cast %get3A_362 : i32 to index
        %get3A_364 = arith.index_cast %add3A_361 : i32 to index
        %get3A_365 = tpu.vector_load %arg11[%get3A_363, %get3A_364] {strides = array<i32>} : memref<4x1024xf32, #tpu.memory_space<vmem>>, vector<16xf32>,
        %and3A = arith.constant 65535 : i32
        %and3A_366 = vector.broadcast %and3A : i32 to vector<16xi32>
        %and3A_367 = arith.andi %get3A_275, %and3A_366 : vector<16xi32>
        %and3A_368 = arith.constant 65535 : i32
        %and3A_369 = vector.broadcast %and3A_368 : i32 to vector<16xi32>
        %and3A_370 = arith.andi %get3A_281, %and3A_369 : vector<16xi32>
        %and3A_371 = arith.constant 65535 : i32
        %and3A_372 = vector.broadcast %and3A_371 : i32 to vector<16xi32>
        %and3A_373 = arith.andi %get3A_287, %and3A_372 : vector<16xi32>
        %and3A_374 = arith.constant 65535 : i32
        %and3A_375 = vector.broadcast %and3A_374 : i32 to vector<16xi32>
        %and3A_376 = arith.andi %get3A_293, %and3A_375 : vector<16xi32>
        %and3A_377 = arith.constant 65535 : i32
        %and3A_378 = vector.broadcast %and3A_377 : i32 to vector<16xi32>
        %and3A_379 = arith.andi %get3A_299, %and3A_378 : vector<16xi32>
        %and3A_380 = arith.constant 65535 : i32
        %and3A_381 = vector.broadcast %and3A_380 : i32 to vector<16xi32>
        %and3A_382 = arith.andi %get3A_305, %and3A_381 : vector<16xi32>
        %and3A_383 = arith.constant 65535 : i32
        %and3A_384 = vector.broadcast %and3A_383 : i32 to vector<16xi32>
        %and3A_385 = arith.andi %get3A_311, %and3A_384 : vector<16xi32>
        %and3A_386 = arith.constant 65535 : i32
        %and3A_387 = vector.broadcast %and3A_386 : i32 to vector<16xi32>
        %and3A_388 = arith.andi %get3A_317, %and3A_387 : vector<16xi32>
        %shift_right_logical3A = arith.constant 16 : i32
        %shift_right_logical3A_389 = vector.broadcast %shift_right_logical3A : i32 to vector<16xi32>
        %shift_right_logical3A_390 = arith.shrui %get3A_275, %shift_right_logical3A_389 : vector<16xi32>
        %shift_right_logical3A_391 = arith.constant 16 : i32
        %shift_right_logical3A_392 = vector.broadcast %shift_right_logical3A_391 : i32 to vector<16xi32>
        %shift_right_logical3A_393 = arith.shrui %get3A_281, %shift_right_logical3A_392 : vector<16xi32>
        %shift_right_logical3A_394 = arith.constant 16 : i32
        %shift_right_logical3A_395 = vector.broadcast %shift_right_logical3A_394 : i32 to vector<16xi32>
        %shift_right_logical3A_396 = arith.shrui %get3A_287, %shift_right_logical3A_395 : vector<16xi32>
        %shift_right_logical3A_397 = arith.constant 16 : i32
        %shift_right_logical3A_398 = vector.broadcast %shift_right_logical3A_397 : i32 to vector<16xi32>
        %shift_right_logical3A_399 = arith.shrui %get3A_293, %shift_right_logical3A_398 : vector<16xi32>
        %shift_right_logical3A_400 = arith.constant 16 : i32
        %shift_right_logical3A_401 = vector.broadcast %shift_right_logical3A_400 : i32 to vector<16xi32>
        %shift_right_logical3A_402 = arith.shrui %get3A_299, %shift_right_logical3A_401 : vector<16xi32>
        %shift_right_logical3A_403 = arith.constant 16 : i32
        %shift_right_logical3A_404 = vector.broadcast %shift_right_logical3A_403 : i32 to vector<16xi32>
        %shift_right_logical3A_405 = arith.shrui %get3A_305, %shift_right_logical3A_404 : vector<16xi32>
        %shift_right_logical3A_406 = arith.constant 16 : i32
        %shift_right_logical3A_407 = vector.broadcast %shift_right_logical3A_406 : i32 to vector<16xi32>
        %shift_right_logical3A_408 = arith.shrui %get3A_311, %shift_right_logical3A_407 : vector<16xi32>
        %shift_right_logical3A_409 = arith.constant 16 : i32
        %shift_right_logical3A_410 = vector.broadcast %shift_right_logical3A_409 : i32 to vector<16xi32>
        %shift_right_logical3A_411 = arith.shrui %get3A_317, %shift_right_logical3A_410 : vector<16xi32>
        %gather3A = tpu.vector_load_idx %arg7[%and3A_367] : memref<16384xi32, #tpu.memory_space<vmem>>[vector<16xi32>], vector<16xi32>,
        %gather3A_412 = tpu.vector_load_idx %arg7[%and3A_370] : memref<16384xi32, #tpu.memory_space<vmem>>[vector<16xi32>], vector<16xi32>,
        %gather3A_413 = tpu.vector_load_idx %arg7[%and3A_373] : memref<16384xi32, #tpu.memory_space<vmem>>[vector<16xi32>], vector<16xi32>,
        %gather3A_414 = tpu.vector_load_idx %arg7[%and3A_376] : memref<16384xi32, #tpu.memory_space<vmem>>[vector<16xi32>], vector<16xi32>,
        %gather3A_415 = tpu.vector_load_idx %arg7[%and3A_379] : memref<16384xi32, #tpu.memory_space<vmem>>[vector<16xi32>], vector<16xi32>,
        %gather3A_416 = tpu.vector_load_idx %arg7[%and3A_382] : memref<16384xi32, #tpu.memory_space<vmem>>[vector<16xi32>], vector<16xi32>,
        %gather3A_417 = tpu.vector_load_idx %arg7[%and3A_385] : memref<16384xi32, #tpu.memory_space<vmem>>[vector<16xi32>], vector<16xi32>,
        %gather3A_418 = tpu.vector_load_idx %arg7[%and3A_388] : memref<16384xi32, #tpu.memory_space<vmem>>[vector<16xi32>], vector<16xi32>,
        %bitcast3A = vector.bitcast %gather3A : vector<16xi32> to vector<32xbf16>
        %unpack3A = tpu.unpack_subelements %bitcast3A, 0 {pack_format = #tpu.pack_format<interleaved>} : vector<32xbf16> -> vector<16xf32>
        %unpack3A_419 = tpu.unpack_subelements %bitcast3A, 1 {pack_format = #tpu.pack_format<interleaved>} : vector<32xbf16> -> vector<16xf32>
        %bitcast3A_420 = vector.bitcast %gather3A_412 : vector<16xi32> to vector<32xbf16>
        %unpack3A_421 = tpu.unpack_subelements %bitcast3A_420, 0 {pack_format = #tpu.pack_format<interleaved>} : vector<32xbf16> -> vector<16xf32>
        %unpack3A_422 = tpu.unpack_subelements %bitcast3A_420, 1 {pack_format = #tpu.pack_format<interleaved>} : vector<32xbf16> -> vector<16xf32>
        %bitcast3A_423 = vector.bitcast %gather3A_413 : vector<16xi32> to vector<32xbf16>
        %unpack3A_424 = tpu.unpack_subelements %bitcast3A_423, 0 {pack_format = #tpu.pack_format<interleaved>} : vector<32xbf16> -> vector<16xf32>
        %unpack3A_425 = tpu.unpack_subelements %bitcast3A_423, 1 {pack_format = #tpu.pack_format<interleaved>} : vector<32xbf16> -> vector<16xf32>
        %bitcast3A_426 = vector.bitcast %gather3A_414 : vector<16xi32> to vector<32xbf16>
        %unpack3A_427 = tpu.unpack_subelements %bitcast3A_426, 0 {pack_format = #tpu.pack_format<interleaved>} : vector<32xbf16> -> vector<16xf32>
        %unpack3A_428 = tpu.unpack_subelements %bitcast3A_426, 1 {pack_format = #tpu.pack_format<interleaved>} : vector<32xbf16> -> vector<16xf32>
        %bitcast3A_429 = vector.bitcast %gather3A_415 : vector<16xi32> to vector<32xbf16>
        %unpack3A_430 = tpu.unpack_subelements %bitcast3A_429, 0 {pack_format = #tpu.pack_format<interleaved>} : vector<32xbf16> -> vector<16xf32>
        %unpack3A_431 = tpu.unpack_subelements %bitcast3A_429, 1 {pack_format = #tpu.pack_format<interleaved>} : vector<32xbf16> -> vector<16xf32>
        %bitcast3A_432 = vector.bitcast %gather3A_416 : vector<16xi32> to vector<32xbf16>
        %unpack3A_433 = tpu.unpack_subelements %bitcast3A_432, 0 {pack_format = #tpu.pack_format<interleaved>} : vector<32xbf16> -> vector<16xf32>
        %unpack3A_434 = tpu.unpack_subelements %bitcast3A_432, 1 {pack_format = #tpu.pack_format<interleaved>} : vector<32xbf16> -> vector<16xf32>
        %bitcast3A_435 = vector.bitcast %gather3A_417 : vector<16xi32> to vector<32xbf16>
        %unpack3A_436 = tpu.unpack_subelements %bitcast3A_435, 0 {pack_format = #tpu.pack_format<interleaved>} : vector<32xbf16> -> vector<16xf32>
        %unpack3A_437 = tpu.unpack_subelements %bitcast3A_435, 1 {pack_format = #tpu.pack_format<interleaved>} : vector<32xbf16> -> vector<16xf32>
        %bitcast3A_438 = vector.bitcast %gather3A_418 : vector<16xi32> to vector<32xbf16>
        %unpack3A_439 = tpu.unpack_subelements %bitcast3A_438, 0 {pack_format = #tpu.pack_format<interleaved>} : vector<32xbf16> -> vector<16xf32>
        %unpack3A_440 = tpu.unpack_subelements %bitcast3A_438, 1 {pack_format = #tpu.pack_format<interleaved>} : vector<32xbf16> -> vector<16xf32>
        %mul3A_441 = arith.mulf %unpack3A, %get3A_323 : vector<16xf32>
        tpu.vector_store_idx %arg8[%shift_right_logical3A_390], %mul3A_441 {add = true} : memref<16384xf32, #tpu.memory_space<vmem>>[vector<16xi32>], vector<16xf32>,
        %mul3A_442 = arith.mulf %unpack3A_419, %get3A_323 : vector<16xf32>
        tpu.vector_store_idx %arg9[%shift_right_logical3A_390], %mul3A_442 {add = true} : memref<16384xf32, #tpu.memory_space<vmem>>[vector<16xi32>], vector<16xf32>,
        %mul3A_443 = arith.mulf %unpack3A_421, %get3A_329 : vector<16xf32>
        tpu.vector_store_idx %arg8[%shift_right_logical3A_393], %mul3A_443 {add = true} : memref<16384xf32, #tpu.memory_space<vmem>>[vector<16xi32>], vector<16xf32>,
        %mul3A_444 = arith.mulf %unpack3A_422, %get3A_329 : vector<16xf32>
        tpu.vector_store_idx %arg9[%shift_right_logical3A_393], %mul3A_444 {add = true} : memref<16384xf32, #tpu.memory_space<vmem>>[vector<16xi32>], vector<16xf32>,
        %mul3A_445 = arith.mulf %unpack3A_424, %get3A_335 : vector<16xf32>
        tpu.vector_store_idx %arg8[%shift_right_logical3A_396], %mul3A_445 {add = true} : memref<16384xf32, #tpu.memory_space<vmem>>[vector<16xi32>], vector<16xf32>,
        %mul3A_446 = arith.mulf %unpack3A_425, %get3A_335 : vector<16xf32>
        tpu.vector_store_idx %arg9[%shift_right_logical3A_396], %mul3A_446 {add = true} : memref<16384xf32, #tpu.memory_space<vmem>>[vector<16xi32>], vector<16xf32>,
        %mul3A_447 = arith.mulf %unpack3A_427, %get3A_341 : vector<16xf32>
        tpu.vector_store_idx %arg8[%shift_right_logical3A_399], %mul3A_447 {add = true} : memref<16384xf32, #tpu.memory_space<vmem>>[vector<16xi32>], vector<16xf32>,
        %mul3A_448 = arith.mulf %unpack3A_428, %get3A_341 : vector<16xf32>
        tpu.vector_store_idx %arg9[%shift_right_logical3A_399], %mul3A_448 {add = true} : memref<16384xf32, #tpu.memory_space<vmem>>[vector<16xi32>], vector<16xf32>,
        %mul3A_449 = arith.mulf %unpack3A_430, %get3A_347 : vector<16xf32>
        tpu.vector_store_idx %arg8[%shift_right_logical3A_402], %mul3A_449 {add = true} : memref<16384xf32, #tpu.memory_space<vmem>>[vector<16xi32>], vector<16xf32>,
        %mul3A_450 = arith.mulf %unpack3A_431, %get3A_347 : vector<16xf32>
        tpu.vector_store_idx %arg9[%shift_right_logical3A_402], %mul3A_450 {add = true} : memref<16384xf32, #tpu.memory_space<vmem>>[vector<16xi32>], vector<16xf32>,
        %mul3A_451 = arith.mulf %unpack3A_433, %get3A_353 : vector<16xf32>
        tpu.vector_store_idx %arg8[%shift_right_logical3A_405], %mul3A_451 {add = true} : memref<16384xf32, #tpu.memory_space<vmem>>[vector<16xi32>], vector<16xf32>,
        %mul3A_452 = arith.mulf %unpack3A_434, %get3A_353 : vector<16xf32>
        tpu.vector_store_idx %arg9[%shift_right_logical3A_405], %mul3A_452 {add = true} : memref<16384xf32, #tpu.memory_space<vmem>>[vector<16xi32>], vector<16xf32>,
        %mul3A_453 = arith.mulf %unpack3A_436, %get3A_359 : vector<16xf32>
        tpu.vector_store_idx %arg8[%shift_right_logical3A_408], %mul3A_453 {add = true} : memref<16384xf32, #tpu.memory_space<vmem>>[vector<16xi32>], vector<16xf32>,
        %mul3A_454 = arith.mulf %unpack3A_437, %get3A_359 : vector<16xf32>
        tpu.vector_store_idx %arg9[%shift_right_logical3A_408], %mul3A_454 {add = true} : memref<16384xf32, #tpu.memory_space<vmem>>[vector<16xi32>], vector<16xf32>,
        %mul3A_455 = arith.mulf %unpack3A_439, %get3A_365 : vector<16xf32>
        tpu.vector_store_idx %arg8[%shift_right_logical3A_411], %mul3A_455 {add = true} : memref<16384xf32, #tpu.memory_space<vmem>>[vector<16xi32>], vector<16xf32>,
        %mul3A_456 = arith.mulf %unpack3A_440, %get3A_365 : vector<16xf32>
        tpu.vector_store_idx %arg9[%shift_right_logical3A_411], %mul3A_456 {add = true} : memref<16384xf32, #tpu.memory_space<vmem>>[vector<16xi32>], vector<16xf32>,
        %scan3A_457 = arith.constant 0 : i32
        scf.yield %scan3A_457 : i32
      }
      %scan3A_141 = arith.constant 8 : i32
      %add3A_142 = arith.constant 4 : i32
      %add3A_143 = arith.addi %add3A_112, %add3A_142 : i32
      %lt3A = arith.constant 264 : i32
      %lt3A_144 = arith.cmpi slt, %add3A_143, %lt3A : i32
      %convert_element_type3A = arith.extui %lt3A_144 : i1 to i32
      %cond3A = arith.constant 0 : i32
      %cond3A_145 = arith.cmpi ne, %convert_element_type3A, %cond3A : i32
      scf.if %cond3A_145 {
        %add3A_267 = arith.constant 4 : i32
        %add3A_268 = arith.addi %add3A_112, %add3A_267 : i32
        %mul3A_269 = arith.constant 1024 : i32
        %mul3A_270 = arith.muli %add3A_268, %mul3A_269 : i32
        %dma_start3A_271 = arith.constant 0 : i32
        %dma_start3A_272 = arith.constant 0 : i32
        %dma_start3A_273 = tpu.memref_slice %arg10[%dma_start3A_271, %dma_start3A_272] : memref<4x1024xi32, #tpu.memory_space<vmem>> -> memref<1x1024xi32, #tpu.memory_space<vmem>>
        %dma_start3A_274 = tpu.memref_squeeze %dma_start3A_273 : memref<1x1024xi32, #tpu.memory_space<vmem>> -> memref<1024xi32, #tpu.memory_space<vmem>>
        %dma_start3A_275 = tpu.memref_slice %arg3[%mul3A_270] : memref<270336xi32, #tpu.memory_space<hbm>> -> memref<1024xi32, #tpu.memory_space<hbm>>
        %dma_start3A_276 = arith.constant 0 : i32
        %dma_start3A_277 = tpu.memref_slice %arg10[%dma_start3A_271, %dma_start3A_276] : memref<4x1024xi32, #tpu.memory_space<vmem>> -> memref<1x1024xi32, #tpu.memory_space<vmem>>
        %dma_start3A_278 = tpu.memref_squeeze %dma_start3A_277 : memref<1x1024xi32, #tpu.memory_space<vmem>> -> memref<1024xi32, #tpu.memory_space<vmem>>
        %dma_start3A_279 = tpu.memref_slice %arg3[%mul3A_270] : memref<270336xi32, #tpu.memory_space<hbm>> -> memref<1024xi32, #tpu.memory_space<hbm>>
        tpu.enqueue_dma source(%dma_start3A_279 : memref<1024xi32, #tpu.memory_space<hbm>>) target(%dma_start3A_278 : memref<1024xi32, #tpu.memory_space<vmem>>) target_semaphore(%arg13 : memref<!tpu.dma_semaphore, #tpu.memory_space<semaphore_mem>>)
        %mul3A_280 = arith.constant 1024 : i32
        %mul3A_281 = arith.muli %add3A_268, %mul3A_280 : i32
        %dma_start3A_282 = arith.constant 0 : i32
        %dma_start3A_283 = arith.constant 0 : i32
        %dma_start3A_284 = tpu.memref_slice %arg11[%dma_start3A_282, %dma_start3A_283] : memref<4x1024xf32, #tpu.memory_space<vmem>> -> memref<1x1024xf32, #tpu.memory_space<vmem>>
        %dma_start3A_285 = tpu.memref_squeeze %dma_start3A_284 : memref<1x1024xf32, #tpu.memory_space<vmem>> -> memref<1024xf32, #tpu.memory_space<vmem>>
        %dma_start3A_286 = tpu.memref_slice %arg4[%mul3A_281] : memref<270336xf32, #tpu.memory_space<hbm>> -> memref<1024xf32, #tpu.memory_space<hbm>>
        %dma_start3A_287 = arith.constant 0 : i32
        %dma_start3A_288 = tpu.memref_slice %arg11[%dma_start3A_282, %dma_start3A_287] : memref<4x1024xf32, #tpu.memory_space<vmem>> -> memref<1x1024xf32, #tpu.memory_space<vmem>>
        %dma_start3A_289 = tpu.memref_squeeze %dma_start3A_288 : memref<1x1024xf32, #tpu.memory_space<vmem>> -> memref<1024xf32, #tpu.memory_space<vmem>>
        %dma_start3A_290 = tpu.memref_slice %arg4[%mul3A_281] : memref<270336xf32, #tpu.memory_space<hbm>> -> memref<1024xf32, #tpu.memory_space<hbm>>
        tpu.enqueue_dma source(%dma_start3A_290 : memref<1024xf32, #tpu.memory_space<hbm>>) target(%dma_start3A_289 : memref<1024xf32, #tpu.memory_space<vmem>>) target_semaphore(%arg13 : memref<!tpu.dma_semaphore, #tpu.memory_space<semaphore_mem>>)
      } else {
      }
      %mul3A_146 = arith.constant 4 : i32
      %mul3A_147 = arith.muli %scan3A_107, %mul3A_146 : i32
      %add3A_148 = arith.constant 1 : i32
      %add3A_149 = arith.addi %mul3A_147, %add3A_148 : i32
      %mul3A_150 = arith.constant 1024 : i32
      %mul3A_151 = arith.muli %add3A_149, %mul3A_150 : i32
      %dma_wait3A_152 = arith.constant 1 : i32
      %dma_wait3A_153 = arith.constant 0 : i32
      %dma_wait3A_154 = tpu.memref_slice %arg10[%dma_wait3A_152, %dma_wait3A_153] : memref<4x1024xi32, #tpu.memory_space<vmem>> -> memref<1x1024xi32, #tpu.memory_space<vmem>>
      %dma_wait3A_155 = tpu.memref_squeeze %dma_wait3A_154 : memref<1x1024xi32, #tpu.memory_space<vmem>> -> memref<1024xi32, #tpu.memory_space<vmem>>
      %dma_wait3A_156 = tpu.memref_slice %arg3[%mul3A_151] : memref<270336xi32, #tpu.memory_space<hbm>> -> memref<1024xi32, #tpu.memory_space<hbm>>
      %dma_wait3A_157 = arith.constant 0 : i32
      %dma_wait3A_158 = tpu.memref_slice %arg10[%dma_wait3A_152, %dma_wait3A_157] : memref<4x1024xi32, #tpu.memory_space<vmem>> -> memref<1x1024xi32, #tpu.memory_space<vmem>>
      %dma_wait3A_159 = tpu.memref_squeeze %dma_wait3A_158 : memref<1x1024xi32, #tpu.memory_space<vmem>> -> memref<1024xi32, #tpu.memory_space<vmem>>
      %dma_wait3A_160 = tpu.memref_slice %arg3[%mul3A_151] : memref<270336xi32, #tpu.memory_space<hbm>> -> memref<1024xi32, #tpu.memory_space<hbm>>
      tpu.wait_dma2 semaphore(%arg13 : memref<!tpu.dma_semaphore, #tpu.memory_space<semaphore_mem>>) src(%dma_wait3A_160 : memref<1024xi32, #tpu.memory_space<hbm>>) dst(%dma_wait3A_159 : memref<1024xi32, #tpu.memory_space<vmem>>)
      %mul3A_161 = arith.constant 1024 : i32
      %mul3A_162 = arith.muli %add3A_149, %mul3A_161 : i32
      %dma_wait3A_163 = arith.constant 1 : i32
      %dma_wait3A_164 = arith.constant 0 : i32
      %dma_wait3A_165 = tpu.memref_slice %arg11[%dma_wait3A_163, %dma_wait3A_164] : memref<4x1024xf32, #tpu.memory_space<vmem>> -> memref<1x1024xf32, #tpu.memory_space<vmem>>
      %dma_wait3A_166 = tpu.memref_squeeze %dma_wait3A_165 : memref<1x1024xf32, #tpu.memory_space<vmem>> -> memref<1024xf32, #tpu.memory_space<vmem>>
      %dma_wait3A_167 = tpu.memref_slice %arg4[%mul3A_162] : memref<270336xf32, #tpu.memory_space<hbm>> -> memref<1024xf32, #tpu.memory_space<hbm>>
      %dma_wait3A_168 = arith.constant 0 : i32
      %dma_wait3A_169 = tpu.memref_slice %arg11[%dma_wait3A_163, %dma_wait3A_168] : memref<4x1024xf32, #tpu.memory_space<vmem>> -> memref<1x1024xf32, #tpu.memory_space<vmem>>
      %dma_wait3A_170 = tpu.memref_squeeze %dma_wait3A_169 : memref<1x1024xf32, #tpu.memory_space<vmem>> -> memref<1024xf32, #tpu.memory_space<vmem>>
      %dma_wait3A_171 = tpu.memref_slice %arg4[%mul3A_162] : memref<270336xf32, #tpu.memory_space<hbm>> -> memref<1024xf32, #tpu.memory_space<hbm>>
      tpu.wait_dma2 semaphore(%arg13 : memref<!tpu.dma_semaphore, #tpu.memory_space<semaphore_mem>>) src(%dma_wait3A_171 : memref<1024xf32, #tpu.memory_space<hbm>>) dst(%dma_wait3A_170 : memref<1024xf32, #tpu.memory_space<vmem>>)
      %scan3A_172 = arith.constant 0 : i32
      %scan3A_173 = arith.constant 0 : i32
      %scan3A_174 = arith.constant 8 : i32
      %scan3A_175 = arith.addi %scan3A_173, %scan3A_174 : i32
      %scan3A_176 = arith.constant 1 : i32
      %scan3A_177 = scf.for %scan3A_267 = %scan3A_173 to %scan3A_175 step %scan3A_176 iter_args(%scan3A_268 = %scan3A_172) -> (i32)  : i32 {
        %mul3A_269 = arith.constant 128 : i32
        %mul3A_270 = arith.muli %scan3A_267, %mul3A_269 : i32
        %add3A_271 = arith.constant 0 : i32
        %add3A_272 = arith.addi %mul3A_270, %add3A_271 : i32
        %get3A = arith.constant 1 : i32
        %get3A_273 = arith.index_cast %get3A : i32 to index
        %get3A_274 = arith.index_cast %add3A_272 : i32 to index
        %get3A_275 = tpu.vector_load %arg10[%get3A_273, %get3A_274] {strides = array<i32>} : memref<4x1024xi32, #tpu.memory_space<vmem>>, vector<16xi32>,
        %add3A_276 = arith.constant 16 : i32
        %add3A_277 = arith.addi %mul3A_270, %add3A_276 : i32
        %get3A_278 = arith.constant 1 : i32
        %get3A_279 = arith.index_cast %get3A_278 : i32 to index
        %get3A_280 = arith.index_cast %add3A_277 : i32 to index
        %get3A_281 = tpu.vector_load %arg10[%get3A_279, %get3A_280] {strides = array<i32>} : memref<4x1024xi32, #tpu.memory_space<vmem>>, vector<16xi32>,
        %add3A_282 = arith.constant 32 : i32
        %add3A_283 = arith.addi %mul3A_270, %add3A_282 : i32
        %get3A_284 = arith.constant 1 : i32
        %get3A_285 = arith.index_cast %get3A_284 : i32 to index
        %get3A_286 = arith.index_cast %add3A_283 : i32 to index
        %get3A_287 = tpu.vector_load %arg10[%get3A_285, %get3A_286] {strides = array<i32>} : memref<4x1024xi32, #tpu.memory_space<vmem>>, vector<16xi32>,
        %add3A_288 = arith.constant 48 : i32
        %add3A_289 = arith.addi %mul3A_270, %add3A_288 : i32
        %get3A_290 = arith.constant 1 : i32
        %get3A_291 = arith.index_cast %get3A_290 : i32 to index
        %get3A_292 = arith.index_cast %add3A_289 : i32 to index
        %get3A_293 = tpu.vector_load %arg10[%get3A_291, %get3A_292] {strides = array<i32>} : memref<4x1024xi32, #tpu.memory_space<vmem>>, vector<16xi32>,
        %add3A_294 = arith.constant 64 : i32
        %add3A_295 = arith.addi %mul3A_270, %add3A_294 : i32
        %get3A_296 = arith.constant 1 : i32
        %get3A_297 = arith.index_cast %get3A_296 : i32 to index
        %get3A_298 = arith.index_cast %add3A_295 : i32 to index
        %get3A_299 = tpu.vector_load %arg10[%get3A_297, %get3A_298] {strides = array<i32>} : memref<4x1024xi32, #tpu.memory_space<vmem>>, vector<16xi32>,
        %add3A_300 = arith.constant 80 : i32
        %add3A_301 = arith.addi %mul3A_270, %add3A_300 : i32
        %get3A_302 = arith.constant 1 : i32
        %get3A_303 = arith.index_cast %get3A_302 : i32 to index
        %get3A_304 = arith.index_cast %add3A_301 : i32 to index
        %get3A_305 = tpu.vector_load %arg10[%get3A_303, %get3A_304] {strides = array<i32>} : memref<4x1024xi32, #tpu.memory_space<vmem>>, vector<16xi32>,
        %add3A_306 = arith.constant 96 : i32
        %add3A_307 = arith.addi %mul3A_270, %add3A_306 : i32
        %get3A_308 = arith.constant 1 : i32
        %get3A_309 = arith.index_cast %get3A_308 : i32 to index
        %get3A_310 = arith.index_cast %add3A_307 : i32 to index
        %get3A_311 = tpu.vector_load %arg10[%get3A_309, %get3A_310] {strides = array<i32>} : memref<4x1024xi32, #tpu.memory_space<vmem>>, vector<16xi32>,
        %add3A_312 = arith.constant 112 : i32
        %add3A_313 = arith.addi %mul3A_270, %add3A_312 : i32
        %get3A_314 = arith.constant 1 : i32
        %get3A_315 = arith.index_cast %get3A_314 : i32 to index
        %get3A_316 = arith.index_cast %add3A_313 : i32 to index
        %get3A_317 = tpu.vector_load %arg10[%get3A_315, %get3A_316] {strides = array<i32>} : memref<4x1024xi32, #tpu.memory_space<vmem>>, vector<16xi32>,
        %add3A_318 = arith.constant 0 : i32
        %add3A_319 = arith.addi %mul3A_270, %add3A_318 : i32
        %get3A_320 = arith.constant 1 : i32
        %get3A_321 = arith.index_cast %get3A_320 : i32 to index
        %get3A_322 = arith.index_cast %add3A_319 : i32 to index
        %get3A_323 = tpu.vector_load %arg11[%get3A_321, %get3A_322] {strides = array<i32>} : memref<4x1024xf32, #tpu.memory_space<vmem>>, vector<16xf32>,
        %add3A_324 = arith.constant 16 : i32
        %add3A_325 = arith.addi %mul3A_270, %add3A_324 : i32
        %get3A_326 = arith.constant 1 : i32
        %get3A_327 = arith.index_cast %get3A_326 : i32 to index
        %get3A_328 = arith.index_cast %add3A_325 : i32 to index
        %get3A_329 = tpu.vector_load %arg11[%get3A_327, %get3A_328] {strides = array<i32>} : memref<4x1024xf32, #tpu.memory_space<vmem>>, vector<16xf32>,
        %add3A_330 = arith.constant 32 : i32
        %add3A_331 = arith.addi %mul3A_270, %add3A_330 : i32
        %get3A_332 = arith.constant 1 : i32
        %get3A_333 = arith.index_cast %get3A_332 : i32 to index
        %get3A_334 = arith.index_cast %add3A_331 : i32 to index
        %get3A_335 = tpu.vector_load %arg11[%get3A_333, %get3A_334] {strides = array<i32>} : memref<4x1024xf32, #tpu.memory_space<vmem>>, vector<16xf32>,
        %add3A_336 = arith.constant 48 : i32
        %add3A_337 = arith.addi %mul3A_270, %add3A_336 : i32
        %get3A_338 = arith.constant 1 : i32
        %get3A_339 = arith.index_cast %get3A_338 : i32 to index
        %get3A_340 = arith.index_cast %add3A_337 : i32 to index
        %get3A_341 = tpu.vector_load %arg11[%get3A_339, %get3A_340] {strides = array<i32>} : memref<4x1024xf32, #tpu.memory_space<vmem>>, vector<16xf32>,
        %add3A_342 = arith.constant 64 : i32
        %add3A_343 = arith.addi %mul3A_270, %add3A_342 : i32
        %get3A_344 = arith.constant 1 : i32
        %get3A_345 = arith.index_cast %get3A_344 : i32 to index
        %get3A_346 = arith.index_cast %add3A_343 : i32 to index
        %get3A_347 = tpu.vector_load %arg11[%get3A_345, %get3A_346] {strides = array<i32>} : memref<4x1024xf32, #tpu.memory_space<vmem>>, vector<16xf32>,
        %add3A_348 = arith.constant 80 : i32
        %add3A_349 = arith.addi %mul3A_270, %add3A_348 : i32
        %get3A_350 = arith.constant 1 : i32
        %get3A_351 = arith.index_cast %get3A_350 : i32 to index
        %get3A_352 = arith.index_cast %add3A_349 : i32 to index
        %get3A_353 = tpu.vector_load %arg11[%get3A_351, %get3A_352] {strides = array<i32>} : memref<4x1024xf32, #tpu.memory_space<vmem>>, vector<16xf32>,
        %add3A_354 = arith.constant 96 : i32
        %add3A_355 = arith.addi %mul3A_270, %add3A_354 : i32
        %get3A_356 = arith.constant 1 : i32
        %get3A_357 = arith.index_cast %get3A_356 : i32 to index
        %get3A_358 = arith.index_cast %add3A_355 : i32 to index
        %get3A_359 = tpu.vector_load %arg11[%get3A_357, %get3A_358] {strides = array<i32>} : memref<4x1024xf32, #tpu.memory_space<vmem>>, vector<16xf32>,
        %add3A_360 = arith.constant 112 : i32
        %add3A_361 = arith.addi %mul3A_270, %add3A_360 : i32
        %get3A_362 = arith.constant 1 : i32
        %get3A_363 = arith.index_cast %get3A_362 : i32 to index
        %get3A_364 = arith.index_cast %add3A_361 : i32 to index
        %get3A_365 = tpu.vector_load %arg11[%get3A_363, %get3A_364] {strides = array<i32>} : memref<4x1024xf32, #tpu.memory_space<vmem>>, vector<16xf32>,
        %and3A = arith.constant 65535 : i32
        %and3A_366 = vector.broadcast %and3A : i32 to vector<16xi32>
        %and3A_367 = arith.andi %get3A_275, %and3A_366 : vector<16xi32>
        %and3A_368 = arith.constant 65535 : i32
        %and3A_369 = vector.broadcast %and3A_368 : i32 to vector<16xi32>
        %and3A_370 = arith.andi %get3A_281, %and3A_369 : vector<16xi32>
        %and3A_371 = arith.constant 65535 : i32
        %and3A_372 = vector.broadcast %and3A_371 : i32 to vector<16xi32>
        %and3A_373 = arith.andi %get3A_287, %and3A_372 : vector<16xi32>
        %and3A_374 = arith.constant 65535 : i32
        %and3A_375 = vector.broadcast %and3A_374 : i32 to vector<16xi32>
        %and3A_376 = arith.andi %get3A_293, %and3A_375 : vector<16xi32>
        %and3A_377 = arith.constant 65535 : i32
        %and3A_378 = vector.broadcast %and3A_377 : i32 to vector<16xi32>
        %and3A_379 = arith.andi %get3A_299, %and3A_378 : vector<16xi32>
        %and3A_380 = arith.constant 65535 : i32
        %and3A_381 = vector.broadcast %and3A_380 : i32 to vector<16xi32>
        %and3A_382 = arith.andi %get3A_305, %and3A_381 : vector<16xi32>
        %and3A_383 = arith.constant 65535 : i32
        %and3A_384 = vector.broadcast %and3A_383 : i32 to vector<16xi32>
        %and3A_385 = arith.andi %get3A_311, %and3A_384 : vector<16xi32>
        %and3A_386 = arith.constant 65535 : i32
        %and3A_387 = vector.broadcast %and3A_386 : i32 to vector<16xi32>
        %and3A_388 = arith.andi %get3A_317, %and3A_387 : vector<16xi32>
        %shift_right_logical3A = arith.constant 16 : i32
        %shift_right_logical3A_389 = vector.broadcast %shift_right_logical3A : i32 to vector<16xi32>
        %shift_right_logical3A_390 = arith.shrui %get3A_275, %shift_right_logical3A_389 : vector<16xi32>
        %shift_right_logical3A_391 = arith.constant 16 : i32
        %shift_right_logical3A_392 = vector.broadcast %shift_right_logical3A_391 : i32 to vector<16xi32>
        %shift_right_logical3A_393 = arith.shrui %get3A_281, %shift_right_logical3A_392 : vector<16xi32>
        %shift_right_logical3A_394 = arith.constant 16 : i32
        %shift_right_logical3A_395 = vector.broadcast %shift_right_logical3A_394 : i32 to vector<16xi32>
        %shift_right_logical3A_396 = arith.shrui %get3A_287, %shift_right_logical3A_395 : vector<16xi32>
        %shift_right_logical3A_397 = arith.constant 16 : i32
        %shift_right_logical3A_398 = vector.broadcast %shift_right_logical3A_397 : i32 to vector<16xi32>
        %shift_right_logical3A_399 = arith.shrui %get3A_293, %shift_right_logical3A_398 : vector<16xi32>
        %shift_right_logical3A_400 = arith.constant 16 : i32
        %shift_right_logical3A_401 = vector.broadcast %shift_right_logical3A_400 : i32 to vector<16xi32>
        %shift_right_logical3A_402 = arith.shrui %get3A_299, %shift_right_logical3A_401 : vector<16xi32>
        %shift_right_logical3A_403 = arith.constant 16 : i32
        %shift_right_logical3A_404 = vector.broadcast %shift_right_logical3A_403 : i32 to vector<16xi32>
        %shift_right_logical3A_405 = arith.shrui %get3A_305, %shift_right_logical3A_404 : vector<16xi32>
        %shift_right_logical3A_406 = arith.constant 16 : i32
        %shift_right_logical3A_407 = vector.broadcast %shift_right_logical3A_406 : i32 to vector<16xi32>
        %shift_right_logical3A_408 = arith.shrui %get3A_311, %shift_right_logical3A_407 : vector<16xi32>
        %shift_right_logical3A_409 = arith.constant 16 : i32
        %shift_right_logical3A_410 = vector.broadcast %shift_right_logical3A_409 : i32 to vector<16xi32>
        %shift_right_logical3A_411 = arith.shrui %get3A_317, %shift_right_logical3A_410 : vector<16xi32>
        %gather3A = tpu.vector_load_idx %arg7[%and3A_367] : memref<16384xi32, #tpu.memory_space<vmem>>[vector<16xi32>], vector<16xi32>,
        %gather3A_412 = tpu.vector_load_idx %arg7[%and3A_370] : memref<16384xi32, #tpu.memory_space<vmem>>[vector<16xi32>], vector<16xi32>,
        %gather3A_413 = tpu.vector_load_idx %arg7[%and3A_373] : memref<16384xi32, #tpu.memory_space<vmem>>[vector<16xi32>], vector<16xi32>,
        %gather3A_414 = tpu.vector_load_idx %arg7[%and3A_376] : memref<16384xi32, #tpu.memory_space<vmem>>[vector<16xi32>], vector<16xi32>,
        %gather3A_415 = tpu.vector_load_idx %arg7[%and3A_379] : memref<16384xi32, #tpu.memory_space<vmem>>[vector<16xi32>], vector<16xi32>,
        %gather3A_416 = tpu.vector_load_idx %arg7[%and3A_382] : memref<16384xi32, #tpu.memory_space<vmem>>[vector<16xi32>], vector<16xi32>,
        %gather3A_417 = tpu.vector_load_idx %arg7[%and3A_385] : memref<16384xi32, #tpu.memory_space<vmem>>[vector<16xi32>], vector<16xi32>,
        %gather3A_418 = tpu.vector_load_idx %arg7[%and3A_388] : memref<16384xi32, #tpu.memory_space<vmem>>[vector<16xi32>], vector<16xi32>,
        %bitcast3A = vector.bitcast %gather3A : vector<16xi32> to vector<32xbf16>
        %unpack3A = tpu.unpack_subelements %bitcast3A, 0 {pack_format = #tpu.pack_format<interleaved>} : vector<32xbf16> -> vector<16xf32>
        %unpack3A_419 = tpu.unpack_subelements %bitcast3A, 1 {pack_format = #tpu.pack_format<interleaved>} : vector<32xbf16> -> vector<16xf32>
        %bitcast3A_420 = vector.bitcast %gather3A_412 : vector<16xi32> to vector<32xbf16>
        %unpack3A_421 = tpu.unpack_subelements %bitcast3A_420, 0 {pack_format = #tpu.pack_format<interleaved>} : vector<32xbf16> -> vector<16xf32>
        %unpack3A_422 = tpu.unpack_subelements %bitcast3A_420, 1 {pack_format = #tpu.pack_format<interleaved>} : vector<32xbf16> -> vector<16xf32>
        %bitcast3A_423 = vector.bitcast %gather3A_413 : vector<16xi32> to vector<32xbf16>
        %unpack3A_424 = tpu.unpack_subelements %bitcast3A_423, 0 {pack_format = #tpu.pack_format<interleaved>} : vector<32xbf16> -> vector<16xf32>
        %unpack3A_425 = tpu.unpack_subelements %bitcast3A_423, 1 {pack_format = #tpu.pack_format<interleaved>} : vector<32xbf16> -> vector<16xf32>
        %bitcast3A_426 = vector.bitcast %gather3A_414 : vector<16xi32> to vector<32xbf16>
        %unpack3A_427 = tpu.unpack_subelements %bitcast3A_426, 0 {pack_format = #tpu.pack_format<interleaved>} : vector<32xbf16> -> vector<16xf32>
        %unpack3A_428 = tpu.unpack_subelements %bitcast3A_426, 1 {pack_format = #tpu.pack_format<interleaved>} : vector<32xbf16> -> vector<16xf32>
        %bitcast3A_429 = vector.bitcast %gather3A_415 : vector<16xi32> to vector<32xbf16>
        %unpack3A_430 = tpu.unpack_subelements %bitcast3A_429, 0 {pack_format = #tpu.pack_format<interleaved>} : vector<32xbf16> -> vector<16xf32>
        %unpack3A_431 = tpu.unpack_subelements %bitcast3A_429, 1 {pack_format = #tpu.pack_format<interleaved>} : vector<32xbf16> -> vector<16xf32>
        %bitcast3A_432 = vector.bitcast %gather3A_416 : vector<16xi32> to vector<32xbf16>
        %unpack3A_433 = tpu.unpack_subelements %bitcast3A_432, 0 {pack_format = #tpu.pack_format<interleaved>} : vector<32xbf16> -> vector<16xf32>
        %unpack3A_434 = tpu.unpack_subelements %bitcast3A_432, 1 {pack_format = #tpu.pack_format<interleaved>} : vector<32xbf16> -> vector<16xf32>
        %bitcast3A_435 = vector.bitcast %gather3A_417 : vector<16xi32> to vector<32xbf16>
        %unpack3A_436 = tpu.unpack_subelements %bitcast3A_435, 0 {pack_format = #tpu.pack_format<interleaved>} : vector<32xbf16> -> vector<16xf32>
        %unpack3A_437 = tpu.unpack_subelements %bitcast3A_435, 1 {pack_format = #tpu.pack_format<interleaved>} : vector<32xbf16> -> vector<16xf32>
        %bitcast3A_438 = vector.bitcast %gather3A_418 : vector<16xi32> to vector<32xbf16>
        %unpack3A_439 = tpu.unpack_subelements %bitcast3A_438, 0 {pack_format = #tpu.pack_format<interleaved>} : vector<32xbf16> -> vector<16xf32>
        %unpack3A_440 = tpu.unpack_subelements %bitcast3A_438, 1 {pack_format = #tpu.pack_format<interleaved>} : vector<32xbf16> -> vector<16xf32>
        %mul3A_441 = arith.mulf %unpack3A, %get3A_323 : vector<16xf32>
        tpu.vector_store_idx %arg8[%shift_right_logical3A_390], %mul3A_441 {add = true} : memref<16384xf32, #tpu.memory_space<vmem>>[vector<16xi32>], vector<16xf32>,
        %mul3A_442 = arith.mulf %unpack3A_419, %get3A_323 : vector<16xf32>
        tpu.vector_store_idx %arg9[%shift_right_logical3A_390], %mul3A_442 {add = true} : memref<16384xf32, #tpu.memory_space<vmem>>[vector<16xi32>], vector<16xf32>,
        %mul3A_443 = arith.mulf %unpack3A_421, %get3A_329 : vector<16xf32>
        tpu.vector_store_idx %arg8[%shift_right_logical3A_393], %mul3A_443 {add = true} : memref<16384xf32, #tpu.memory_space<vmem>>[vector<16xi32>], vector<16xf32>,
        %mul3A_444 = arith.mulf %unpack3A_422, %get3A_329 : vector<16xf32>
        tpu.vector_store_idx %arg9[%shift_right_logical3A_393], %mul3A_444 {add = true} : memref<16384xf32, #tpu.memory_space<vmem>>[vector<16xi32>], vector<16xf32>,
        %mul3A_445 = arith.mulf %unpack3A_424, %get3A_335 : vector<16xf32>
        tpu.vector_store_idx %arg8[%shift_right_logical3A_396], %mul3A_445 {add = true} : memref<16384xf32, #tpu.memory_space<vmem>>[vector<16xi32>], vector<16xf32>,
        %mul3A_446 = arith.mulf %unpack3A_425, %get3A_335 : vector<16xf32>
        tpu.vector_store_idx %arg9[%shift_right_logical3A_396], %mul3A_446 {add = true} : memref<16384xf32, #tpu.memory_space<vmem>>[vector<16xi32>], vector<16xf32>,
        %mul3A_447 = arith.mulf %unpack3A_427, %get3A_341 : vector<16xf32>
        tpu.vector_store_idx %arg8[%shift_right_logical3A_399], %mul3A_447 {add = true} : memref<16384xf32, #tpu.memory_space<vmem>>[vector<16xi32>], vector<16xf32>,
        %mul3A_448 = arith.mulf %unpack3A_428, %get3A_341 : vector<16xf32>
        tpu.vector_store_idx %arg9[%shift_right_logical3A_399], %mul3A_448 {add = true} : memref<16384xf32, #tpu.memory_space<vmem>>[vector<16xi32>], vector<16xf32>,
        %mul3A_449 = arith.mulf %unpack3A_430, %get3A_347 : vector<16xf32>
        tpu.vector_store_idx %arg8[%shift_right_logical3A_402], %mul3A_449 {add = true} : memref<16384xf32, #tpu.memory_space<vmem>>[vector<16xi32>], vector<16xf32>,
        %mul3A_450 = arith.mulf %unpack3A_431, %get3A_347 : vector<16xf32>
        tpu.vector_store_idx %arg9[%shift_right_logical3A_402], %mul3A_450 {add = true} : memref<16384xf32, #tpu.memory_space<vmem>>[vector<16xi32>], vector<16xf32>,
        %mul3A_451 = arith.mulf %unpack3A_433, %get3A_353 : vector<16xf32>
        tpu.vector_store_idx %arg8[%shift_right_logical3A_405], %mul3A_451 {add = true} : memref<16384xf32, #tpu.memory_space<vmem>>[vector<16xi32>], vector<16xf32>,
        %mul3A_452 = arith.mulf %unpack3A_434, %get3A_353 : vector<16xf32>
        tpu.vector_store_idx %arg9[%shift_right_logical3A_405], %mul3A_452 {add = true} : memref<16384xf32, #tpu.memory_space<vmem>>[vector<16xi32>], vector<16xf32>,
        %mul3A_453 = arith.mulf %unpack3A_436, %get3A_359 : vector<16xf32>
        tpu.vector_store_idx %arg8[%shift_right_logical3A_408], %mul3A_453 {add = true} : memref<16384xf32, #tpu.memory_space<vmem>>[vector<16xi32>], vector<16xf32>,
        %mul3A_454 = arith.mulf %unpack3A_437, %get3A_359 : vector<16xf32>
        tpu.vector_store_idx %arg9[%shift_right_logical3A_408], %mul3A_454 {add = true} : memref<16384xf32, #tpu.memory_space<vmem>>[vector<16xi32>], vector<16xf32>,
        %mul3A_455 = arith.mulf %unpack3A_439, %get3A_365 : vector<16xf32>
        tpu.vector_store_idx %arg8[%shift_right_logical3A_411], %mul3A_455 {add = true} : memref<16384xf32, #tpu.memory_space<vmem>>[vector<16xi32>], vector<16xf32>,
        %mul3A_456 = arith.mulf %unpack3A_440, %get3A_365 : vector<16xf32>
        tpu.vector_store_idx %arg9[%shift_right_logical3A_411], %mul3A_456 {add = true} : memref<16384xf32, #tpu.memory_space<vmem>>[vector<16xi32>], vector<16xf32>,
        %scan3A_457 = arith.constant 0 : i32
        scf.yield %scan3A_457 : i32
      }
      %scan3A_178 = arith.constant 8 : i32
      %add3A_179 = arith.constant 4 : i32
      %add3A_180 = arith.addi %add3A_149, %add3A_179 : i32
      %lt3A_181 = arith.constant 264 : i32
      %lt3A_182 = arith.cmpi slt, %add3A_180, %lt3A_181 : i32
      %convert_element_type3A_183 = arith.extui %lt3A_182 : i1 to i32
      %cond3A_184 = arith.constant 0 : i32
      %cond3A_185 = arith.cmpi ne, %convert_element_type3A_183, %cond3A_184 : i32
      scf.if %cond3A_185 {
        %add3A_267 = arith.constant 4 : i32
        %add3A_268 = arith.addi %add3A_149, %add3A_267 : i32
        %mul3A_269 = arith.constant 1024 : i32
        %mul3A_270 = arith.muli %add3A_268, %mul3A_269 : i32
        %dma_start3A_271 = arith.constant 1 : i32
        %dma_start3A_272 = arith.constant 0 : i32
        %dma_start3A_273 = tpu.memref_slice %arg10[%dma_start3A_271, %dma_start3A_272] : memref<4x1024xi32, #tpu.memory_space<vmem>> -> memref<1x1024xi32, #tpu.memory_space<vmem>>
        %dma_start3A_274 = tpu.memref_squeeze %dma_start3A_273 : memref<1x1024xi32, #tpu.memory_space<vmem>> -> memref<1024xi32, #tpu.memory_space<vmem>>
        %dma_start3A_275 = tpu.memref_slice %arg3[%mul3A_270] : memref<270336xi32, #tpu.memory_space<hbm>> -> memref<1024xi32, #tpu.memory_space<hbm>>
        %dma_start3A_276 = arith.constant 0 : i32
        %dma_start3A_277 = tpu.memref_slice %arg10[%dma_start3A_271, %dma_start3A_276] : memref<4x1024xi32, #tpu.memory_space<vmem>> -> memref<1x1024xi32, #tpu.memory_space<vmem>>
        %dma_start3A_278 = tpu.memref_squeeze %dma_start3A_277 : memref<1x1024xi32, #tpu.memory_space<vmem>> -> memref<1024xi32, #tpu.memory_space<vmem>>
        %dma_start3A_279 = tpu.memref_slice %arg3[%mul3A_270] : memref<270336xi32, #tpu.memory_space<hbm>> -> memref<1024xi32, #tpu.memory_space<hbm>>
        tpu.enqueue_dma source(%dma_start3A_279 : memref<1024xi32, #tpu.memory_space<hbm>>) target(%dma_start3A_278 : memref<1024xi32, #tpu.memory_space<vmem>>) target_semaphore(%arg13 : memref<!tpu.dma_semaphore, #tpu.memory_space<semaphore_mem>>)
        %mul3A_280 = arith.constant 1024 : i32
        %mul3A_281 = arith.muli %add3A_268, %mul3A_280 : i32
        %dma_start3A_282 = arith.constant 1 : i32
        %dma_start3A_283 = arith.constant 0 : i32
        %dma_start3A_284 = tpu.memref_slice %arg11[%dma_start3A_282, %dma_start3A_283] : memref<4x1024xf32, #tpu.memory_space<vmem>> -> memref<1x1024xf32, #tpu.memory_space<vmem>>
        %dma_start3A_285 = tpu.memref_squeeze %dma_start3A_284 : memref<1x1024xf32, #tpu.memory_space<vmem>> -> memref<1024xf32, #tpu.memory_space<vmem>>
        %dma_start3A_286 = tpu.memref_slice %arg4[%mul3A_281] : memref<270336xf32, #tpu.memory_space<hbm>> -> memref<1024xf32, #tpu.memory_space<hbm>>
        %dma_start3A_287 = arith.constant 0 : i32
        %dma_start3A_288 = tpu.memref_slice %arg11[%dma_start3A_282, %dma_start3A_287] : memref<4x1024xf32, #tpu.memory_space<vmem>> -> memref<1x1024xf32, #tpu.memory_space<vmem>>
        %dma_start3A_289 = tpu.memref_squeeze %dma_start3A_288 : memref<1x1024xf32, #tpu.memory_space<vmem>> -> memref<1024xf32, #tpu.memory_space<vmem>>
        %dma_start3A_290 = tpu.memref_slice %arg4[%mul3A_281] : memref<270336xf32, #tpu.memory_space<hbm>> -> memref<1024xf32, #tpu.memory_space<hbm>>
        tpu.enqueue_dma source(%dma_start3A_290 : memref<1024xf32, #tpu.memory_space<hbm>>) target(%dma_start3A_289 : memref<1024xf32, #tpu.memory_space<vmem>>) target_semaphore(%arg13 : memref<!tpu.dma_semaphore, #tpu.memory_space<semaphore_mem>>)
      } else {
      }
      %mul3A_186 = arith.constant 4 : i32
      %mul3A_187 = arith.muli %scan3A_107, %mul3A_186 : i32
      %add3A_188 = arith.constant 2 : i32
      %add3A_189 = arith.addi %mul3A_187, %add3A_188 : i32
      %mul3A_190 = arith.constant 1024 : i32
      %mul3A_191 = arith.muli %add3A_189, %mul3A_190 : i32
      %dma_wait3A_192 = arith.constant 2 : i32
      %dma_wait3A_193 = arith.constant 0 : i32
      %dma_wait3A_194 = tpu.memref_slice %arg10[%dma_wait3A_192, %dma_wait3A_193] : memref<4x1024xi32, #tpu.memory_space<vmem>> -> memref<1x1024xi32, #tpu.memory_space<vmem>>
      %dma_wait3A_195 = tpu.memref_squeeze %dma_wait3A_194 : memref<1x1024xi32, #tpu.memory_space<vmem>> -> memref<1024xi32, #tpu.memory_space<vmem>>
      %dma_wait3A_196 = tpu.memref_slice %arg3[%mul3A_191] : memref<270336xi32, #tpu.memory_space<hbm>> -> memref<1024xi32, #tpu.memory_space<hbm>>
      %dma_wait3A_197 = arith.constant 0 : i32
      %dma_wait3A_198 = tpu.memref_slice %arg10[%dma_wait3A_192, %dma_wait3A_197] : memref<4x1024xi32, #tpu.memory_space<vmem>> -> memref<1x1024xi32, #tpu.memory_space<vmem>>
      %dma_wait3A_199 = tpu.memref_squeeze %dma_wait3A_198 : memref<1x1024xi32, #tpu.memory_space<vmem>> -> memref<1024xi32, #tpu.memory_space<vmem>>
      %dma_wait3A_200 = tpu.memref_slice %arg3[%mul3A_191] : memref<270336xi32, #tpu.memory_space<hbm>> -> memref<1024xi32, #tpu.memory_space<hbm>>
      tpu.wait_dma2 semaphore(%arg13 : memref<!tpu.dma_semaphore, #tpu.memory_space<semaphore_mem>>) src(%dma_wait3A_200 : memref<1024xi32, #tpu.memory_space<hbm>>) dst(%dma_wait3A_199 : memref<1024xi32, #tpu.memory_space<vmem>>)
      %mul3A_201 = arith.constant 1024 : i32
      %mul3A_202 = arith.muli %add3A_189, %mul3A_201 : i32
      %dma_wait3A_203 = arith.constant 2 : i32
      %dma_wait3A_204 = arith.constant 0 : i32
      %dma_wait3A_205 = tpu.memref_slice %arg11[%dma_wait3A_203, %dma_wait3A_204] : memref<4x1024xf32, #tpu.memory_space<vmem>> -> memref<1x1024xf32, #tpu.memory_space<vmem>>
      %dma_wait3A_206 = tpu.memref_squeeze %dma_wait3A_205 : memref<1x1024xf32, #tpu.memory_space<vmem>> -> memref<1024xf32, #tpu.memory_space<vmem>>
      %dma_wait3A_207 = tpu.memref_slice %arg4[%mul3A_202] : memref<270336xf32, #tpu.memory_space<hbm>> -> memref<1024xf32, #tpu.memory_space<hbm>>
      %dma_wait3A_208 = arith.constant 0 : i32
      %dma_wait3A_209 = tpu.memref_slice %arg11[%dma_wait3A_203, %dma_wait3A_208] : memref<4x1024xf32, #tpu.memory_space<vmem>> -> memref<1x1024xf32, #tpu.memory_space<vmem>>
      %dma_wait3A_210 = tpu.memref_squeeze %dma_wait3A_209 : memref<1x1024xf32, #tpu.memory_space<vmem>> -> memref<1024xf32, #tpu.memory_space<vmem>>
      %dma_wait3A_211 = tpu.memref_slice %arg4[%mul3A_202] : memref<270336xf32, #tpu.memory_space<hbm>> -> memref<1024xf32, #tpu.memory_space<hbm>>
      tpu.wait_dma2 semaphore(%arg13 : memref<!tpu.dma_semaphore, #tpu.memory_space<semaphore_mem>>) src(%dma_wait3A_211 : memref<1024xf32, #tpu.memory_space<hbm>>) dst(%dma_wait3A_210 : memref<1024xf32, #tpu.memory_space<vmem>>)
      %scan3A_212 = arith.constant 0 : i32
      %scan3A_213 = arith.constant 0 : i32
      %scan3A_214 = arith.constant 8 : i32
      %scan3A_215 = arith.addi %scan3A_213, %scan3A_214 : i32
      %scan3A_216 = arith.constant 1 : i32
      %scan3A_217 = scf.for %scan3A_267 = %scan3A_213 to %scan3A_215 step %scan3A_216 iter_args(%scan3A_268 = %scan3A_212) -> (i32)  : i32 {
        %mul3A_269 = arith.constant 128 : i32
        %mul3A_270 = arith.muli %scan3A_267, %mul3A_269 : i32
        %add3A_271 = arith.constant 0 : i32
        %add3A_272 = arith.addi %mul3A_270, %add3A_271 : i32
        %get3A = arith.constant 2 : i32
        %get3A_273 = arith.index_cast %get3A : i32 to index
        %get3A_274 = arith.index_cast %add3A_272 : i32 to index
        %get3A_275 = tpu.vector_load %arg10[%get3A_273, %get3A_274] {strides = array<i32>} : memref<4x1024xi32, #tpu.memory_space<vmem>>, vector<16xi32>,
        %add3A_276 = arith.constant 16 : i32
        %add3A_277 = arith.addi %mul3A_270, %add3A_276 : i32
        %get3A_278 = arith.constant 2 : i32
        %get3A_279 = arith.index_cast %get3A_278 : i32 to index
        %get3A_280 = arith.index_cast %add3A_277 : i32 to index
        %get3A_281 = tpu.vector_load %arg10[%get3A_279, %get3A_280] {strides = array<i32>} : memref<4x1024xi32, #tpu.memory_space<vmem>>, vector<16xi32>,
        %add3A_282 = arith.constant 32 : i32
        %add3A_283 = arith.addi %mul3A_270, %add3A_282 : i32
        %get3A_284 = arith.constant 2 : i32
        %get3A_285 = arith.index_cast %get3A_284 : i32 to index
        %get3A_286 = arith.index_cast %add3A_283 : i32 to index
        %get3A_287 = tpu.vector_load %arg10[%get3A_285, %get3A_286] {strides = array<i32>} : memref<4x1024xi32, #tpu.memory_space<vmem>>, vector<16xi32>,
        %add3A_288 = arith.constant 48 : i32
        %add3A_289 = arith.addi %mul3A_270, %add3A_288 : i32
        %get3A_290 = arith.constant 2 : i32
        %get3A_291 = arith.index_cast %get3A_290 : i32 to index
        %get3A_292 = arith.index_cast %add3A_289 : i32 to index
        %get3A_293 = tpu.vector_load %arg10[%get3A_291, %get3A_292] {strides = array<i32>} : memref<4x1024xi32, #tpu.memory_space<vmem>>, vector<16xi32>,
        %add3A_294 = arith.constant 64 : i32
        %add3A_295 = arith.addi %mul3A_270, %add3A_294 : i32
        %get3A_296 = arith.constant 2 : i32
        %get3A_297 = arith.index_cast %get3A_296 : i32 to index
        %get3A_298 = arith.index_cast %add3A_295 : i32 to index
        %get3A_299 = tpu.vector_load %arg10[%get3A_297, %get3A_298] {strides = array<i32>} : memref<4x1024xi32, #tpu.memory_space<vmem>>, vector<16xi32>,
        %add3A_300 = arith.constant 80 : i32
        %add3A_301 = arith.addi %mul3A_270, %add3A_300 : i32
        %get3A_302 = arith.constant 2 : i32
        %get3A_303 = arith.index_cast %get3A_302 : i32 to index
        %get3A_304 = arith.index_cast %add3A_301 : i32 to index
        %get3A_305 = tpu.vector_load %arg10[%get3A_303, %get3A_304] {strides = array<i32>} : memref<4x1024xi32, #tpu.memory_space<vmem>>, vector<16xi32>,
        %add3A_306 = arith.constant 96 : i32
        %add3A_307 = arith.addi %mul3A_270, %add3A_306 : i32
        %get3A_308 = arith.constant 2 : i32
        %get3A_309 = arith.index_cast %get3A_308 : i32 to index
        %get3A_310 = arith.index_cast %add3A_307 : i32 to index
        %get3A_311 = tpu.vector_load %arg10[%get3A_309, %get3A_310] {strides = array<i32>} : memref<4x1024xi32, #tpu.memory_space<vmem>>, vector<16xi32>,
        %add3A_312 = arith.constant 112 : i32
        %add3A_313 = arith.addi %mul3A_270, %add3A_312 : i32
        %get3A_314 = arith.constant 2 : i32
        %get3A_315 = arith.index_cast %get3A_314 : i32 to index
        %get3A_316 = arith.index_cast %add3A_313 : i32 to index
        %get3A_317 = tpu.vector_load %arg10[%get3A_315, %get3A_316] {strides = array<i32>} : memref<4x1024xi32, #tpu.memory_space<vmem>>, vector<16xi32>,
        %add3A_318 = arith.constant 0 : i32
        %add3A_319 = arith.addi %mul3A_270, %add3A_318 : i32
        %get3A_320 = arith.constant 2 : i32
        %get3A_321 = arith.index_cast %get3A_320 : i32 to index
        %get3A_322 = arith.index_cast %add3A_319 : i32 to index
        %get3A_323 = tpu.vector_load %arg11[%get3A_321, %get3A_322] {strides = array<i32>} : memref<4x1024xf32, #tpu.memory_space<vmem>>, vector<16xf32>,
        %add3A_324 = arith.constant 16 : i32
        %add3A_325 = arith.addi %mul3A_270, %add3A_324 : i32
        %get3A_326 = arith.constant 2 : i32
        %get3A_327 = arith.index_cast %get3A_326 : i32 to index
        %get3A_328 = arith.index_cast %add3A_325 : i32 to index
        %get3A_329 = tpu.vector_load %arg11[%get3A_327, %get3A_328] {strides = array<i32>} : memref<4x1024xf32, #tpu.memory_space<vmem>>, vector<16xf32>,
        %add3A_330 = arith.constant 32 : i32
        %add3A_331 = arith.addi %mul3A_270, %add3A_330 : i32
        %get3A_332 = arith.constant 2 : i32
        %get3A_333 = arith.index_cast %get3A_332 : i32 to index
        %get3A_334 = arith.index_cast %add3A_331 : i32 to index
        %get3A_335 = tpu.vector_load %arg11[%get3A_333, %get3A_334] {strides = array<i32>} : memref<4x1024xf32, #tpu.memory_space<vmem>>, vector<16xf32>,
        %add3A_336 = arith.constant 48 : i32
        %add3A_337 = arith.addi %mul3A_270, %add3A_336 : i32
        %get3A_338 = arith.constant 2 : i32
        %get3A_339 = arith.index_cast %get3A_338 : i32 to index
        %get3A_340 = arith.index_cast %add3A_337 : i32 to index
        %get3A_341 = tpu.vector_load %arg11[%get3A_339, %get3A_340] {strides = array<i32>} : memref<4x1024xf32, #tpu.memory_space<vmem>>, vector<16xf32>,
        %add3A_342 = arith.constant 64 : i32
        %add3A_343 = arith.addi %mul3A_270, %add3A_342 : i32
        %get3A_344 = arith.constant 2 : i32
        %get3A_345 = arith.index_cast %get3A_344 : i32 to index
        %get3A_346 = arith.index_cast %add3A_343 : i32 to index
        %get3A_347 = tpu.vector_load %arg11[%get3A_345, %get3A_346] {strides = array<i32>} : memref<4x1024xf32, #tpu.memory_space<vmem>>, vector<16xf32>,
        %add3A_348 = arith.constant 80 : i32
        %add3A_349 = arith.addi %mul3A_270, %add3A_348 : i32
        %get3A_350 = arith.constant 2 : i32
        %get3A_351 = arith.index_cast %get3A_350 : i32 to index
        %get3A_352 = arith.index_cast %add3A_349 : i32 to index
        %get3A_353 = tpu.vector_load %arg11[%get3A_351, %get3A_352] {strides = array<i32>} : memref<4x1024xf32, #tpu.memory_space<vmem>>, vector<16xf32>,
        %add3A_354 = arith.constant 96 : i32
        %add3A_355 = arith.addi %mul3A_270, %add3A_354 : i32
        %get3A_356 = arith.constant 2 : i32
        %get3A_357 = arith.index_cast %get3A_356 : i32 to index
        %get3A_358 = arith.index_cast %add3A_355 : i32 to index
        %get3A_359 = tpu.vector_load %arg11[%get3A_357, %get3A_358] {strides = array<i32>} : memref<4x1024xf32, #tpu.memory_space<vmem>>, vector<16xf32>,
        %add3A_360 = arith.constant 112 : i32
        %add3A_361 = arith.addi %mul3A_270, %add3A_360 : i32
        %get3A_362 = arith.constant 2 : i32
        %get3A_363 = arith.index_cast %get3A_362 : i32 to index
        %get3A_364 = arith.index_cast %add3A_361 : i32 to index
        %get3A_365 = tpu.vector_load %arg11[%get3A_363, %get3A_364] {strides = array<i32>} : memref<4x1024xf32, #tpu.memory_space<vmem>>, vector<16xf32>,
        %and3A = arith.constant 65535 : i32
        %and3A_366 = vector.broadcast %and3A : i32 to vector<16xi32>
        %and3A_367 = arith.andi %get3A_275, %and3A_366 : vector<16xi32>
        %and3A_368 = arith.constant 65535 : i32
        %and3A_369 = vector.broadcast %and3A_368 : i32 to vector<16xi32>
        %and3A_370 = arith.andi %get3A_281, %and3A_369 : vector<16xi32>
        %and3A_371 = arith.constant 65535 : i32
        %and3A_372 = vector.broadcast %and3A_371 : i32 to vector<16xi32>
        %and3A_373 = arith.andi %get3A_287, %and3A_372 : vector<16xi32>
        %and3A_374 = arith.constant 65535 : i32
        %and3A_375 = vector.broadcast %and3A_374 : i32 to vector<16xi32>
        %and3A_376 = arith.andi %get3A_293, %and3A_375 : vector<16xi32>
        %and3A_377 = arith.constant 65535 : i32
        %and3A_378 = vector.broadcast %and3A_377 : i32 to vector<16xi32>
        %and3A_379 = arith.andi %get3A_299, %and3A_378 : vector<16xi32>
        %and3A_380 = arith.constant 65535 : i32
        %and3A_381 = vector.broadcast %and3A_380 : i32 to vector<16xi32>
        %and3A_382 = arith.andi %get3A_305, %and3A_381 : vector<16xi32>
        %and3A_383 = arith.constant 65535 : i32
        %and3A_384 = vector.broadcast %and3A_383 : i32 to vector<16xi32>
        %and3A_385 = arith.andi %get3A_311, %and3A_384 : vector<16xi32>
        %and3A_386 = arith.constant 65535 : i32
        %and3A_387 = vector.broadcast %and3A_386 : i32 to vector<16xi32>
        %and3A_388 = arith.andi %get3A_317, %and3A_387 : vector<16xi32>
        %shift_right_logical3A = arith.constant 16 : i32
        %shift_right_logical3A_389 = vector.broadcast %shift_right_logical3A : i32 to vector<16xi32>
        %shift_right_logical3A_390 = arith.shrui %get3A_275, %shift_right_logical3A_389 : vector<16xi32>
        %shift_right_logical3A_391 = arith.constant 16 : i32
        %shift_right_logical3A_392 = vector.broadcast %shift_right_logical3A_391 : i32 to vector<16xi32>
        %shift_right_logical3A_393 = arith.shrui %get3A_281, %shift_right_logical3A_392 : vector<16xi32>
        %shift_right_logical3A_394 = arith.constant 16 : i32
        %shift_right_logical3A_395 = vector.broadcast %shift_right_logical3A_394 : i32 to vector<16xi32>
        %shift_right_logical3A_396 = arith.shrui %get3A_287, %shift_right_logical3A_395 : vector<16xi32>
        %shift_right_logical3A_397 = arith.constant 16 : i32
        %shift_right_logical3A_398 = vector.broadcast %shift_right_logical3A_397 : i32 to vector<16xi32>
        %shift_right_logical3A_399 = arith.shrui %get3A_293, %shift_right_logical3A_398 : vector<16xi32>
        %shift_right_logical3A_400 = arith.constant 16 : i32
        %shift_right_logical3A_401 = vector.broadcast %shift_right_logical3A_400 : i32 to vector<16xi32>
        %shift_right_logical3A_402 = arith.shrui %get3A_299, %shift_right_logical3A_401 : vector<16xi32>
        %shift_right_logical3A_403 = arith.constant 16 : i32
        %shift_right_logical3A_404 = vector.broadcast %shift_right_logical3A_403 : i32 to vector<16xi32>
        %shift_right_logical3A_405 = arith.shrui %get3A_305, %shift_right_logical3A_404 : vector<16xi32>
        %shift_right_logical3A_406 = arith.constant 16 : i32
        %shift_right_logical3A_407 = vector.broadcast %shift_right_logical3A_406 : i32 to vector<16xi32>
        %shift_right_logical3A_408 = arith.shrui %get3A_311, %shift_right_logical3A_407 : vector<16xi32>
        %shift_right_logical3A_409 = arith.constant 16 : i32
        %shift_right_logical3A_410 = vector.broadcast %shift_right_logical3A_409 : i32 to vector<16xi32>
        %shift_right_logical3A_411 = arith.shrui %get3A_317, %shift_right_logical3A_410 : vector<16xi32>
        %gather3A = tpu.vector_load_idx %arg7[%and3A_367] : memref<16384xi32, #tpu.memory_space<vmem>>[vector<16xi32>], vector<16xi32>,
        %gather3A_412 = tpu.vector_load_idx %arg7[%and3A_370] : memref<16384xi32, #tpu.memory_space<vmem>>[vector<16xi32>], vector<16xi32>,
        %gather3A_413 = tpu.vector_load_idx %arg7[%and3A_373] : memref<16384xi32, #tpu.memory_space<vmem>>[vector<16xi32>], vector<16xi32>,
        %gather3A_414 = tpu.vector_load_idx %arg7[%and3A_376] : memref<16384xi32, #tpu.memory_space<vmem>>[vector<16xi32>], vector<16xi32>,
        %gather3A_415 = tpu.vector_load_idx %arg7[%and3A_379] : memref<16384xi32, #tpu.memory_space<vmem>>[vector<16xi32>], vector<16xi32>,
        %gather3A_416 = tpu.vector_load_idx %arg7[%and3A_382] : memref<16384xi32, #tpu.memory_space<vmem>>[vector<16xi32>], vector<16xi32>,
        %gather3A_417 = tpu.vector_load_idx %arg7[%and3A_385] : memref<16384xi32, #tpu.memory_space<vmem>>[vector<16xi32>], vector<16xi32>,
        %gather3A_418 = tpu.vector_load_idx %arg7[%and3A_388] : memref<16384xi32, #tpu.memory_space<vmem>>[vector<16xi32>], vector<16xi32>,
        %bitcast3A = vector.bitcast %gather3A : vector<16xi32> to vector<32xbf16>
        %unpack3A = tpu.unpack_subelements %bitcast3A, 0 {pack_format = #tpu.pack_format<interleaved>} : vector<32xbf16> -> vector<16xf32>
        %unpack3A_419 = tpu.unpack_subelements %bitcast3A, 1 {pack_format = #tpu.pack_format<interleaved>} : vector<32xbf16> -> vector<16xf32>
        %bitcast3A_420 = vector.bitcast %gather3A_412 : vector<16xi32> to vector<32xbf16>
        %unpack3A_421 = tpu.unpack_subelements %bitcast3A_420, 0 {pack_format = #tpu.pack_format<interleaved>} : vector<32xbf16> -> vector<16xf32>
        %unpack3A_422 = tpu.unpack_subelements %bitcast3A_420, 1 {pack_format = #tpu.pack_format<interleaved>} : vector<32xbf16> -> vector<16xf32>
        %bitcast3A_423 = vector.bitcast %gather3A_413 : vector<16xi32> to vector<32xbf16>
        %unpack3A_424 = tpu.unpack_subelements %bitcast3A_423, 0 {pack_format = #tpu.pack_format<interleaved>} : vector<32xbf16> -> vector<16xf32>
        %unpack3A_425 = tpu.unpack_subelements %bitcast3A_423, 1 {pack_format = #tpu.pack_format<interleaved>} : vector<32xbf16> -> vector<16xf32>
        %bitcast3A_426 = vector.bitcast %gather3A_414 : vector<16xi32> to vector<32xbf16>
        %unpack3A_427 = tpu.unpack_subelements %bitcast3A_426, 0 {pack_format = #tpu.pack_format<interleaved>} : vector<32xbf16> -> vector<16xf32>
        %unpack3A_428 = tpu.unpack_subelements %bitcast3A_426, 1 {pack_format = #tpu.pack_format<interleaved>} : vector<32xbf16> -> vector<16xf32>
        %bitcast3A_429 = vector.bitcast %gather3A_415 : vector<16xi32> to vector<32xbf16>
        %unpack3A_430 = tpu.unpack_subelements %bitcast3A_429, 0 {pack_format = #tpu.pack_format<interleaved>} : vector<32xbf16> -> vector<16xf32>
        %unpack3A_431 = tpu.unpack_subelements %bitcast3A_429, 1 {pack_format = #tpu.pack_format<interleaved>} : vector<32xbf16> -> vector<16xf32>
        %bitcast3A_432 = vector.bitcast %gather3A_416 : vector<16xi32> to vector<32xbf16>
        %unpack3A_433 = tpu.unpack_subelements %bitcast3A_432, 0 {pack_format = #tpu.pack_format<interleaved>} : vector<32xbf16> -> vector<16xf32>
        %unpack3A_434 = tpu.unpack_subelements %bitcast3A_432, 1 {pack_format = #tpu.pack_format<interleaved>} : vector<32xbf16> -> vector<16xf32>
        %bitcast3A_435 = vector.bitcast %gather3A_417 : vector<16xi32> to vector<32xbf16>
        %unpack3A_436 = tpu.unpack_subelements %bitcast3A_435, 0 {pack_format = #tpu.pack_format<interleaved>} : vector<32xbf16> -> vector<16xf32>
        %unpack3A_437 = tpu.unpack_subelements %bitcast3A_435, 1 {pack_format = #tpu.pack_format<interleaved>} : vector<32xbf16> -> vector<16xf32>
        %bitcast3A_438 = vector.bitcast %gather3A_418 : vector<16xi32> to vector<32xbf16>
        %unpack3A_439 = tpu.unpack_subelements %bitcast3A_438, 0 {pack_format = #tpu.pack_format<interleaved>} : vector<32xbf16> -> vector<16xf32>
        %unpack3A_440 = tpu.unpack_subelements %bitcast3A_438, 1 {pack_format = #tpu.pack_format<interleaved>} : vector<32xbf16> -> vector<16xf32>
        %mul3A_441 = arith.mulf %unpack3A, %get3A_323 : vector<16xf32>
        tpu.vector_store_idx %arg8[%shift_right_logical3A_390], %mul3A_441 {add = true} : memref<16384xf32, #tpu.memory_space<vmem>>[vector<16xi32>], vector<16xf32>,
        %mul3A_442 = arith.mulf %unpack3A_419, %get3A_323 : vector<16xf32>
        tpu.vector_store_idx %arg9[%shift_right_logical3A_390], %mul3A_442 {add = true} : memref<16384xf32, #tpu.memory_space<vmem>>[vector<16xi32>], vector<16xf32>,
        %mul3A_443 = arith.mulf %unpack3A_421, %get3A_329 : vector<16xf32>
        tpu.vector_store_idx %arg8[%shift_right_logical3A_393], %mul3A_443 {add = true} : memref<16384xf32, #tpu.memory_space<vmem>>[vector<16xi32>], vector<16xf32>,
        %mul3A_444 = arith.mulf %unpack3A_422, %get3A_329 : vector<16xf32>
        tpu.vector_store_idx %arg9[%shift_right_logical3A_393], %mul3A_444 {add = true} : memref<16384xf32, #tpu.memory_space<vmem>>[vector<16xi32>], vector<16xf32>,
        %mul3A_445 = arith.mulf %unpack3A_424, %get3A_335 : vector<16xf32>
        tpu.vector_store_idx %arg8[%shift_right_logical3A_396], %mul3A_445 {add = true} : memref<16384xf32, #tpu.memory_space<vmem>>[vector<16xi32>], vector<16xf32>,
        %mul3A_446 = arith.mulf %unpack3A_425, %get3A_335 : vector<16xf32>
        tpu.vector_store_idx %arg9[%shift_right_logical3A_396], %mul3A_446 {add = true} : memref<16384xf32, #tpu.memory_space<vmem>>[vector<16xi32>], vector<16xf32>,
        %mul3A_447 = arith.mulf %unpack3A_427, %get3A_341 : vector<16xf32>
        tpu.vector_store_idx %arg8[%shift_right_logical3A_399], %mul3A_447 {add = true} : memref<16384xf32, #tpu.memory_space<vmem>>[vector<16xi32>], vector<16xf32>,
        %mul3A_448 = arith.mulf %unpack3A_428, %get3A_341 : vector<16xf32>
        tpu.vector_store_idx %arg9[%shift_right_logical3A_399], %mul3A_448 {add = true} : memref<16384xf32, #tpu.memory_space<vmem>>[vector<16xi32>], vector<16xf32>,
        %mul3A_449 = arith.mulf %unpack3A_430, %get3A_347 : vector<16xf32>
        tpu.vector_store_idx %arg8[%shift_right_logical3A_402], %mul3A_449 {add = true} : memref<16384xf32, #tpu.memory_space<vmem>>[vector<16xi32>], vector<16xf32>,
        %mul3A_450 = arith.mulf %unpack3A_431, %get3A_347 : vector<16xf32>
        tpu.vector_store_idx %arg9[%shift_right_logical3A_402], %mul3A_450 {add = true} : memref<16384xf32, #tpu.memory_space<vmem>>[vector<16xi32>], vector<16xf32>,
        %mul3A_451 = arith.mulf %unpack3A_433, %get3A_353 : vector<16xf32>
        tpu.vector_store_idx %arg8[%shift_right_logical3A_405], %mul3A_451 {add = true} : memref<16384xf32, #tpu.memory_space<vmem>>[vector<16xi32>], vector<16xf32>,
        %mul3A_452 = arith.mulf %unpack3A_434, %get3A_353 : vector<16xf32>
        tpu.vector_store_idx %arg9[%shift_right_logical3A_405], %mul3A_452 {add = true} : memref<16384xf32, #tpu.memory_space<vmem>>[vector<16xi32>], vector<16xf32>,
        %mul3A_453 = arith.mulf %unpack3A_436, %get3A_359 : vector<16xf32>
        tpu.vector_store_idx %arg8[%shift_right_logical3A_408], %mul3A_453 {add = true} : memref<16384xf32, #tpu.memory_space<vmem>>[vector<16xi32>], vector<16xf32>,
        %mul3A_454 = arith.mulf %unpack3A_437, %get3A_359 : vector<16xf32>
        tpu.vector_store_idx %arg9[%shift_right_logical3A_408], %mul3A_454 {add = true} : memref<16384xf32, #tpu.memory_space<vmem>>[vector<16xi32>], vector<16xf32>,
        %mul3A_455 = arith.mulf %unpack3A_439, %get3A_365 : vector<16xf32>
        tpu.vector_store_idx %arg8[%shift_right_logical3A_411], %mul3A_455 {add = true} : memref<16384xf32, #tpu.memory_space<vmem>>[vector<16xi32>], vector<16xf32>,
        %mul3A_456 = arith.mulf %unpack3A_440, %get3A_365 : vector<16xf32>
        tpu.vector_store_idx %arg9[%shift_right_logical3A_411], %mul3A_456 {add = true} : memref<16384xf32, #tpu.memory_space<vmem>>[vector<16xi32>], vector<16xf32>,
        %scan3A_457 = arith.constant 0 : i32
        scf.yield %scan3A_457 : i32
      }
      %scan3A_218 = arith.constant 8 : i32
      %add3A_219 = arith.constant 4 : i32
      %add3A_220 = arith.addi %add3A_189, %add3A_219 : i32
      %lt3A_221 = arith.constant 264 : i32
      %lt3A_222 = arith.cmpi slt, %add3A_220, %lt3A_221 : i32
      %convert_element_type3A_223 = arith.extui %lt3A_222 : i1 to i32
      %cond3A_224 = arith.constant 0 : i32
      %cond3A_225 = arith.cmpi ne, %convert_element_type3A_223, %cond3A_224 : i32
      scf.if %cond3A_225 {
        %add3A_267 = arith.constant 4 : i32
        %add3A_268 = arith.addi %add3A_189, %add3A_267 : i32
        %mul3A_269 = arith.constant 1024 : i32
        %mul3A_270 = arith.muli %add3A_268, %mul3A_269 : i32
        %dma_start3A_271 = arith.constant 2 : i32
        %dma_start3A_272 = arith.constant 0 : i32
        %dma_start3A_273 = tpu.memref_slice %arg10[%dma_start3A_271, %dma_start3A_272] : memref<4x1024xi32, #tpu.memory_space<vmem>> -> memref<1x1024xi32, #tpu.memory_space<vmem>>
        %dma_start3A_274 = tpu.memref_squeeze %dma_start3A_273 : memref<1x1024xi32, #tpu.memory_space<vmem>> -> memref<1024xi32, #tpu.memory_space<vmem>>
        %dma_start3A_275 = tpu.memref_slice %arg3[%mul3A_270] : memref<270336xi32, #tpu.memory_space<hbm>> -> memref<1024xi32, #tpu.memory_space<hbm>>
        %dma_start3A_276 = arith.constant 0 : i32
        %dma_start3A_277 = tpu.memref_slice %arg10[%dma_start3A_271, %dma_start3A_276] : memref<4x1024xi32, #tpu.memory_space<vmem>> -> memref<1x1024xi32, #tpu.memory_space<vmem>>
        %dma_start3A_278 = tpu.memref_squeeze %dma_start3A_277 : memref<1x1024xi32, #tpu.memory_space<vmem>> -> memref<1024xi32, #tpu.memory_space<vmem>>
        %dma_start3A_279 = tpu.memref_slice %arg3[%mul3A_270] : memref<270336xi32, #tpu.memory_space<hbm>> -> memref<1024xi32, #tpu.memory_space<hbm>>
        tpu.enqueue_dma source(%dma_start3A_279 : memref<1024xi32, #tpu.memory_space<hbm>>) target(%dma_start3A_278 : memref<1024xi32, #tpu.memory_space<vmem>>) target_semaphore(%arg13 : memref<!tpu.dma_semaphore, #tpu.memory_space<semaphore_mem>>)
        %mul3A_280 = arith.constant 1024 : i32
        %mul3A_281 = arith.muli %add3A_268, %mul3A_280 : i32
        %dma_start3A_282 = arith.constant 2 : i32
        %dma_start3A_283 = arith.constant 0 : i32
        %dma_start3A_284 = tpu.memref_slice %arg11[%dma_start3A_282, %dma_start3A_283] : memref<4x1024xf32, #tpu.memory_space<vmem>> -> memref<1x1024xf32, #tpu.memory_space<vmem>>
        %dma_start3A_285 = tpu.memref_squeeze %dma_start3A_284 : memref<1x1024xf32, #tpu.memory_space<vmem>> -> memref<1024xf32, #tpu.memory_space<vmem>>
        %dma_start3A_286 = tpu.memref_slice %arg4[%mul3A_281] : memref<270336xf32, #tpu.memory_space<hbm>> -> memref<1024xf32, #tpu.memory_space<hbm>>
        %dma_start3A_287 = arith.constant 0 : i32
        %dma_start3A_288 = tpu.memref_slice %arg11[%dma_start3A_282, %dma_start3A_287] : memref<4x1024xf32, #tpu.memory_space<vmem>> -> memref<1x1024xf32, #tpu.memory_space<vmem>>
        %dma_start3A_289 = tpu.memref_squeeze %dma_start3A_288 : memref<1x1024xf32, #tpu.memory_space<vmem>> -> memref<1024xf32, #tpu.memory_space<vmem>>
        %dma_start3A_290 = tpu.memref_slice %arg4[%mul3A_281] : memref<270336xf32, #tpu.memory_space<hbm>> -> memref<1024xf32, #tpu.memory_space<hbm>>
        tpu.enqueue_dma source(%dma_start3A_290 : memref<1024xf32, #tpu.memory_space<hbm>>) target(%dma_start3A_289 : memref<1024xf32, #tpu.memory_space<vmem>>) target_semaphore(%arg13 : memref<!tpu.dma_semaphore, #tpu.memory_space<semaphore_mem>>)
      } else {
      }
      %mul3A_226 = arith.constant 4 : i32
      %mul3A_227 = arith.muli %scan3A_107, %mul3A_226 : i32
      %add3A_228 = arith.constant 3 : i32
      %add3A_229 = arith.addi %mul3A_227, %add3A_228 : i32
      %mul3A_230 = arith.constant 1024 : i32
      %mul3A_231 = arith.muli %add3A_229, %mul3A_230 : i32
      %dma_wait3A_232 = arith.constant 3 : i32
      %dma_wait3A_233 = arith.constant 0 : i32
      %dma_wait3A_234 = tpu.memref_slice %arg10[%dma_wait3A_232, %dma_wait3A_233] : memref<4x1024xi32, #tpu.memory_space<vmem>> -> memref<1x1024xi32, #tpu.memory_space<vmem>>
      %dma_wait3A_235 = tpu.memref_squeeze %dma_wait3A_234 : memref<1x1024xi32, #tpu.memory_space<vmem>> -> memref<1024xi32, #tpu.memory_space<vmem>>
      %dma_wait3A_236 = tpu.memref_slice %arg3[%mul3A_231] : memref<270336xi32, #tpu.memory_space<hbm>> -> memref<1024xi32, #tpu.memory_space<hbm>>
      %dma_wait3A_237 = arith.constant 0 : i32
      %dma_wait3A_238 = tpu.memref_slice %arg10[%dma_wait3A_232, %dma_wait3A_237] : memref<4x1024xi32, #tpu.memory_space<vmem>> -> memref<1x1024xi32, #tpu.memory_space<vmem>>
      %dma_wait3A_239 = tpu.memref_squeeze %dma_wait3A_238 : memref<1x1024xi32, #tpu.memory_space<vmem>> -> memref<1024xi32, #tpu.memory_space<vmem>>
      %dma_wait3A_240 = tpu.memref_slice %arg3[%mul3A_231] : memref<270336xi32, #tpu.memory_space<hbm>> -> memref<1024xi32, #tpu.memory_space<hbm>>
      tpu.wait_dma2 semaphore(%arg13 : memref<!tpu.dma_semaphore, #tpu.memory_space<semaphore_mem>>) src(%dma_wait3A_240 : memref<1024xi32, #tpu.memory_space<hbm>>) dst(%dma_wait3A_239 : memref<1024xi32, #tpu.memory_space<vmem>>)
      %mul3A_241 = arith.constant 1024 : i32
      %mul3A_242 = arith.muli %add3A_229, %mul3A_241 : i32
      %dma_wait3A_243 = arith.constant 3 : i32
      %dma_wait3A_244 = arith.constant 0 : i32
      %dma_wait3A_245 = tpu.memref_slice %arg11[%dma_wait3A_243, %dma_wait3A_244] : memref<4x1024xf32, #tpu.memory_space<vmem>> -> memref<1x1024xf32, #tpu.memory_space<vmem>>
      %dma_wait3A_246 = tpu.memref_squeeze %dma_wait3A_245 : memref<1x1024xf32, #tpu.memory_space<vmem>> -> memref<1024xf32, #tpu.memory_space<vmem>>
      %dma_wait3A_247 = tpu.memref_slice %arg4[%mul3A_242] : memref<270336xf32, #tpu.memory_space<hbm>> -> memref<1024xf32, #tpu.memory_space<hbm>>
      %dma_wait3A_248 = arith.constant 0 : i32
      %dma_wait3A_249 = tpu.memref_slice %arg11[%dma_wait3A_243, %dma_wait3A_248] : memref<4x1024xf32, #tpu.memory_space<vmem>> -> memref<1x1024xf32, #tpu.memory_space<vmem>>
      %dma_wait3A_250 = tpu.memref_squeeze %dma_wait3A_249 : memref<1x1024xf32, #tpu.memory_space<vmem>> -> memref<1024xf32, #tpu.memory_space<vmem>>
      %dma_wait3A_251 = tpu.memref_slice %arg4[%mul3A_242] : memref<270336xf32, #tpu.memory_space<hbm>> -> memref<1024xf32, #tpu.memory_space<hbm>>
      tpu.wait_dma2 semaphore(%arg13 : memref<!tpu.dma_semaphore, #tpu.memory_space<semaphore_mem>>) src(%dma_wait3A_251 : memref<1024xf32, #tpu.memory_space<hbm>>) dst(%dma_wait3A_250 : memref<1024xf32, #tpu.memory_space<vmem>>)
      %scan3A_252 = arith.constant 0 : i32
      %scan3A_253 = arith.constant 0 : i32
      %scan3A_254 = arith.constant 8 : i32
      %scan3A_255 = arith.addi %scan3A_253, %scan3A_254 : i32
      %scan3A_256 = arith.constant 1 : i32
      %scan3A_257 = scf.for %scan3A_267 = %scan3A_253 to %scan3A_255 step %scan3A_256 iter_args(%scan3A_268 = %scan3A_252) -> (i32)  : i32 {
        %mul3A_269 = arith.constant 128 : i32
        %mul3A_270 = arith.muli %scan3A_267, %mul3A_269 : i32
        %add3A_271 = arith.constant 0 : i32
        %add3A_272 = arith.addi %mul3A_270, %add3A_271 : i32
        %get3A = arith.constant 3 : i32
        %get3A_273 = arith.index_cast %get3A : i32 to index
        %get3A_274 = arith.index_cast %add3A_272 : i32 to index
        %get3A_275 = tpu.vector_load %arg10[%get3A_273, %get3A_274] {strides = array<i32>} : memref<4x1024xi32, #tpu.memory_space<vmem>>, vector<16xi32>,
        %add3A_276 = arith.constant 16 : i32
        %add3A_277 = arith.addi %mul3A_270, %add3A_276 : i32
        %get3A_278 = arith.constant 3 : i32
        %get3A_279 = arith.index_cast %get3A_278 : i32 to index
        %get3A_280 = arith.index_cast %add3A_277 : i32 to index
        %get3A_281 = tpu.vector_load %arg10[%get3A_279, %get3A_280] {strides = array<i32>} : memref<4x1024xi32, #tpu.memory_space<vmem>>, vector<16xi32>,
        %add3A_282 = arith.constant 32 : i32
        %add3A_283 = arith.addi %mul3A_270, %add3A_282 : i32
        %get3A_284 = arith.constant 3 : i32
        %get3A_285 = arith.index_cast %get3A_284 : i32 to index
        %get3A_286 = arith.index_cast %add3A_283 : i32 to index
        %get3A_287 = tpu.vector_load %arg10[%get3A_285, %get3A_286] {strides = array<i32>} : memref<4x1024xi32, #tpu.memory_space<vmem>>, vector<16xi32>,
        %add3A_288 = arith.constant 48 : i32
        %add3A_289 = arith.addi %mul3A_270, %add3A_288 : i32
        %get3A_290 = arith.constant 3 : i32
        %get3A_291 = arith.index_cast %get3A_290 : i32 to index
        %get3A_292 = arith.index_cast %add3A_289 : i32 to index
        %get3A_293 = tpu.vector_load %arg10[%get3A_291, %get3A_292] {strides = array<i32>} : memref<4x1024xi32, #tpu.memory_space<vmem>>, vector<16xi32>,
        %add3A_294 = arith.constant 64 : i32
        %add3A_295 = arith.addi %mul3A_270, %add3A_294 : i32
        %get3A_296 = arith.constant 3 : i32
        %get3A_297 = arith.index_cast %get3A_296 : i32 to index
        %get3A_298 = arith.index_cast %add3A_295 : i32 to index
        %get3A_299 = tpu.vector_load %arg10[%get3A_297, %get3A_298] {strides = array<i32>} : memref<4x1024xi32, #tpu.memory_space<vmem>>, vector<16xi32>,
        %add3A_300 = arith.constant 80 : i32
        %add3A_301 = arith.addi %mul3A_270, %add3A_300 : i32
        %get3A_302 = arith.constant 3 : i32
        %get3A_303 = arith.index_cast %get3A_302 : i32 to index
        %get3A_304 = arith.index_cast %add3A_301 : i32 to index
        %get3A_305 = tpu.vector_load %arg10[%get3A_303, %get3A_304] {strides = array<i32>} : memref<4x1024xi32, #tpu.memory_space<vmem>>, vector<16xi32>,
        %add3A_306 = arith.constant 96 : i32
        %add3A_307 = arith.addi %mul3A_270, %add3A_306 : i32
        %get3A_308 = arith.constant 3 : i32
        %get3A_309 = arith.index_cast %get3A_308 : i32 to index
        %get3A_310 = arith.index_cast %add3A_307 : i32 to index
        %get3A_311 = tpu.vector_load %arg10[%get3A_309, %get3A_310] {strides = array<i32>} : memref<4x1024xi32, #tpu.memory_space<vmem>>, vector<16xi32>,
        %add3A_312 = arith.constant 112 : i32
        %add3A_313 = arith.addi %mul3A_270, %add3A_312 : i32
        %get3A_314 = arith.constant 3 : i32
        %get3A_315 = arith.index_cast %get3A_314 : i32 to index
        %get3A_316 = arith.index_cast %add3A_313 : i32 to index
        %get3A_317 = tpu.vector_load %arg10[%get3A_315, %get3A_316] {strides = array<i32>} : memref<4x1024xi32, #tpu.memory_space<vmem>>, vector<16xi32>,
        %add3A_318 = arith.constant 0 : i32
        %add3A_319 = arith.addi %mul3A_270, %add3A_318 : i32
        %get3A_320 = arith.constant 3 : i32
        %get3A_321 = arith.index_cast %get3A_320 : i32 to index
        %get3A_322 = arith.index_cast %add3A_319 : i32 to index
        %get3A_323 = tpu.vector_load %arg11[%get3A_321, %get3A_322] {strides = array<i32>} : memref<4x1024xf32, #tpu.memory_space<vmem>>, vector<16xf32>,
        %add3A_324 = arith.constant 16 : i32
        %add3A_325 = arith.addi %mul3A_270, %add3A_324 : i32
        %get3A_326 = arith.constant 3 : i32
        %get3A_327 = arith.index_cast %get3A_326 : i32 to index
        %get3A_328 = arith.index_cast %add3A_325 : i32 to index
        %get3A_329 = tpu.vector_load %arg11[%get3A_327, %get3A_328] {strides = array<i32>} : memref<4x1024xf32, #tpu.memory_space<vmem>>, vector<16xf32>,
        %add3A_330 = arith.constant 32 : i32
        %add3A_331 = arith.addi %mul3A_270, %add3A_330 : i32
        %get3A_332 = arith.constant 3 : i32
        %get3A_333 = arith.index_cast %get3A_332 : i32 to index
        %get3A_334 = arith.index_cast %add3A_331 : i32 to index
        %get3A_335 = tpu.vector_load %arg11[%get3A_333, %get3A_334] {strides = array<i32>} : memref<4x1024xf32, #tpu.memory_space<vmem>>, vector<16xf32>,
        %add3A_336 = arith.constant 48 : i32
        %add3A_337 = arith.addi %mul3A_270, %add3A_336 : i32
        %get3A_338 = arith.constant 3 : i32
        %get3A_339 = arith.index_cast %get3A_338 : i32 to index
        %get3A_340 = arith.index_cast %add3A_337 : i32 to index
        %get3A_341 = tpu.vector_load %arg11[%get3A_339, %get3A_340] {strides = array<i32>} : memref<4x1024xf32, #tpu.memory_space<vmem>>, vector<16xf32>,
        %add3A_342 = arith.constant 64 : i32
        %add3A_343 = arith.addi %mul3A_270, %add3A_342 : i32
        %get3A_344 = arith.constant 3 : i32
        %get3A_345 = arith.index_cast %get3A_344 : i32 to index
        %get3A_346 = arith.index_cast %add3A_343 : i32 to index
        %get3A_347 = tpu.vector_load %arg11[%get3A_345, %get3A_346] {strides = array<i32>} : memref<4x1024xf32, #tpu.memory_space<vmem>>, vector<16xf32>,
        %add3A_348 = arith.constant 80 : i32
        %add3A_349 = arith.addi %mul3A_270, %add3A_348 : i32
        %get3A_350 = arith.constant 3 : i32
        %get3A_351 = arith.index_cast %get3A_350 : i32 to index
        %get3A_352 = arith.index_cast %add3A_349 : i32 to index
        %get3A_353 = tpu.vector_load %arg11[%get3A_351, %get3A_352] {strides = array<i32>} : memref<4x1024xf32, #tpu.memory_space<vmem>>, vector<16xf32>,
        %add3A_354 = arith.constant 96 : i32
        %add3A_355 = arith.addi %mul3A_270, %add3A_354 : i32
        %get3A_356 = arith.constant 3 : i32
        %get3A_357 = arith.index_cast %get3A_356 : i32 to index
        %get3A_358 = arith.index_cast %add3A_355 : i32 to index
        %get3A_359 = tpu.vector_load %arg11[%get3A_357, %get3A_358] {strides = array<i32>} : memref<4x1024xf32, #tpu.memory_space<vmem>>, vector<16xf32>,
        %add3A_360 = arith.constant 112 : i32
        %add3A_361 = arith.addi %mul3A_270, %add3A_360 : i32
        %get3A_362 = arith.constant 3 : i32
        %get3A_363 = arith.index_cast %get3A_362 : i32 to index
        %get3A_364 = arith.index_cast %add3A_361 : i32 to index
        %get3A_365 = tpu.vector_load %arg11[%get3A_363, %get3A_364] {strides = array<i32>} : memref<4x1024xf32, #tpu.memory_space<vmem>>, vector<16xf32>,
        %and3A = arith.constant 65535 : i32
        %and3A_366 = vector.broadcast %and3A : i32 to vector<16xi32>
        %and3A_367 = arith.andi %get3A_275, %and3A_366 : vector<16xi32>
        %and3A_368 = arith.constant 65535 : i32
        %and3A_369 = vector.broadcast %and3A_368 : i32 to vector<16xi32>
        %and3A_370 = arith.andi %get3A_281, %and3A_369 : vector<16xi32>
        %and3A_371 = arith.constant 65535 : i32
        %and3A_372 = vector.broadcast %and3A_371 : i32 to vector<16xi32>
        %and3A_373 = arith.andi %get3A_287, %and3A_372 : vector<16xi32>
        %and3A_374 = arith.constant 65535 : i32
        %and3A_375 = vector.broadcast %and3A_374 : i32 to vector<16xi32>
        %and3A_376 = arith.andi %get3A_293, %and3A_375 : vector<16xi32>
        %and3A_377 = arith.constant 65535 : i32
        %and3A_378 = vector.broadcast %and3A_377 : i32 to vector<16xi32>
        %and3A_379 = arith.andi %get3A_299, %and3A_378 : vector<16xi32>
        %and3A_380 = arith.constant 65535 : i32
        %and3A_381 = vector.broadcast %and3A_380 : i32 to vector<16xi32>
        %and3A_382 = arith.andi %get3A_305, %and3A_381 : vector<16xi32>
        %and3A_383 = arith.constant 65535 : i32
        %and3A_384 = vector.broadcast %and3A_383 : i32 to vector<16xi32>
        %and3A_385 = arith.andi %get3A_311, %and3A_384 : vector<16xi32>
        %and3A_386 = arith.constant 65535 : i32
        %and3A_387 = vector.broadcast %and3A_386 : i32 to vector<16xi32>
        %and3A_388 = arith.andi %get3A_317, %and3A_387 : vector<16xi32>
        %shift_right_logical3A = arith.constant 16 : i32
        %shift_right_logical3A_389 = vector.broadcast %shift_right_logical3A : i32 to vector<16xi32>
        %shift_right_logical3A_390 = arith.shrui %get3A_275, %shift_right_logical3A_389 : vector<16xi32>
        %shift_right_logical3A_391 = arith.constant 16 : i32
        %shift_right_logical3A_392 = vector.broadcast %shift_right_logical3A_391 : i32 to vector<16xi32>
        %shift_right_logical3A_393 = arith.shrui %get3A_281, %shift_right_logical3A_392 : vector<16xi32>
        %shift_right_logical3A_394 = arith.constant 16 : i32
        %shift_right_logical3A_395 = vector.broadcast %shift_right_logical3A_394 : i32 to vector<16xi32>
        %shift_right_logical3A_396 = arith.shrui %get3A_287, %shift_right_logical3A_395 : vector<16xi32>
        %shift_right_logical3A_397 = arith.constant 16 : i32
        %shift_right_logical3A_398 = vector.broadcast %shift_right_logical3A_397 : i32 to vector<16xi32>
        %shift_right_logical3A_399 = arith.shrui %get3A_293, %shift_right_logical3A_398 : vector<16xi32>
        %shift_right_logical3A_400 = arith.constant 16 : i32
        %shift_right_logical3A_401 = vector.broadcast %shift_right_logical3A_400 : i32 to vector<16xi32>
        %shift_right_logical3A_402 = arith.shrui %get3A_299, %shift_right_logical3A_401 : vector<16xi32>
        %shift_right_logical3A_403 = arith.constant 16 : i32
        %shift_right_logical3A_404 = vector.broadcast %shift_right_logical3A_403 : i32 to vector<16xi32>
        %shift_right_logical3A_405 = arith.shrui %get3A_305, %shift_right_logical3A_404 : vector<16xi32>
        %shift_right_logical3A_406 = arith.constant 16 : i32
        %shift_right_logical3A_407 = vector.broadcast %shift_right_logical3A_406 : i32 to vector<16xi32>
        %shift_right_logical3A_408 = arith.shrui %get3A_311, %shift_right_logical3A_407 : vector<16xi32>
        %shift_right_logical3A_409 = arith.constant 16 : i32
        %shift_right_logical3A_410 = vector.broadcast %shift_right_logical3A_409 : i32 to vector<16xi32>
        %shift_right_logical3A_411 = arith.shrui %get3A_317, %shift_right_logical3A_410 : vector<16xi32>
        %gather3A = tpu.vector_load_idx %arg7[%and3A_367] : memref<16384xi32, #tpu.memory_space<vmem>>[vector<16xi32>], vector<16xi32>,
        %gather3A_412 = tpu.vector_load_idx %arg7[%and3A_370] : memref<16384xi32, #tpu.memory_space<vmem>>[vector<16xi32>], vector<16xi32>,
        %gather3A_413 = tpu.vector_load_idx %arg7[%and3A_373] : memref<16384xi32, #tpu.memory_space<vmem>>[vector<16xi32>], vector<16xi32>,
        %gather3A_414 = tpu.vector_load_idx %arg7[%and3A_376] : memref<16384xi32, #tpu.memory_space<vmem>>[vector<16xi32>], vector<16xi32>,
        %gather3A_415 = tpu.vector_load_idx %arg7[%and3A_379] : memref<16384xi32, #tpu.memory_space<vmem>>[vector<16xi32>], vector<16xi32>,
        %gather3A_416 = tpu.vector_load_idx %arg7[%and3A_382] : memref<16384xi32, #tpu.memory_space<vmem>>[vector<16xi32>], vector<16xi32>,
        %gather3A_417 = tpu.vector_load_idx %arg7[%and3A_385] : memref<16384xi32, #tpu.memory_space<vmem>>[vector<16xi32>], vector<16xi32>,
        %gather3A_418 = tpu.vector_load_idx %arg7[%and3A_388] : memref<16384xi32, #tpu.memory_space<vmem>>[vector<16xi32>], vector<16xi32>,
        %bitcast3A = vector.bitcast %gather3A : vector<16xi32> to vector<32xbf16>
        %unpack3A = tpu.unpack_subelements %bitcast3A, 0 {pack_format = #tpu.pack_format<interleaved>} : vector<32xbf16> -> vector<16xf32>
        %unpack3A_419 = tpu.unpack_subelements %bitcast3A, 1 {pack_format = #tpu.pack_format<interleaved>} : vector<32xbf16> -> vector<16xf32>
        %bitcast3A_420 = vector.bitcast %gather3A_412 : vector<16xi32> to vector<32xbf16>
        %unpack3A_421 = tpu.unpack_subelements %bitcast3A_420, 0 {pack_format = #tpu.pack_format<interleaved>} : vector<32xbf16> -> vector<16xf32>
        %unpack3A_422 = tpu.unpack_subelements %bitcast3A_420, 1 {pack_format = #tpu.pack_format<interleaved>} : vector<32xbf16> -> vector<16xf32>
        %bitcast3A_423 = vector.bitcast %gather3A_413 : vector<16xi32> to vector<32xbf16>
        %unpack3A_424 = tpu.unpack_subelements %bitcast3A_423, 0 {pack_format = #tpu.pack_format<interleaved>} : vector<32xbf16> -> vector<16xf32>
        %unpack3A_425 = tpu.unpack_subelements %bitcast3A_423, 1 {pack_format = #tpu.pack_format<interleaved>} : vector<32xbf16> -> vector<16xf32>
        %bitcast3A_426 = vector.bitcast %gather3A_414 : vector<16xi32> to vector<32xbf16>
        %unpack3A_427 = tpu.unpack_subelements %bitcast3A_426, 0 {pack_format = #tpu.pack_format<interleaved>} : vector<32xbf16> -> vector<16xf32>
        %unpack3A_428 = tpu.unpack_subelements %bitcast3A_426, 1 {pack_format = #tpu.pack_format<interleaved>} : vector<32xbf16> -> vector<16xf32>
        %bitcast3A_429 = vector.bitcast %gather3A_415 : vector<16xi32> to vector<32xbf16>
        %unpack3A_430 = tpu.unpack_subelements %bitcast3A_429, 0 {pack_format = #tpu.pack_format<interleaved>} : vector<32xbf16> -> vector<16xf32>
        %unpack3A_431 = tpu.unpack_subelements %bitcast3A_429, 1 {pack_format = #tpu.pack_format<interleaved>} : vector<32xbf16> -> vector<16xf32>
        %bitcast3A_432 = vector.bitcast %gather3A_416 : vector<16xi32> to vector<32xbf16>
        %unpack3A_433 = tpu.unpack_subelements %bitcast3A_432, 0 {pack_format = #tpu.pack_format<interleaved>} : vector<32xbf16> -> vector<16xf32>
        %unpack3A_434 = tpu.unpack_subelements %bitcast3A_432, 1 {pack_format = #tpu.pack_format<interleaved>} : vector<32xbf16> -> vector<16xf32>
        %bitcast3A_435 = vector.bitcast %gather3A_417 : vector<16xi32> to vector<32xbf16>
        %unpack3A_436 = tpu.unpack_subelements %bitcast3A_435, 0 {pack_format = #tpu.pack_format<interleaved>} : vector<32xbf16> -> vector<16xf32>
        %unpack3A_437 = tpu.unpack_subelements %bitcast3A_435, 1 {pack_format = #tpu.pack_format<interleaved>} : vector<32xbf16> -> vector<16xf32>
        %bitcast3A_438 = vector.bitcast %gather3A_418 : vector<16xi32> to vector<32xbf16>
        %unpack3A_439 = tpu.unpack_subelements %bitcast3A_438, 0 {pack_format = #tpu.pack_format<interleaved>} : vector<32xbf16> -> vector<16xf32>
        %unpack3A_440 = tpu.unpack_subelements %bitcast3A_438, 1 {pack_format = #tpu.pack_format<interleaved>} : vector<32xbf16> -> vector<16xf32>
        %mul3A_441 = arith.mulf %unpack3A, %get3A_323 : vector<16xf32>
        tpu.vector_store_idx %arg8[%shift_right_logical3A_390], %mul3A_441 {add = true} : memref<16384xf32, #tpu.memory_space<vmem>>[vector<16xi32>], vector<16xf32>,
        %mul3A_442 = arith.mulf %unpack3A_419, %get3A_323 : vector<16xf32>
        tpu.vector_store_idx %arg9[%shift_right_logical3A_390], %mul3A_442 {add = true} : memref<16384xf32, #tpu.memory_space<vmem>>[vector<16xi32>], vector<16xf32>,
        %mul3A_443 = arith.mulf %unpack3A_421, %get3A_329 : vector<16xf32>
        tpu.vector_store_idx %arg8[%shift_right_logical3A_393], %mul3A_443 {add = true} : memref<16384xf32, #tpu.memory_space<vmem>>[vector<16xi32>], vector<16xf32>,
        %mul3A_444 = arith.mulf %unpack3A_422, %get3A_329 : vector<16xf32>
        tpu.vector_store_idx %arg9[%shift_right_logical3A_393], %mul3A_444 {add = true} : memref<16384xf32, #tpu.memory_space<vmem>>[vector<16xi32>], vector<16xf32>,
        %mul3A_445 = arith.mulf %unpack3A_424, %get3A_335 : vector<16xf32>
        tpu.vector_store_idx %arg8[%shift_right_logical3A_396], %mul3A_445 {add = true} : memref<16384xf32, #tpu.memory_space<vmem>>[vector<16xi32>], vector<16xf32>,
        %mul3A_446 = arith.mulf %unpack3A_425, %get3A_335 : vector<16xf32>
        tpu.vector_store_idx %arg9[%shift_right_logical3A_396], %mul3A_446 {add = true} : memref<16384xf32, #tpu.memory_space<vmem>>[vector<16xi32>], vector<16xf32>,
        %mul3A_447 = arith.mulf %unpack3A_427, %get3A_341 : vector<16xf32>
        tpu.vector_store_idx %arg8[%shift_right_logical3A_399], %mul3A_447 {add = true} : memref<16384xf32, #tpu.memory_space<vmem>>[vector<16xi32>], vector<16xf32>,
        %mul3A_448 = arith.mulf %unpack3A_428, %get3A_341 : vector<16xf32>
        tpu.vector_store_idx %arg9[%shift_right_logical3A_399], %mul3A_448 {add = true} : memref<16384xf32, #tpu.memory_space<vmem>>[vector<16xi32>], vector<16xf32>,
        %mul3A_449 = arith.mulf %unpack3A_430, %get3A_347 : vector<16xf32>
        tpu.vector_store_idx %arg8[%shift_right_logical3A_402], %mul3A_449 {add = true} : memref<16384xf32, #tpu.memory_space<vmem>>[vector<16xi32>], vector<16xf32>,
        %mul3A_450 = arith.mulf %unpack3A_431, %get3A_347 : vector<16xf32>
        tpu.vector_store_idx %arg9[%shift_right_logical3A_402], %mul3A_450 {add = true} : memref<16384xf32, #tpu.memory_space<vmem>>[vector<16xi32>], vector<16xf32>,
        %mul3A_451 = arith.mulf %unpack3A_433, %get3A_353 : vector<16xf32>
        tpu.vector_store_idx %arg8[%shift_right_logical3A_405], %mul3A_451 {add = true} : memref<16384xf32, #tpu.memory_space<vmem>>[vector<16xi32>], vector<16xf32>,
        %mul3A_452 = arith.mulf %unpack3A_434, %get3A_353 : vector<16xf32>
        tpu.vector_store_idx %arg9[%shift_right_logical3A_405], %mul3A_452 {add = true} : memref<16384xf32, #tpu.memory_space<vmem>>[vector<16xi32>], vector<16xf32>,
        %mul3A_453 = arith.mulf %unpack3A_436, %get3A_359 : vector<16xf32>
        tpu.vector_store_idx %arg8[%shift_right_logical3A_408], %mul3A_453 {add = true} : memref<16384xf32, #tpu.memory_space<vmem>>[vector<16xi32>], vector<16xf32>,
        %mul3A_454 = arith.mulf %unpack3A_437, %get3A_359 : vector<16xf32>
        tpu.vector_store_idx %arg9[%shift_right_logical3A_408], %mul3A_454 {add = true} : memref<16384xf32, #tpu.memory_space<vmem>>[vector<16xi32>], vector<16xf32>,
        %mul3A_455 = arith.mulf %unpack3A_439, %get3A_365 : vector<16xf32>
        tpu.vector_store_idx %arg8[%shift_right_logical3A_411], %mul3A_455 {add = true} : memref<16384xf32, #tpu.memory_space<vmem>>[vector<16xi32>], vector<16xf32>,
        %mul3A_456 = arith.mulf %unpack3A_440, %get3A_365 : vector<16xf32>
        tpu.vector_store_idx %arg9[%shift_right_logical3A_411], %mul3A_456 {add = true} : memref<16384xf32, #tpu.memory_space<vmem>>[vector<16xi32>], vector<16xf32>,
        %scan3A_457 = arith.constant 0 : i32
        scf.yield %scan3A_457 : i32
      }
      %scan3A_258 = arith.constant 8 : i32
      %add3A_259 = arith.constant 4 : i32
      %add3A_260 = arith.addi %add3A_229, %add3A_259 : i32
      %lt3A_261 = arith.constant 264 : i32
      %lt3A_262 = arith.cmpi slt, %add3A_260, %lt3A_261 : i32
      %convert_element_type3A_263 = arith.extui %lt3A_262 : i1 to i32
      %cond3A_264 = arith.constant 0 : i32
      %cond3A_265 = arith.cmpi ne, %convert_element_type3A_263, %cond3A_264 : i32
      scf.if %cond3A_265 {
        %add3A_267 = arith.constant 4 : i32
        %add3A_268 = arith.addi %add3A_229, %add3A_267 : i32
        %mul3A_269 = arith.constant 1024 : i32
        %mul3A_270 = arith.muli %add3A_268, %mul3A_269 : i32
        %dma_start3A_271 = arith.constant 3 : i32
        %dma_start3A_272 = arith.constant 0 : i32
        %dma_start3A_273 = tpu.memref_slice %arg10[%dma_start3A_271, %dma_start3A_272] : memref<4x1024xi32, #tpu.memory_space<vmem>> -> memref<1x1024xi32, #tpu.memory_space<vmem>>
        %dma_start3A_274 = tpu.memref_squeeze %dma_start3A_273 : memref<1x1024xi32, #tpu.memory_space<vmem>> -> memref<1024xi32, #tpu.memory_space<vmem>>
        %dma_start3A_275 = tpu.memref_slice %arg3[%mul3A_270] : memref<270336xi32, #tpu.memory_space<hbm>> -> memref<1024xi32, #tpu.memory_space<hbm>>
        %dma_start3A_276 = arith.constant 0 : i32
        %dma_start3A_277 = tpu.memref_slice %arg10[%dma_start3A_271, %dma_start3A_276] : memref<4x1024xi32, #tpu.memory_space<vmem>> -> memref<1x1024xi32, #tpu.memory_space<vmem>>
        %dma_start3A_278 = tpu.memref_squeeze %dma_start3A_277 : memref<1x1024xi32, #tpu.memory_space<vmem>> -> memref<1024xi32, #tpu.memory_space<vmem>>
        %dma_start3A_279 = tpu.memref_slice %arg3[%mul3A_270] : memref<270336xi32, #tpu.memory_space<hbm>> -> memref<1024xi32, #tpu.memory_space<hbm>>
        tpu.enqueue_dma source(%dma_start3A_279 : memref<1024xi32, #tpu.memory_space<hbm>>) target(%dma_start3A_278 : memref<1024xi32, #tpu.memory_space<vmem>>) target_semaphore(%arg13 : memref<!tpu.dma_semaphore, #tpu.memory_space<semaphore_mem>>)
        %mul3A_280 = arith.constant 1024 : i32
        %mul3A_281 = arith.muli %add3A_268, %mul3A_280 : i32
        %dma_start3A_282 = arith.constant 3 : i32
        %dma_start3A_283 = arith.constant 0 : i32
        %dma_start3A_284 = tpu.memref_slice %arg11[%dma_start3A_282, %dma_start3A_283] : memref<4x1024xf32, #tpu.memory_space<vmem>> -> memref<1x1024xf32, #tpu.memory_space<vmem>>
        %dma_start3A_285 = tpu.memref_squeeze %dma_start3A_284 : memref<1x1024xf32, #tpu.memory_space<vmem>> -> memref<1024xf32, #tpu.memory_space<vmem>>
        %dma_start3A_286 = tpu.memref_slice %arg4[%mul3A_281] : memref<270336xf32, #tpu.memory_space<hbm>> -> memref<1024xf32, #tpu.memory_space<hbm>>
        %dma_start3A_287 = arith.constant 0 : i32
        %dma_start3A_288 = tpu.memref_slice %arg11[%dma_start3A_282, %dma_start3A_287] : memref<4x1024xf32, #tpu.memory_space<vmem>> -> memref<1x1024xf32, #tpu.memory_space<vmem>>
        %dma_start3A_289 = tpu.memref_squeeze %dma_start3A_288 : memref<1x1024xf32, #tpu.memory_space<vmem>> -> memref<1024xf32, #tpu.memory_space<vmem>>
        %dma_start3A_290 = tpu.memref_slice %arg4[%mul3A_281] : memref<270336xf32, #tpu.memory_space<hbm>> -> memref<1024xf32, #tpu.memory_space<hbm>>
        tpu.enqueue_dma source(%dma_start3A_290 : memref<1024xf32, #tpu.memory_space<hbm>>) target(%dma_start3A_289 : memref<1024xf32, #tpu.memory_space<vmem>>) target_semaphore(%arg13 : memref<!tpu.dma_semaphore, #tpu.memory_space<semaphore_mem>>)
      } else {
      }
      %scan3A_266 = arith.constant 0 : i32
      scf.yield %scan3A_266 : i32
    }
    %scan3A_104 = arith.constant 66 : i32
    "tpu.region"() ({
      %run_scoped3A = tpu.sem_alloc : memref<!tpu.dma_semaphore, #tpu.memory_space<semaphore_mem>>
      %dma_start3A_107 = arith.constant 0 : i32
      %dma_start3A_108 = tpu.memref_slice %arg6[%add3A, %dma_start3A_107] : memref<64x16384xf32, #tpu.memory_space<hbm>> -> memref<1x16384xf32, #tpu.memory_space<hbm>>
      %dma_start3A_109 = tpu.memref_squeeze %dma_start3A_108 : memref<1x16384xf32, #tpu.memory_space<hbm>> -> memref<16384xf32, #tpu.memory_space<hbm>>
      %dma_start3A_110 = arith.constant 0 : i32
      %dma_start3A_111 = tpu.memref_slice %arg6[%add3A, %dma_start3A_110] : memref<64x16384xf32, #tpu.memory_space<hbm>> -> memref<1x16384xf32, #tpu.memory_space<hbm>>
      %dma_start3A_112 = tpu.memref_squeeze %dma_start3A_111 : memref<1x16384xf32, #tpu.memory_space<hbm>> -> memref<16384xf32, #tpu.memory_space<hbm>>
      tpu.enqueue_dma source(%arg8 : memref<16384xf32, #tpu.memory_space<vmem>>) target(%dma_start3A_112 : memref<16384xf32, #tpu.memory_space<hbm>>) target_semaphore(%run_scoped3A : memref<!tpu.dma_semaphore, #tpu.memory_space<semaphore_mem>>)
      %dma_wait3A_113 = arith.constant 0 : i32
      %dma_wait3A_114 = tpu.memref_slice %arg6[%add3A, %dma_wait3A_113] : memref<64x16384xf32, #tpu.memory_space<hbm>> -> memref<1x16384xf32, #tpu.memory_space<hbm>>
      %dma_wait3A_115 = tpu.memref_squeeze %dma_wait3A_114 : memref<1x16384xf32, #tpu.memory_space<hbm>> -> memref<16384xf32, #tpu.memory_space<hbm>>
      %dma_wait3A_116 = arith.constant 0 : i32
      %dma_wait3A_117 = tpu.memref_slice %arg6[%add3A, %dma_wait3A_116] : memref<64x16384xf32, #tpu.memory_space<hbm>> -> memref<1x16384xf32, #tpu.memory_space<hbm>>
      %dma_wait3A_118 = tpu.memref_squeeze %dma_wait3A_117 : memref<1x16384xf32, #tpu.memory_space<hbm>> -> memref<16384xf32, #tpu.memory_space<hbm>>
      tpu.wait_dma2 semaphore(%run_scoped3A : memref<!tpu.dma_semaphore, #tpu.memory_space<semaphore_mem>>) src(%arg8 : memref<16384xf32, #tpu.memory_space<vmem>>) dst(%dma_wait3A_118 : memref<16384xf32, #tpu.memory_space<hbm>>)
      tpu.yield
    }) : () -> ()
    %add3A_105 = arith.constant 32 : i32
    %add3A_106 = arith.addi %add3A, %add3A_105 : i32
    "tpu.region"() ({
      %run_scoped3A = tpu.sem_alloc : memref<!tpu.dma_semaphore, #tpu.memory_space<semaphore_mem>>
      %dma_start3A_107 = arith.constant 0 : i32
      %dma_start3A_108 = tpu.memref_slice %arg6[%add3A_106, %dma_start3A_107] : memref<64x16384xf32, #tpu.memory_space<hbm>> -> memref<1x16384xf32, #tpu.memory_space<hbm>>
      %dma_start3A_109 = tpu.memref_squeeze %dma_start3A_108 : memref<1x16384xf32, #tpu.memory_space<hbm>> -> memref<16384xf32, #tpu.memory_space<hbm>>
      %dma_start3A_110 = arith.constant 0 : i32
      %dma_start3A_111 = tpu.memref_slice %arg6[%add3A_106, %dma_start3A_110] : memref<64x16384xf32, #tpu.memory_space<hbm>> -> memref<1x16384xf32, #tpu.memory_space<hbm>>
      %dma_start3A_112 = tpu.memref_squeeze %dma_start3A_111 : memref<1x16384xf32, #tpu.memory_space<hbm>> -> memref<16384xf32, #tpu.memory_space<hbm>>
      tpu.enqueue_dma source(%arg9 : memref<16384xf32, #tpu.memory_space<vmem>>) target(%dma_start3A_112 : memref<16384xf32, #tpu.memory_space<hbm>>) target_semaphore(%run_scoped3A : memref<!tpu.dma_semaphore, #tpu.memory_space<semaphore_mem>>)
      %dma_wait3A_113 = arith.constant 0 : i32
      %dma_wait3A_114 = tpu.memref_slice %arg6[%add3A_106, %dma_wait3A_113] : memref<64x16384xf32, #tpu.memory_space<hbm>> -> memref<1x16384xf32, #tpu.memory_space<hbm>>
      %dma_wait3A_115 = tpu.memref_squeeze %dma_wait3A_114 : memref<1x16384xf32, #tpu.memory_space<hbm>> -> memref<16384xf32, #tpu.memory_space<hbm>>
      %dma_wait3A_116 = arith.constant 0 : i32
      %dma_wait3A_117 = tpu.memref_slice %arg6[%add3A_106, %dma_wait3A_116] : memref<64x16384xf32, #tpu.memory_space<hbm>> -> memref<1x16384xf32, #tpu.memory_space<hbm>>
      %dma_wait3A_118 = tpu.memref_squeeze %dma_wait3A_117 : memref<1x16384xf32, #tpu.memory_space<hbm>> -> memref<16384xf32, #tpu.memory_space<hbm>>
      tpu.wait_dma2 semaphore(%run_scoped3A : memref<!tpu.dma_semaphore, #tpu.memory_space<semaphore_mem>>) src(%arg9 : memref<16384xf32, #tpu.memory_space<vmem>>) dst(%dma_wait3A_118 : memref<16384xf32, #tpu.memory_space<hbm>>)
      tpu.yield
    }) : () -> ()
    return
  }
}

</mosaic_0001>

<sc_bundles>
// kernel: kernel.3.cloned.1.call-start
scs
__scs_entry_jumppad:
0x0: {  	(pc) =	sbr.rel $0x88, $3  }
0x1: {  	(tag) =	ssettag $0x0;
	lr =	simm.s32 $0x1  }
0x2: {  	[smem:$0x3F9D] =	sst lr;
	_ =	strace $0xD0000000  }
0x3: {  	_ = 	snop  }
0x4: {  	_ = 	snop  }
0x5: {  	_ = 	snop  }
0x6: {  	_ = 	snop  }
0x7: {  	_ = 	snop  }
__scs_overlays_trampoline_lowered:
0x8: {  	[smem:$0x3FAC] =	sst s0  }
0x9: {  	[smem:$0x3FAD] =	sst s1  }
0xa: {  	[smem:$0x3FAE] =	sst s2  }
0xb: {  	[smem:$0x3FAF] =	sst s3  }
0xc: {  	[smem:$0x3FB0] =	sst s4  }
0xd: {  	[smem:$0x3FB1] =	sst s5  }
0xe: {  	[smem:$0x3FB2] =	sst s6  }
0xf: {  	[smem:$0x3FB3] =	sst s7  }
0x10: {  	[smem:$0x3FB4] =	sst s8  }
0x11: {  	[smem:$0x3FB5] =	sst s9;
	s0 =	simm.s32 @!p0 $0x0  }
0x12: {  	s1 =	sld [smem:$0x3F9B];
	s0 =	simm.s32 @p0 $0x1  }
0x13: {  	[smem:$0x3FB6] =	sst s0;
	s0 =	simm.s32 @!p1 $0x0  }
0x14: {  	s2 =	sld [smem:$0x3F9A];
	s0 =	simm.s32 @p1 $0x1  }
0x15: {  	[smem:$0x3FB7] =	sst s0;
	s0 =	simm.s32 @!p2 $0x0  }
0x16: {  	s3 =	sld [smem:$0x3FDB];
	s0 =	simm.s32 @p2 $0x1  }
0x17: {  	s4 =	simm.s32 $0x1BF5;
	[smem:$0x3FB9] =	sst s0  }
0x18: {  	s0 =	sld [smem:$0x3F9C];
	_ =	swait.ge [sflag:s4], $0x0  }
0x19: {  	s7 =	sld [smem:$0x3F9D]  }
0x1a: {  	s8 =	sadd.s32 $0xFFFFE003, lr  }
0x1b: {  	s9 =	sadd.s32 $0xFFFFFEF7, lr;
	s5 =	simm.s32 $0xFFFFFFFF;
	p2 =	slt.u32 s8, $0xFFFFF086  }
0x1c: {  	p1 =	slt.u32 s9, $0xF7A;
	s5 =	simm.s32 @!p2 $0x0  }
0x1d: {  	s5 =	simm.s32 @p1 $0x1;
	p0 =	seq.s32 s7, s2  }
0x1e: {  	s7 =	smul.u32 @!p0 $0xF7A, s2;
	p2 =	seq.s32 @!p0 s5, $0x0  }
0x1f: {  	s9 =	smul.u32 $0xF7A, s1;
	s8 =	simm.s32 @!p0 $0x1BF5;
	p2 =	por !p2, p0  }
0x20: {  	[sflag:s8] =	ssyncset.s32 @!p0 $0xFFFFF086;
	s6 =	sadd.s32 @!p0 s3, s7;
	s7 =	simm.s32 @!p0 $0x108  }
0x21: {  	s3 =	sadd.s32 s3, s9;
	s6 =	sadd.s32 @!p0 $0x88, s6;
	s7 =	simm.s32 @p2 $0x1082  }
0x22: {  	[simem:s7], [sflag:s8] =	dma.local @!p0 [hbm:s6], $0xF7A  }
0x23: {  	s9 =	sor.u32 $0xD0000000, s2;
	s6 =	simm.s32 $0x108;
	_ =	swait.ge @!p0 [sflag:s8], $0x0  }
0x24: {  	s3 =	sadd.s32 $0x88, s3;
	s6 =	simm.s32 @!p1 $0x1082;
	[sflag:s4] =	ssyncset.s32 $0xFFFFF086  }
0x25: {  	[simem:s6], [sflag:s4] =	dma.local [hbm:s3], $0xF7A  }
0x26: {  	[smem:$0x3F9D] =	sst s1;
	(tag) =	ssettag s2;
	_ =	strace s9  }
0x27: {  	s1 =	sld [smem:$0x3FAD]  }
0x28: {  	s2 =	sld [smem:$0x3FAE]  }
0x29: {  	s4 =	sld [smem:$0x3FB0]  }
0x2a: {  	p0 =	seq.s32 s5, $0x0;
	s5 =	sld [smem:$0x3FB1]  }
0x2b: {  	s6 =	sld [smem:$0x3FB2]  }
0x2c: {  	s7 =	sld [smem:$0x3FB3]  }
0x2d: {  	s3 =	simm.s32 $0x108;
	s8 =	sld [smem:$0x3FB4]  }
0x2e: {  	s3 =	simm.s32 @!p0 $0x1082;
	s9 =	sld [smem:$0x3FB5]  }
0x2f: {  	lr =	sadd.s32 s0, s3;
	s0 =	sld [smem:$0x3FAC]  }
0x30: {  	s3 =	sld [smem:$0x3FAF]  }
0x31: {  	[smem:$0x3FB8] =	sst s10  }
0x32: {  	s10 =	sld [smem:$0x3FB6];
	_ =	sdelay $0x3  }
0x33: {  	p0 =	seq.s32 s10, $0x1;
	s10 =	sld [smem:$0x3FB8];
	_ =	sdelay $0x3  }
0x34: {  	[smem:$0x3FB8] =	sst s10  }
0x35: {  	s10 =	sld [smem:$0x3FB7];
	_ =	sdelay $0x3  }
0x36: {  	p1 =	seq.s32 s10, $0x1;
	s10 =	sld [smem:$0x3FB8];
	_ =	sdelay $0x3  }
0x37: {  	[smem:$0x3FB8] =	sst s10  }
0x38: {  	s10 =	sld [smem:$0x3FB9]  }
0x39: {  	_ = 	snop;
	(pc) =	sbr.ind lr, $3  }
0x3a: {  	_ = 	snop  }
0x3b: {  	_ = 	snop  }
0x3c: {  	p2 =	seq.s32 s10, $0x1;
	s10 =	sld [smem:$0x3FB8]  }
0x3d: {  	_ =	shalt  }
0x3e: {  	_ =	shalt  }
0x3f: {  	_ =	shalt  }
0x40: {  	_ =	shalt  }
0x41: {  	_ =	shalt  }
0x42: {  	_ =	shalt  }
0x43: {  	_ =	shalt  }
0x44: {  	_ =	shalt  }
0x45: {  	_ =	shalt  }
0x46: {  	_ =	shalt  }
0x47: {  	_ =	shalt  }
0x48: {  	_ =	shalt  }
0x49: {  	_ =	shalt  }
0x4a: {  	_ =	shalt  }
0x4b: {  	_ =	shalt  }
0x4c: {  	_ =	shalt  }
0x4d: {  	_ =	shalt  }
0x4e: {  	_ =	shalt  }
0x4f: {  	_ =	shalt  }
0x50: {  	_ =	shalt  }
0x51: {  	_ =	shalt  }
0x52: {  	_ =	shalt  }
0x53: {  	_ =	shalt  }
0x54: {  	_ =	shalt  }
0x55: {  	_ =	shalt  }
0x56: {  	_ =	shalt  }
0x57: {  	_ =	shalt  }
0x58: {  	_ =	shalt  }
0x59: {  	_ =	shalt  }
0x5a: {  	_ =	shalt  }
0x5b: {  	_ =	shalt  }
0x5c: {  	_ =	shalt  }
0x5d: {  	_ =	shalt  }
0x5e: {  	_ =	shalt  }
0x5f: {  	_ =	shalt  }
0x60: {  	_ =	shalt  }
0x61: {  	_ =	shalt  }
0x62: {  	_ =	shalt  }
0x63: {  	_ =	shalt  }
0x64: {  	_ =	shalt  }
0x65: {  	_ =	shalt  }
0x66: {  	_ =	shalt  }
0x67: {  	_ =	shalt  }
0x68: {  	_ =	shalt  }
0x69: {  	_ =	shalt  }
0x6a: {  	_ =	shalt  }
0x6b: {  	_ =	shalt  }
0x6c: {  	_ =	shalt  }
0x6d: {  	_ =	shalt  }
0x6e: {  	_ =	shalt  }
0x6f: {  	_ =	shalt  }
0x70: {  	_ =	shalt  }
0x71: {  	_ =	shalt  }
0x72: {  	_ =	shalt  }
0x73: {  	_ =	shalt  }
0x74: {  	_ =	shalt  }
0x75: {  	_ =	shalt  }
0x76: {  	_ =	shalt  }
0x77: {  	_ =	shalt  }
0x78: {  	_ =	shalt  }
0x79: {  	_ =	shalt  }
0x7a: {  	_ =	shalt  }
0x7b: {  	_ =	shalt  }
0x7c: {  	_ =	shalt  }
0x7d: {  	_ =	shalt  }
0x7e: {  	_ =	shalt  }
0x7f: {  	_ =	shalt  }
0x80: {  	_ =	shalt  }
0x81: {  	_ =	shalt  }
0x82: {  	_ =	shalt  }
0x83: {  	_ =	shalt  }
0x84: {  	_ =	shalt  }
0x85: {  	_ =	shalt  }
0x86: {  	_ =	shalt  }
0x87: {  	_ =	shalt  }
.Lfunc_end0:
.L_simem_size_0:
called_computation_lowered:
.L_overlay_start_0:
0x88: {  	s2 =	sld [smem:$0x3FD9]  }
0x89: {  	s3 =	sld [smem:$0x3FFE];
	_ =	sdelay $0x1  }
0x8a: {  	s1 =	srdreg.scid  }
0x8b: {  	s0 =	sand.u32 $0x1, s1  }
0x8c: {  	s17 =	sshll.u32 s0, $0xA;
	s2 =	sadd.s32 s3, s2  }
0x8d: {  	s2 =	sadd.s32 s2, s17  }
0x8e: {  	[smem:$0x3FC4] =	sst s2  }
0x8f: {  	_ = 	snop  }
0x90: {  	s2 =	sld [smem:$0x3FC6]  }
0x91: {  	s18 =	sld [smem:$0x3FD0];
	(tm) =	ssettm $0x1  }
0x92: {  	s4 =	sld [smem:$0x3FFB];
	_ =	sdelay $0x3  }
0x93: {  	_ =	strace s4  }
0x94: {  	s4 =	sld [smem:$0x3FFC];
	_ =	sdelay $0x3  }
0x95: {  	_ =	strace s4  }
0x96: {  	s4 =	sld [smem:$0x3FFD];
	_ =	sdelay $0x3  }
0x97: {  	_ =	strace s4  }
0x98: {  	_ =	strace $0x8FFFFFFF  }
0x99: {  	s19 =	sld [smem:$0x3FDB];
	_ =	sdelay $0x1  }
0x9a: {  	s5 =	simm.s32 $_scs_section_size  }
0x9b: {  	s6 =	simm.s32 $_size__tile_overlayer_lowered;
	s7 =	simm.s32 $_tile_overlayer_lowered  }
0x9c: {  	s22 =	simm.s32 $0x1BFF;
	s21 =	sshll.u32 s7, $0x1;
	s4 =	sadd.s32 s5, s19  }
0x9d: {  	s8 =	simm.s32 $0x0;
	s20 =	sshll.u32 s6, $0x1;
	s6 =	sadd.s32 s21, s4  }
0x9e: {  	[timem:s8], [sflag:s22] =	dma.local [hbm:s6], s20  }
0x9f: {  	_ =	swait.ge [sflag:s22], s20  }
0xa0: {  	s5 =	ssub.s32 $0x0, s20;
	[sflag:s22] =	ssyncset.done $0x0  }
0xa1: {  	[sflag:s22] =	ssyncadd.s32 s5;
	_ =	sdelay $0x1  }
0xa2: {  	s23 =	simm.s32 $0x1B8B  }
0xa3: {  	_ =	swait.ge [sflag:s23], $0x1  }
0xa4: {  	[sflag:s23] =	ssyncset.done $0x0  }
0xa5: {  	s25 =	simm.s32 $0x1B8E;
	s24 =	sld [smem:$0x3FFE];
	[sflag:s23] =	ssyncadd.s32 $0xFFFFFFFF  }
0xa6: {  	s26 =	simm.s32 $execute0_lowered;
	[smem:$0x3FD2] =	sst s25  }
0xa7: {  	s6 =	sshll.u32 s26, $0x1;
	_ =	strace $0x80000046;
	[dreg:$0x1] =	wrdreg $0xFFFFFFFF  }
0xa8: {  	s28 =	simm.s32 $_size_execute0_lowered;
	s4 =	sadd.s32 s4, s6;
	[dreg:$0x0] =	wrdreg $0x0  }
0xa9: {  	s6 =	sshll.u32 s28, $0x1;
	[dreg:$0x2] =	wrdreg s4  }
0xaa: {  	[dreg:$0x3] =	wrdreg s6  }
0xab: {  	[dreg:$0x4] =	wrdreg $0xC0  }
0xac: {  	_ =	task [dreg:s8], $0x5FFFF  }
0xad: {  	[dreg:$0x1] =	wrdreg $0xFFFFFFFF  }
0xae: {  	[dreg:$0x0] =	wrdreg $0x60  }
0xaf: {  	[dreg:$0x2] =	wrdreg s24  }
0xb0: {  	[dreg:$0x3] =	wrdreg s2  }
0xb1: {  	[dreg:$0x4] =	wrdreg s18  }
0xb2: {  	[dreg:$0x5] =	wrdreg $0x9  }
0xb3: {  	_ =	task.clear_ibuf [dreg:s8], $0x6FFFF;
	_ =	strace $0x90000046  }
0xb4: {  	s29 =	simm.s32 $0x9;
	_ =	strace $0x80000048  }
0xb5: {  	_ =	swait.ge [sflag:s29], $0x1  }
0xb6: {  	[sflag:s29] =	ssyncadd.s32 $0xFFFFFFFF  }
0xb7: {  	_ =	strace $0x90000048  }
0xb8: {  	_ =	sfence  }
0xb9: {  	s30 =	sld [smem:$0x0];
	_ =	sdelay $0x2  }
0xba: {  	s31 =	sshll.u32 s1, $0xD;
	s1 =	sshrl.u32 s1, $0x2  }
0xbb: {  	s3 =	sand.u32 $0x4000, s31;
	s1 =	sadd.s32 s1, s30  }
0xbc: {  	s0 =	sor.u32 s3, s0;
	s1 =	sshll.u32 s1, $0x11  }
0xbd: {  	s0 =	sor.u32 s1, s0  }
0xbe: {  	s0 =	sadd.s32 $0x8F2B, s0  }
0xbf: {  	[sflag:s0] =	ssyncadd.remote.s32 $0x1  }
0xc0: {  	_ =	sfence.sel $0xFFFF  }
0xc1: {  	[dreg:$0x0] =	wrdreg $0xFFFFFFFF;
	(pc) =	sbr.abs _section_cstart, $3  }
0xc2: {  	[dreg:$0x1] =	wrdreg $0xFFFFFFFF  }
0xc3: {  	_ =	task.clear_ibuf [dreg:s8], $0x2FFFF;
	_ =	strace $0x9FFFFFFF  }
0xc4: {  	(tm) =	ssettm $0x7FFFFFFF  }
0xc5: {  	_ =	shalt  }
tec
execute0_lowered:
.L_overlay_start_1:
0x0: {  	(tag) =	ssettag $0x1  }
0x1: {  	s4 =	stileid.u32  }
0x2: {  	s0 =	rddreg [dreg:$0x0];
	s3 =	sshll.u32 s4, $0x5  }
0x3: {  	s1 =	rddreg [dreg:$0x2];
	s6 =	sand.u32 $0x60, s3;
	s3 =	simm.s32 $0x0  }
0x4: {  	s26 =	sadd.s32 $0x10280, s0;
	[smem:$0x7FF] =	sst s3  }
0x5: {  	s9 =	sadd.s32 $0x10300, s0;
	_ =	strace $0x80000047;
	[dreg:$0x5] =	wrdreg s26  }
0x6: {  	s10 =	sadd.s32 $0x18700, s0;
	[dreg:$0x7] =	wrdreg s9  }
0x7: {  	s11 =	sadd.s32 $0x10380, s0;
	[dreg:$0x8] =	wrdreg s10  }
0x8: {  	s12 =	sadd.s32 $0x18780, s0;
	[dreg:$0x9] =	wrdreg s11  }
0x9: {  	s13 =	sadd.s32 $0x10210, s0;
	[dreg:$0xa] =	wrdreg s12  }
0xa: {  	s14 =	sadd.s32 $0x10220, s0;
	[dreg:$0xd] =	wrdreg s13  }
0xb: {  	s15 =	sadd.s32 $0x10230, s0;
	[dreg:$0xe] =	wrdreg s14  }
0xc: {  	s16 =	sadd.s32 $0x10240, s0;
	[dreg:$0xf] =	wrdreg s15  }
0xd: {  	s17 =	sadd.s32 $0x10250, s0;
	[dreg:$0x10] =	wrdreg s16  }
0xe: {  	s18 =	sadd.s32 $0x10260, s0;
	[dreg:$0x11] =	wrdreg s17  }
0xf: {  	s19 =	sadd.s32 $0x10270, s0;
	[dreg:$0x12] =	wrdreg s18  }
0x10: {  	s20 =	sadd.s32 $0x18610, s0;
	[dreg:$0x13] =	wrdreg s19  }
0x11: {  	s2 =	srdreg.scid;
	s21 =	sadd.s32 $0x18620, s0;
	[dreg:$0x14] =	wrdreg s20  }
0x12: {  	s2 =	sand.u32 $0x1, s2;
	s22 =	sadd.s32 $0x18630, s0;
	[dreg:$0x15] =	wrdreg s21  }
0x13: {  	s23 =	sadd.s32 $0x18640, s0;
	s24 =	sadd.s32 $0x18650, s0;
	[dreg:$0x16] =	wrdreg s22  }
0x14: {  	s5 =	sshll.u32 s2, $0x4;
	s2 =	ssub.s32 $0x2, s2;
	[dreg:$0x17] =	wrdreg s23  }
0x15: {  	s25 =	sadd.s32 $0x18660, s0;
	s8 =	sshrl.u32 s2, $0x1;
	[dreg:$0x18] =	wrdreg s24  }
0x16: {  	s2 =	ssub.s32 s2, s8;
	s8 =	sadd.s32 $0x18680, s0;
	[dreg:$0x19] =	wrdreg s25  }
0x17: {  	s26 =	sadd.s32 $0x18670, s0;
	[dreg:$0x6] =	wrdreg s8  }
0x18: {  	s9 =	sadd.s32 $0x102C0, s0;
	[dreg:$0x1a] =	wrdreg s26  }
0x19: {  	s10 =	sadd.s32 $0x102D0, s0;
	[dreg:$0x1e] =	wrdreg s9  }
0x1a: {  	s11 =	sadd.s32 $0x102E0, s0;
	[dreg:$0x1f] =	wrdreg s10  }
0x1b: {  	s12 =	sadd.s32 $0x102F0, s0;
	[smem:$0x7D8] =	sst s11  }
0x1c: {  	s13 =	sadd.s32 $0x18690, s0;
	[smem:$0x7D9] =	sst s12  }
0x1d: {  	s14 =	sadd.s32 $0x186A0, s0;
	[smem:$0x7DA] =	sst s13  }
0x1e: {  	s15 =	sadd.s32 $0x186B0, s0;
	[smem:$0x7DB] =	sst s14  }
0x1f: {  	s16 =	sadd.s32 $0x186C0, s0;
	[smem:$0x7DC] =	sst s15  }
0x20: {  	s17 =	sadd.s32 $0x186D0, s0;
	[smem:$0x7DD] =	sst s16  }
0x21: {  	s18 =	sadd.s32 $0x186E0, s0;
	[smem:$0x7DE] =	sst s17  }
0x22: {  	s19 =	sadd.s32 $0x186F0, s0;
	[smem:$0x7DF] =	sst s18  }
0x23: {  	s20 =	sadd.s32 $0x10310, s0;
	[smem:$0x7E0] =	sst s19  }
0x24: {  	s21 =	sadd.s32 $0x10320, s0;
	[smem:$0x7E1] =	sst s20  }
0x25: {  	s4 =	sshll.u32 s4, $0xC;
	s22 =	sadd.s32 $0x10330, s0;
	[smem:$0x7E2] =	sst s21  }
0x26: {  	s4 =	sand.u32 $0xC000, s4;
	s23 =	sadd.s32 $0x10340, s0;
	[smem:$0x7E3] =	sst s22  }
0x27: {  	s5 =	sor.u32 s5, s6;
	s24 =	sadd.s32 $0x10350, s0;
	[smem:$0x7E4] =	sst s23  }
0x28: {  	s6 =	sor.u32 s4, s5;
	s25 =	sadd.s32 $0x10360, s0;
	[smem:$0x7E5] =	sst s24  }
0x29: {  	s7 =	sadd.s32 s6, s0;
	s2 =	smax.u32 s2, $0x1;
	[smem:$0x7E6] =	sst s25  }
0x2a: {  	s1 =	sadd.s32 s1, s6;
	s6 =	sadd.s32 $0x10290, s0;
	[dreg:$0xc] =	wrdreg s2  }
0x2b: {  	s8 =	sadd.s32 $0x102B0, s0;
	[dreg:$0x1b] =	wrdreg s6  }
0x2c: {  	s26 =	sadd.s32 $0x10370, s0;
	[dreg:$0x1d] =	wrdreg s8  }
0x2d: {  	s9 =	sadd.s32 $0x18740, s0;
	[smem:$0x7E7] =	sst s26  }
0x2e: {  	s10 =	sadd.s32 $0x18750, s0;
	[smem:$0x7EB] =	sst s9  }
0x2f: {  	s11 =	sadd.s32 $0x18760, s0;
	[smem:$0x7EC] =	sst s10  }
0x30: {  	s12 =	sadd.s32 $0x18770, s0;
	[smem:$0x7ED] =	sst s11  }
0x31: {  	s13 =	sadd.s32 $0x10390, s0;
	[smem:$0x7EE] =	sst s12  }
0x32: {  	s14 =	sadd.s32 $0x103A0, s0;
	[smem:$0x7EF] =	sst s13  }
0x33: {  	s15 =	sadd.s32 $0x103B0, s0;
	[smem:$0x7F0] =	sst s14  }
0x34: {  	s16 =	sadd.s32 $0x103C0, s0;
	[smem:$0x7F1] =	sst s15  }
0x35: {  	s17 =	sadd.s32 $0x103D0, s0;
	[smem:$0x7F2] =	sst s16  }
0x36: {  	s18 =	sadd.s32 $0x103E0, s0;
	[smem:$0x7F3] =	sst s17  }
0x37: {  	s19 =	sadd.s32 $0x103F0, s0;
	[smem:$0x7F4] =	sst s18  }
0x38: {  	s28 =	simm.s32 $0xCD80;
	s20 =	sadd.s32 $0x18790, s0;
	[smem:$0x7F5] =	sst s19  }
0x39: {  	s29 =	simm.s32 $0xCF80;
	s21 =	sadd.s32 $0x187A0, s0;
	[smem:$0x7F6] =	sst s20  }
0x3a: {  	s30 =	simm.s32 $0xD180;
	s22 =	sadd.s32 $0x187B0, s0;
	[smem:$0x7F7] =	sst s21  }
0x3b: {  	s31 =	simm.s32 $0xD380;
	s23 =	sadd.s32 $0x187C0, s0;
	[smem:$0x7F8] =	sst s22  }
0x3c: {  	s4 =	sadd.s32 $0x10200, s0;
	s24 =	sadd.s32 $0x187D0, s0;
	[smem:$0x7F9] =	sst s23  }
0x3d: {  	s5 =	sadd.s32 $0x18600, s0;
	s25 =	sadd.s32 $0x187E0, s0;
	[smem:$0x7FA] =	sst s24  }
0x3e: {  	s7 =	sadd.s32 $0x200, s7;
	s6 =	sadd.s32 $0x18710, s0;
	[smem:$0x7FB] =	sst s25  }
0x3f: {  	s8 =	sadd.s32 $0x18730, s0;
	[dreg:$0xb] =	wrdreg s1;
	s26 =	sadd.s32 $0x10000, s1  }
0x40: {  	s14 =	simm.s32 $0x80;
	s15 =	simm.s32 $0x400;
	s20 =	simm.s32 $0x4000  }
0x41: {  	s21 =	simm.s32 $0x8000;
	s22 =	simm.s32 $0xC180;
	s23 =	simm.s32 $0xC380  }
0x42: {  	s24 =	simm.s32 $0xC580;
	s25 =	simm.s32 $0xC780;
	s13 =	simm.s32 $0xCB80  }
0x43: {  	s1 =	simm.s32 $0xD780;
	s2 =	simm.s32 $0xD980;
	[dreg:$0x4] =	wrdreg s7  }
0x44: {  	s9 =	simm.s32 $0x1;
	s10 =	simm.s32 $0x2;
	[smem:$0x7E8] =	sst s6  }
.Ltmp0:
0x45: {  	s12 =	simm.s32 $0x0;
	[smem:$0x7EA] =	sst s8;
	(pc) =	sbr.rel .LBB2_1-.Ltmp0, $4  }
0x46: {  	s7 =	sadd.s32 $0x102A0, s0;
	[smem:$0x7FD] =	sst s26;
	s26 =	simm.s32 $0xC980  }
0x47: {  	s6 =	simm.s32 $0xDB80;
	[dreg:$0x1c] =	wrdreg s7;
	s7 =	sadd.s32 $0x18720, s0  }
0x48: {  	s8 =	simm.s32 $0xDF80;
	s0 =	sadd.s32 $0x187F0, s0;
	[smem:$0x7E9] =	sst s7  }
0x49: {  	[smem:$0x7FC] =	sst s0;
	s0 =	simm.s32 $0xD580;
	s7 =	simm.s32 $0xDD80  }
.LBB2_12:
0x4a: {  	s11 =	rddreg [dreg:$0xb]  }
0x4b: {  	s14 =	simm.s32 $0x80;
	s15 =	simm.s32 $0x400;
	s16 =	simm.s32 $0x3  }
0x4c: {  	[hbm4b:s11+s14] =	stream.strided.scatter [tilespmem:s20], [sflag:$0x3], $0x4000, s15, s14, $0x38;
	[tilespmem:$0xE000] =	vst v63  }
0x4d: {  	_ =	swait.ge [sflag:s16], $0x4000  }
0x4e: {  	s18 =	sld [smem:$0x7FD]  }
0x4f: {  	[sflag:s16] =	ssyncset.done $0x0  }
0x50: {  	[sflag:s16] =	ssyncadd.s32 $0xFFFFC000  }
0x51: {  	[hbm4b:s18+s14] =	stream.strided.scatter [tilespmem:s21], [sflag:$0x3], $0x4000, s15, s14, $0x38;
	[tilespmem:$0xE000] =	vst v63  }
0x52: {  	_ =	swait.ge [sflag:s16], $0x4000  }
0x53: {  	s12 =	sadd.s32 $0x1, s12;
	s19 =	rddreg [dreg:$0xc]  }
0x54: {  	p0 =	sne.s32 s12, s19  }
.Ltmp1:
0x55: {  	_ = 	snop;
	(pc) =	sbr.rel @!p0 .LBB2_13-.Ltmp1, $3  }
0x56: {  	_ =	sdelay $0x1  }
0x57: {  	[sflag:s16] =	ssyncset.done $0x0  }
0x58: {  	[sflag:s16] =	ssyncadd.s32 $0xFFFFC000  }
.LBB2_1:
0x59: {  	s11 =	rddreg [dreg:$0x4]  }
0x5a: {  	[tilespmem:s3], [sflag:$0x1] =	stream.strided.gather [hbm4b:s11+s14], $0x4000, s15, s14, $0x38;
	[tilespmem:$0xE000] =	vst v63  }
0x5b: {  	s16 =	rddreg [dreg:$0x1]  }
0x5c: {  	[tilespmem:s20], [sflag:$0x1] =	stream.linear.gather [hbm4b:s16+s3], $0x4000, $0x38;
	[tilespmem:$0xE000] =	vst v63  }
0x5d: {  	_ = 	snop  }
0x5e: {  	[tilespmem:s21], [sflag:$0x1] =	stream.linear.gather [hbm4b:s16+s3], $0x4000, $0x38;
	[tilespmem:$0xE000] =	vst v63  }
0x5f: {  	s17 =	simm.s32 $0xC000  }
0x60: {  	[tilespmem:s17], [sflag:$0x2] =	stream.linear.gather [hbm4b:s4+s3], $0x80, $0x38;
	[tilespmem:$0xE000] =	vst v63  }
0x61: {  	s18 =	rddreg [dreg:$0xd];
	s19 =	simm.s32 $0xC200  }
0x62: {  	[tilespmem:s19], [sflag:$0x2] =	stream.linear.gather [hbm4b:s18+s3], $0x80, $0x38;
	[tilespmem:$0xE000] =	vst v63  }
0x63: {  	s14 =	rddreg [dreg:$0xe];
	s15 =	simm.s32 $0xC400  }
0x64: {  	[tilespmem:s15], [sflag:$0x2] =	stream.linear.gather [hbm4b:s14+s3], $0x80, $0x38;
	[tilespmem:$0xE000] =	vst v63  }
0x65: {  	s16 =	rddreg [dreg:$0xf];
	s17 =	simm.s32 $0xC600  }
0x66: {  	[tilespmem:s17], [sflag:$0x2] =	stream.linear.gather [hbm4b:s16+s3], $0x80, $0x38;
	[tilespmem:$0xE000] =	vst v63  }
0x67: {  	s18 =	rddreg [dreg:$0x10];
	s19 =	simm.s32 $0xC800  }
0x68: {  	[tilespmem:s19], [sflag:$0x2] =	stream.linear.gather [hbm4b:s18+s3], $0x80, $0x38;
	[tilespmem:$0xE000] =	vst v63  }
0x69: {  	s14 =	rddreg [dreg:$0x11];
	s15 =	simm.s32 $0xCA00  }
0x6a: {  	[tilespmem:s15], [sflag:$0x2] =	stream.linear.gather [hbm4b:s14+s3], $0x80, $0x38;
	[tilespmem:$0xE000] =	vst v63  }
0x6b: {  	s16 =	rddreg [dreg:$0x12];
	s17 =	simm.s32 $0xCC00  }
0x6c: {  	[tilespmem:s17], [sflag:$0x2] =	stream.linear.gather [hbm4b:s16+s3], $0x80, $0x38;
	[tilespmem:$0xE000] =	vst v63  }
0x6d: {  	s18 =	rddreg [dreg:$0x13];
	s19 =	simm.s32 $0xCE00  }
0x6e: {  	[tilespmem:s19], [sflag:$0x2] =	stream.linear.gather [hbm4b:s18+s3], $0x80, $0x38;
	[tilespmem:$0xE000] =	vst v63  }
0x6f: {  	s15 =	simm.s32 $0xD000;
	s14 =	rddreg [dreg:$0x16]  }
0x70: {  	[tilespmem:s15], [sflag:$0x2] =	stream.linear.gather [hbm4b:s5+s3], $0x80, $0x38;
	[tilespmem:$0xE000] =	vst v63  }
0x71: {  	s16 =	rddreg [dreg:$0x14];
	s17 =	simm.s32 $0xD200  }
0x72: {  	[tilespmem:s17], [sflag:$0x2] =	stream.linear.gather [hbm4b:s16+s3], $0x80, $0x38;
	[tilespmem:$0xE000] =	vst v63  }
0x73: {  	s18 =	rddreg [dreg:$0x15];
	s19 =	simm.s32 $0xD400  }
0x74: {  	[tilespmem:s19], [sflag:$0x2] =	stream.linear.gather [hbm4b:s18+s3], $0x80, $0x38;
	[tilespmem:$0xE000] =	vst v63  }
0x75: {  	s15 =	simm.s32 $0xD600;
	s16 =	rddreg [dreg:$0x17]  }
0x76: {  	[tilespmem:s15], [sflag:$0x2] =	stream.linear.gather [hbm4b:s14+s3], $0x80, $0x38;
	[tilespmem:$0xE000] =	vst v63  }
0x77: {  	s17 =	simm.s32 $0xD800;
	s18 =	rddreg [dreg:$0x18]  }
0x78: {  	[tilespmem:s17], [sflag:$0x2] =	stream.linear.gather [hbm4b:s16+s3], $0x80, $0x38;
	[tilespmem:$0xE000] =	vst v63  }
0x79: {  	s19 =	simm.s32 $0xDA00;
	s14 =	rddreg [dreg:$0x19]  }
0x7a: {  	[tilespmem:s19], [sflag:$0x2] =	stream.linear.gather [hbm4b:s18+s3], $0x80, $0x38;
	[tilespmem:$0xE000] =	vst v63  }
0x7b: {  	s15 =	simm.s32 $0xDC00;
	s16 =	rddreg [dreg:$0x1a]  }
0x7c: {  	[tilespmem:s15], [sflag:$0x2] =	stream.linear.gather [hbm4b:s14+s3], $0x80, $0x38;
	[tilespmem:$0xE000] =	vst v63  }
0x7d: {  	s17 =	simm.s32 $0xDE00;
	s18 =	rddreg [dreg:$0x5]  }
0x7e: {  	[tilespmem:s17], [sflag:$0x2] =	stream.linear.gather [hbm4b:s16+s3], $0x80, $0x38;
	[tilespmem:$0xE000] =	vst v63  }
0x7f: {  	s19 =	simm.s32 $0xC080;
	s14 =	rddreg [dreg:$0x1b]  }
0x80: {  	[tilespmem:s19], [sflag:$0x2] =	stream.linear.gather [hbm4b:s18+s3], $0x80, $0x38;
	[tilespmem:$0xE000] =	vst v63  }
0x81: {  	s15 =	simm.s32 $0xC280;
	s16 =	rddreg [dreg:$0x1c]  }
0x82: {  	[tilespmem:s15], [sflag:$0x2] =	stream.linear.gather [hbm4b:s14+s3], $0x80, $0x38;
	[tilespmem:$0xE000] =	vst v63  }
0x83: {  	s17 =	simm.s32 $0xC480;
	s18 =	rddreg [dreg:$0x1d]  }
0x84: {  	[tilespmem:s17], [sflag:$0x2] =	stream.linear.gather [hbm4b:s16+s3], $0x80, $0x38;
	[tilespmem:$0xE000] =	vst v63  }
0x85: {  	s19 =	simm.s32 $0xC680;
	s14 =	rddreg [dreg:$0x1e]  }
0x86: {  	[tilespmem:s19], [sflag:$0x2] =	stream.linear.gather [hbm4b:s18+s3], $0x80, $0x38;
	[tilespmem:$0xE000] =	vst v63  }
0x87: {  	s15 =	simm.s32 $0xC880;
	s16 =	rddreg [dreg:$0x1f]  }
0x88: {  	[tilespmem:s15], [sflag:$0x2] =	stream.linear.gather [hbm4b:s14+s3], $0x80, $0x38;
	[tilespmem:$0xE000] =	vst v63  }
0x89: {  	s17 =	simm.s32 $0xCA80;
	s18 =	sld [smem:$0x7D8]  }
0x8a: {  	[tilespmem:s17], [sflag:$0x2] =	stream.linear.gather [hbm4b:s16+s3], $0x80, $0x38;
	[tilespmem:$0xE000] =	vst v63  }
0x8b: {  	s19 =	simm.s32 $0xCC80;
	s14 =	sld [smem:$0x7D9]  }
0x8c: {  	[tilespmem:s19], [sflag:$0x2] =	stream.linear.gather [hbm4b:s18+s3], $0x80, $0x38;
	[tilespmem:$0xE000] =	vst v63  }
0x8d: {  	s15 =	simm.s32 $0xCE80;
	s16 =	rddreg [dreg:$0x6]  }
0x8e: {  	[tilespmem:s15], [sflag:$0x2] =	stream.linear.gather [hbm4b:s14+s3], $0x80, $0x38;
	[tilespmem:$0xE000] =	vst v63  }
0x8f: {  	s17 =	simm.s32 $0xD080;
	s18 =	sld [smem:$0x7DA]  }
0x90: {  	[tilespmem:s17], [sflag:$0x2] =	stream.linear.gather [hbm4b:s16+s3], $0x80, $0x38;
	[tilespmem:$0xE000] =	vst v63  }
0x91: {  	s19 =	simm.s32 $0xD280;
	s14 =	sld [smem:$0x7DB]  }
0x92: {  	[tilespmem:s19], [sflag:$0x2] =	stream.linear.gather [hbm4b:s18+s3], $0x80, $0x38;
	[tilespmem:$0xE000] =	vst v63  }
0x93: {  	s15 =	simm.s32 $0xD480;
	s16 =	sld [smem:$0x7DC]  }
0x94: {  	[tilespmem:s15], [sflag:$0x2] =	stream.linear.gather [hbm4b:s14+s3], $0x80, $0x38;
	[tilespmem:$0xE000] =	vst v63  }
0x95: {  	s17 =	simm.s32 $0xD680;
	s18 =	sld [smem:$0x7DD]  }
0x96: {  	[tilespmem:s17], [sflag:$0x2] =	stream.linear.gather [hbm4b:s16+s3], $0x80, $0x38;
	[tilespmem:$0xE000] =	vst v63  }
0x97: {  	s19 =	simm.s32 $0xD880;
	s14 =	sld [smem:$0x7DE]  }
0x98: {  	[tilespmem:s19], [sflag:$0x2] =	stream.linear.gather [hbm4b:s18+s3], $0x80, $0x38;
	[tilespmem:$0xE000] =	vst v63  }
0x99: {  	s15 =	simm.s32 $0xDA80;
	s16 =	sld [smem:$0x7DF]  }
0x9a: {  	[tilespmem:s15], [sflag:$0x2] =	stream.linear.gather [hbm4b:s14+s3], $0x80, $0x38;
	[tilespmem:$0xE000] =	vst v63  }
0x9b: {  	s17 =	simm.s32 $0xDC80;
	s18 =	sld [smem:$0x7E0]  }
0x9c: {  	[tilespmem:s17], [sflag:$0x2] =	stream.linear.gather [hbm4b:s16+s3], $0x80, $0x38;
	[tilespmem:$0xE000] =	vst v63  }
0x9d: {  	s19 =	simm.s32 $0xDE80;
	s14 =	rddreg [dreg:$0x7]  }
0x9e: {  	[tilespmem:s19], [sflag:$0x2] =	stream.linear.gather [hbm4b:s18+s3], $0x80, $0x38;
	[tilespmem:$0xE000] =	vst v63  }
0x9f: {  	s15 =	simm.s32 $0xC100;
	s16 =	sld [smem:$0x7E1]  }
0xa0: {  	[tilespmem:s15], [sflag:$0x2] =	stream.linear.gather [hbm4b:s14+s3], $0x80, $0x38;
	[tilespmem:$0xE000] =	vst v63  }
0xa1: {  	s17 =	simm.s32 $0xC300;
	s18 =	sld [smem:$0x7E2]  }
0xa2: {  	[tilespmem:s17], [sflag:$0x2] =	stream.linear.gather [hbm4b:s16+s3], $0x80, $0x38;
	[tilespmem:$0xE000] =	vst v63  }
0xa3: {  	s19 =	simm.s32 $0xC500;
	s14 =	sld [smem:$0x7E3]  }
0xa4: {  	[tilespmem:s19], [sflag:$0x2] =	stream.linear.gather [hbm4b:s18+s3], $0x80, $0x38;
	[tilespmem:$0xE000] =	vst v63  }
0xa5: {  	s15 =	simm.s32 $0xC700;
	s16 =	sld [smem:$0x7E4]  }
0xa6: {  	[tilespmem:s15], [sflag:$0x2] =	stream.linear.gather [hbm4b:s14+s3], $0x80, $0x38;
	[tilespmem:$0xE000] =	vst v63  }
0xa7: {  	s17 =	simm.s32 $0xC900;
	s18 =	sld [smem:$0x7E5]  }
0xa8: {  	[tilespmem:s17], [sflag:$0x2] =	stream.linear.gather [hbm4b:s16+s3], $0x80, $0x38;
	[tilespmem:$0xE000] =	vst v63  }
0xa9: {  	s19 =	simm.s32 $0xCB00;
	s14 =	sld [smem:$0x7E6]  }
0xaa: {  	[tilespmem:s19], [sflag:$0x2] =	stream.linear.gather [hbm4b:s18+s3], $0x80, $0x38;
	[tilespmem:$0xE000] =	vst v63  }
0xab: {  	s15 =	simm.s32 $0xCD00;
	s16 =	sld [smem:$0x7E7]  }
0xac: {  	[tilespmem:s15], [sflag:$0x2] =	stream.linear.gather [hbm4b:s14+s3], $0x80, $0x38;
	[tilespmem:$0xE000] =	vst v63  }
0xad: {  	s17 =	simm.s32 $0xCF00;
	s18 =	rddreg [dreg:$0x8]  }
0xae: {  	[tilespmem:s17], [sflag:$0x2] =	stream.linear.gather [hbm4b:s16+s3], $0x80, $0x38;
	[tilespmem:$0xE000] =	vst v63  }
0xaf: {  	s19 =	simm.s32 $0xD100;
	s14 =	sld [smem:$0x7E8]  }
0xb0: {  	[tilespmem:s19], [sflag:$0x2] =	stream.linear.gather [hbm4b:s18+s3], $0x80, $0x38;
	[tilespmem:$0xE000] =	vst v63  }
0xb1: {  	s15 =	simm.s32 $0xD300;
	s16 =	sld [smem:$0x7E9]  }
0xb2: {  	[tilespmem:s15], [sflag:$0x2] =	stream.linear.gather [hbm4b:s14+s3], $0x80, $0x38;
	[tilespmem:$0xE000] =	vst v63  }
0xb3: {  	s17 =	simm.s32 $0xD500;
	s18 =	sld [smem:$0x7EA]  }
0xb4: {  	[tilespmem:s17], [sflag:$0x2] =	stream.linear.gather [hbm4b:s16+s3], $0x80, $0x38;
	[tilespmem:$0xE000] =	vst v63  }
0xb5: {  	s19 =	simm.s32 $0xD700;
	s14 =	sld [smem:$0x7EB]  }
0xb6: {  	[tilespmem:s19], [sflag:$0x2] =	stream.linear.gather [hbm4b:s18+s3], $0x80, $0x38;
	[tilespmem:$0xE000] =	vst v63  }
0xb7: {  	s15 =	simm.s32 $0xD900;
	s16 =	sld [smem:$0x7EC]  }
0xb8: {  	[tilespmem:s15], [sflag:$0x2] =	stream.linear.gather [hbm4b:s14+s3], $0x80, $0x38;
	[tilespmem:$0xE000] =	vst v63  }
0xb9: {  	s17 =	simm.s32 $0xDB00;
	s18 =	sld [smem:$0x7ED]  }
0xba: {  	[tilespmem:s17], [sflag:$0x2] =	stream.linear.gather [hbm4b:s16+s3], $0x80, $0x38;
	[tilespmem:$0xE000] =	vst v63  }
0xbb: {  	s19 =	simm.s32 $0xDD00;
	s14 =	sld [smem:$0x7EE]  }
0xbc: {  	[tilespmem:s19], [sflag:$0x2] =	stream.linear.gather [hbm4b:s18+s3], $0x80, $0x38;
	[tilespmem:$0xE000] =	vst v63  }
0xbd: {  	s15 =	simm.s32 $0xDF00;
	s16 =	rddreg [dreg:$0x9]  }
0xbe: {  	[tilespmem:s15], [sflag:$0x2] =	stream.linear.gather [hbm4b:s14+s3], $0x80, $0x38;
	[tilespmem:$0xE000] =	vst v63  }
0xbf: {  	s17 =	sld [smem:$0x7EF]  }
0xc0: {  	[tilespmem:s22], [sflag:$0x2] =	stream.linear.gather [hbm4b:s16+s3], $0x80, $0x38;
	[tilespmem:$0xE000] =	vst v63  }
0xc1: {  	s18 =	sld [smem:$0x7F0]  }
0xc2: {  	[tilespmem:s23], [sflag:$0x2] =	stream.linear.gather [hbm4b:s17+s3], $0x80, $0x38;
	[tilespmem:$0xE000] =	vst v63  }
0xc3: {  	s19 =	sld [smem:$0x7F1]  }
0xc4: {  	[tilespmem:s24], [sflag:$0x2] =	stream.linear.gather [hbm4b:s18+s3], $0x80, $0x38;
	[tilespmem:$0xE000] =	vst v63  }
0xc5: {  	s14 =	sld [smem:$0x7F2]  }
0xc6: {  	[tilespmem:s25], [sflag:$0x2] =	stream.linear.gather [hbm4b:s19+s3], $0x80, $0x38;
	[tilespmem:$0xE000] =	vst v63  }
0xc7: {  	s15 =	sld [smem:$0x7F3]  }
0xc8: {  	[tilespmem:s26], [sflag:$0x2] =	stream.linear.gather [hbm4b:s14+s3], $0x80, $0x38;
	[tilespmem:$0xE000] =	vst v63  }
0xc9: {  	s16 =	sld [smem:$0x7F4]  }
0xca: {  	[tilespmem:s13], [sflag:$0x2] =	stream.linear.gather [hbm4b:s15+s3], $0x80, $0x38;
	[tilespmem:$0xE000] =	vst v63  }
0xcb: {  	s17 =	sld [smem:$0x7F5]  }
0xcc: {  	[tilespmem:s28], [sflag:$0x2] =	stream.linear.gather [hbm4b:s16+s3], $0x80, $0x38;
	[tilespmem:$0xE000] =	vst v63  }
0xcd: {  	s18 =	rddreg [dreg:$0xa]  }
0xce: {  	[tilespmem:s29], [sflag:$0x2] =	stream.linear.gather [hbm4b:s17+s3], $0x80, $0x38;
	[tilespmem:$0xE000] =	vst v63  }
0xcf: {  	s19 =	sld [smem:$0x7F6]  }
0xd0: {  	[tilespmem:s30], [sflag:$0x2] =	stream.linear.gather [hbm4b:s18+s3], $0x80, $0x38;
	[tilespmem:$0xE000] =	vst v63  }
0xd1: {  	s14 =	sld [smem:$0x7F7]  }
0xd2: {  	[tilespmem:s31], [sflag:$0x2] =	stream.linear.gather [hbm4b:s19+s3], $0x80, $0x38;
	[tilespmem:$0xE000] =	vst v63  }
0xd3: {  	s15 =	sld [smem:$0x7F8]  }
0xd4: {  	[tilespmem:s0], [sflag:$0x2] =	stream.linear.gather [hbm4b:s14+s3], $0x80, $0x38;
	[tilespmem:$0xE000] =	vst v63  }
0xd5: {  	s16 =	sld [smem:$0x7F9]  }
0xd6: {  	[tilespmem:s1], [sflag:$0x2] =	stream.linear.gather [hbm4b:s15+s3], $0x80, $0x38;
	[tilespmem:$0xE000] =	vst v63  }
0xd7: {  	s17 =	sld [smem:$0x7FA]  }
0xd8: {  	[tilespmem:s2], [sflag:$0x2] =	stream.linear.gather [hbm4b:s16+s3], $0x80, $0x38;
	[tilespmem:$0xE000] =	vst v63  }
0xd9: {  	s18 =	sld [smem:$0x7FB]  }
0xda: {  	[tilespmem:s6], [sflag:$0x2] =	stream.linear.gather [hbm4b:s17+s3], $0x80, $0x38;
	[tilespmem:$0xE000] =	vst v63  }
0xdb: {  	s19 =	sld [smem:$0x7FC]  }
0xdc: {  	[tilespmem:s7], [sflag:$0x2] =	stream.linear.gather [hbm4b:s18+s3], $0x80, $0x38;
	[tilespmem:$0xE000] =	vst v63  }
0xdd: {  	_ = 	snop  }
0xde: {  	[tilespmem:s8], [sflag:$0x2] =	stream.linear.gather [hbm4b:s19+s3], $0x80, $0x38;
	[tilespmem:$0xE000] =	vst v63  }
0xdf: {  	_ =	swait.ge [sflag:s9], $0x4000  }
0xe0: {  	[sflag:s9] =	ssyncset.done $0x0  }
0xe1: {  	[sflag:s9] =	ssyncadd.s32 $0xFFFFC000  }
0xe2: {  	_ =	swait.ge [sflag:s9], $0x4000  }
0xe3: {  	[sflag:s9] =	ssyncset.done $0x0  }
0xe4: {  	[sflag:s9] =	ssyncadd.s32 $0xFFFFC000  }
0xe5: {  	_ =	swait.ge [sflag:s9], $0x4000  }
0xe6: {  	[sflag:s9] =	ssyncset.done $0x0  }
0xe7: {  	s14 =	simm.s32 $0x0;
	[sflag:s9] =	ssyncadd.s32 $0xFFFFC000  }
.LBB2_2:
0xe8: {  	_ =	swait.ge [sflag:s10], $0x400  }
0xe9: {  	[sflag:s10] =	ssyncset.done $0x0  }
0xea: {  	[sflag:s10] =	ssyncadd.s32 $0xFFFFFC00  }
0xeb: {  	_ =	swait.ge [sflag:s10], $0x400  }
0xec: {  	[sflag:s10] =	ssyncset.done $0x0  }
0xed: {  	s15 =	simm.s32 $0x0;
	[sflag:s10] =	ssyncadd.s32 $0xFFFFFC00  }
0xee: {  	v0 =	vld [tilespmem:s15+$0xC010]  }
0xef: {  	v1 =	vld [tilespmem:s15+$0xD050]  }
0xf0: {  	v2 =	vld [tilespmem:s15+$0xD020]  }
0xf1: {  	v3 =	vld [tilespmem:s15+$0xC000]  }
0xf2: {  	v4 =	vld [tilespmem:s15+$0xC020]  }
0xf3: {  	v5 =	vld [tilespmem:s15+$0xC060]  }
0xf4: {  	v6 =	vld [tilespmem:s15+$0xC030]  }
0xf5: {  	v7 =	vld [tilespmem:s15+$0xC050]  }
0xf6: {  	v8 =	vld [tilespmem:s15+$0xC040]  }
0xf7: {  	v9 =	vld [tilespmem:s15+$0xD010]  }
0xf8: {  	v11 =	vld [tilespmem:s15+$0xD040]  }
0xf9: {  	v12 =	vld [tilespmem:s15+$0xD000];
	v10 =	vand.u32 $0xFFFF, v3  }
0xfa: {  	v14 =	vld [tilespmem:s15+$0xC070];
	v13 =	vand.u32 $0xFFFF, v0  }
0xfb: {  	v15 =	vld [tilespmem:s15+$0xD030];
	v16 =	vand.u32 $0xFFFF, v4  }
0xfc: {  	v18 =	vld [tilespmem:s15+$0xD070];
	v17 =	vand.u32 $0xFFFF, v5  }
0xfd: {  	v21 =	vld [tilespmem:s15+$0xD060];
	v19 =	vand.u32 $0xFFFF, v6  }
0xfe: {  	v20 =	vand.u32 $0xFFFF, v7;
	v10 =	vld.idx.msk [tilespmem:v10+s3+$0x0], $0xffff  }
0xff: {  	v22 =	vand.u32 $0xFFFF, v8;
	v13 =	vld.idx.msk [tilespmem:v13+s3+$0x0], $0xffff  }
0x100: {  	v23 =	vand.u32 $0xFFFF, v14;
	v16 =	vld.idx.msk [tilespmem:v16+s3+$0x0], $0xffff  }
0x101: {  	v3 =	vshrl.u32 v3, $0x10;
	v17 =	vld.idx.msk [tilespmem:v17+s3+$0x0], $0xffff  }
0x102: {  	v19 =	vld.idx.msk [tilespmem:v19+s3+$0x0], $0xffff  }
0x103: {  	v0 =	vshrl.u32 v0, $0x10;
	v20 =	vld.idx.msk [tilespmem:v20+s3+$0x0], $0xffff;
	v24 =	vunpack.i.l.bf16.f32 v10  }
0x104: {  	v22 =	vld.idx.msk [tilespmem:v22+s3+$0x0], $0xffff;
	v10 =	vunpack.i.u.bf16.f32 v10;
	v24 =	vmul.f32 v24, v12  }
0x105: {  	v4 =	vshrl.u32 v4, $0x10;
	v23 =	vld.idx.msk [tilespmem:v23+s3+$0x0], $0xffff;
	v57 =	vunpack.i.l.bf16.f32 v13;
	v10 =	vmul.f32 v10, v12  }
0x106: {  	v13 =	vunpack.i.u.bf16.f32 v13;
	v12 =	vmul.f32 v57, v9;
	[tilespmem:v3+s20+$0x0] =	vst.idx.add.f32.msk $0xffff, v24  }
0x107: {  	v6 =	vshrl.u32 v6, $0x10;
	v58 =	vunpack.i.l.bf16.f32 v16;
	v9 =	vmul.f32 v13, v9;
	[tilespmem:v3+s21+$0x0] =	vst.idx.add.f32.msk $0xffff, v10  }
0x108: {  	v59 =	vmul.f32 v58, v2;
	v3 =	vunpack.i.u.bf16.f32 v16;
	[tilespmem:v0+s20+$0x0] =	vst.idx.add.f32.msk $0xffff, v12  }
0x109: {  	v8 =	vshrl.u32 v8, $0x10;
	v2 =	vmul.f32 v3, v2;
	v3 =	vunpack.i.l.bf16.f32 v19;
	[tilespmem:v0+s21+$0x0] =	vst.idx.add.f32.msk $0xffff, v9  }
0x10a: {  	v0 =	vunpack.i.u.bf16.f32 v19;
	v3 =	vmul.f32 v3, v15;
	[tilespmem:v4+s20+$0x0] =	vst.idx.add.f32.msk $0xffff, v59  }
0x10b: {  	v7 =	vshrl.u32 v7, $0x10;
	v60 =	vunpack.i.l.bf16.f32 v22;
	v0 =	vmul.f32 v0, v15;
	[tilespmem:v4+s21+$0x0] =	vst.idx.add.f32.msk $0xffff, v2  }
0x10c: {  	v61 =	vmul.f32 v60, v11;
	v2 =	vunpack.i.u.bf16.f32 v22;
	[tilespmem:v6+s20+$0x0] =	vst.idx.add.f32.msk $0xffff, v3  }
0x10d: {  	v5 =	vshrl.u32 v5, $0x10;
	v2 =	vmul.f32 v2, v11;
	v3 =	vunpack.i.l.bf16.f32 v20;
	[tilespmem:v6+s21+$0x0] =	vst.idx.add.f32.msk $0xffff, v0  }
0x10e: {  	v0 =	vunpack.i.u.bf16.f32 v20;
	v3 =	vmul.f32 v3, v1;
	[tilespmem:v8+s20+$0x0] =	vst.idx.add.f32.msk $0xffff, v61  }
0x10f: {  	v62 =	vunpack.i.l.bf16.f32 v17;
	v1 =	vmul.f32 v0, v1;
	v0 =	vshrl.u32 v14, $0x10;
	[tilespmem:v8+s21+$0x0] =	vst.idx.add.f32.msk $0xffff, v2  }
0x110: {  	v2 =	vunpack.i.u.bf16.f32 v17;
	[tilespmem:v7+s20+$0x0] =	vst.idx.add.f32.msk $0xffff, v3;
	v3 =	vmul.f32 v62, v21  }
0x111: {  	v63 =	vunpack.i.l.bf16.f32 v23;
	[tilespmem:v7+s21+$0x0] =	vst.idx.add.f32.msk $0xffff, v1;
	v1 =	vmul.f32 v2, v21  }
0x112: {  	v2 =	vmul.f32 v63, v18;
	[tilespmem:v5+s20+$0x0] =	vst.idx.add.f32.msk $0xffff, v3;
	v3 =	vunpack.i.u.bf16.f32 v23  }
0x113: {  	[tilespmem:v5+s21+$0x0] =	vst.idx.add.f32.msk $0xffff, v1;
	v1 =	vmul.f32 v3, v18  }
0x114: {  	s15 =	simm.s32 $0x800;
	[tilespmem:v0+s20+$0x0] =	vst.idx.add.f32.msk $0xffff, v2  }
.LBB2_3:
0x115: {  	s16 =	sshra.s32 s15, $0x2;
	p0 =	sne.s32 s15, $0x3800;
	s15 =	sadd.s32 $0x800, s15;
	[tilespmem:v0+s21+$0x0] =	vst.idx.add.f32.msk $0xffff, v1  }
0x116: {  	v0 =	vld [tilespmem:s16+$0xC010]  }
0x117: {  	v1 =	vld [tilespmem:s16+$0xD050]  }
0x118: {  	v2 =	vld [tilespmem:s16+$0xD020]  }
0x119: {  	v3 =	vld [tilespmem:s16+$0xC000]  }
0x11a: {  	v4 =	vld [tilespmem:s16+$0xC020]  }
0x11b: {  	v5 =	vld [tilespmem:s16+$0xC060]  }
0x11c: {  	v6 =	vld [tilespmem:s16+$0xC030]  }
0x11d: {  	v7 =	vld [tilespmem:s16+$0xC050]  }
0x11e: {  	v8 =	vld [tilespmem:s16+$0xC040]  }
0x11f: {  	v10 =	vand.u32 $0xFFFF, v3;
	v9 =	vld [tilespmem:s16+$0xD010]  }
0x120: {  	v11 =	vld [tilespmem:s16+$0xD040]  }
0x121: {  	v13 =	vand.u32 $0xFFFF, v0;
	v12 =	vld [tilespmem:s16+$0xD000]  }
0x122: {  	v14 =	vld [tilespmem:s16+$0xC070]  }
0x123: {  	v16 =	vand.u32 $0xFFFF, v4;
	v15 =	vld [tilespmem:s16+$0xD030]  }
0x124: {  	v17 =	vand.u32 $0xFFFF, v5;
	v10 =	vld.idx.msk [tilespmem:v10+s3+$0x0], $0xffff  }
0x125: {  	v19 =	vand.u32 $0xFFFF, v6;
	v18 =	vld [tilespmem:s16+$0xD070]  }
0x126: {  	v20 =	vand.u32 $0xFFFF, v7;
	v13 =	vld.idx.msk [tilespmem:v13+s3+$0x0], $0xffff  }
0x127: {  	v22 =	vand.u32 $0xFFFF, v8;
	v21 =	vld [tilespmem:s16+$0xD060];
	v23 =	vand.u32 $0xFFFF, v14  }
0x128: {  	v16 =	vld.idx.msk [tilespmem:v16+s3+$0x0], $0xffff  }
0x129: {  	v3 =	vshrl.u32 v3, $0x10;
	v17 =	vld.idx.msk [tilespmem:v17+s3+$0x0], $0xffff  }
0x12a: {  	v7 =	vshrl.u32 v7, $0x10;
	v24 =	vunpack.i.u.bf16.f32 v10;
	v10 =	vunpack.i.l.bf16.f32 v10;
	v19 =	vld.idx.msk [tilespmem:v19+s3+$0x0], $0xffff  }
0x12b: {  	v0 =	vshrl.u32 v0, $0x10;
	v10 =	vmul.f32 v10, v12;
	v12 =	vmul.f32 v24, v12;
	v20 =	vld.idx.msk [tilespmem:v20+s3+$0x0], $0xffff  }
0x12c: {  	v8 =	vshrl.u32 v8, $0x10;
	v24 =	vunpack.i.u.bf16.f32 v13;
	v13 =	vunpack.i.l.bf16.f32 v13;
	v22 =	vld.idx.msk [tilespmem:v22+s3+$0x0], $0xffff  }
0x12d: {  	v4 =	vshrl.u32 v4, $0x10;
	v13 =	vmul.f32 v13, v9;
	v9 =	vmul.f32 v24, v9;
	v23 =	vld.idx.msk [tilespmem:v23+s3+$0x0], $0xffff  }
0x12e: {  	v6 =	vshrl.u32 v6, $0x10;
	v24 =	vunpack.i.u.bf16.f32 v16;
	v16 =	vunpack.i.l.bf16.f32 v16;
	[tilespmem:v3+s20+$0x0] =	vst.idx.add.f32.msk $0xffff, v10  }
0x12f: {  	v10 =	vunpack.i.l.bf16.f32 v17;
	[tilespmem:v3+s21+$0x0] =	vst.idx.add.f32.msk $0xffff, v12;
	v3 =	vmul.f32 v16, v2;
	v2 =	vmul.f32 v24, v2  }
0x130: {  	v17 =	vunpack.i.u.bf16.f32 v17;
	v12 =	vunpack.i.u.bf16.f32 v19;
	v16 =	vunpack.i.l.bf16.f32 v19;
	[tilespmem:v0+s20+$0x0] =	vst.idx.add.f32.msk $0xffff, v13  }
0x131: {  	v13 =	vunpack.i.u.bf16.f32 v20;
	[tilespmem:v0+s21+$0x0] =	vst.idx.add.f32.msk $0xffff, v9;
	v0 =	vmul.f32 v16, v15;
	v9 =	vmul.f32 v12, v15  }
0x132: {  	v12 =	vunpack.i.u.bf16.f32 v22;
	v15 =	vunpack.i.l.bf16.f32 v22;
	[tilespmem:v4+s20+$0x0] =	vst.idx.add.f32.msk $0xffff, v3;
	v3 =	vmul.f32 v13, v1  }
0x133: {  	v13 =	vunpack.i.l.bf16.f32 v23;
	[tilespmem:v4+s21+$0x0] =	vst.idx.add.f32.msk $0xffff, v2;
	v2 =	vmul.f32 v15, v11;
	v4 =	vmul.f32 v12, v11  }
0x134: {  	v11 =	vunpack.i.l.bf16.f32 v20;
	v12 =	vunpack.i.u.bf16.f32 v23;
	[tilespmem:v6+s20+$0x0] =	vst.idx.add.f32.msk $0xffff, v0  }
0x135: {  	v5 =	vshrl.u32 v5, $0x10;
	v1 =	vmul.f32 v11, v1;
	[tilespmem:v6+s21+$0x0] =	vst.idx.add.f32.msk $0xffff, v9  }
0x136: {  	[tilespmem:v8+s20+$0x0] =	vst.idx.add.f32.msk $0xffff, v2  }
0x137: {  	v0 =	vshrl.u32 v14, $0x10;
	[tilespmem:v8+s21+$0x0] =	vst.idx.add.f32.msk $0xffff, v4  }
.Ltmp2:
0x138: {  	[tilespmem:v7+s20+$0x0] =	vst.idx.add.f32.msk $0xffff, v1;
	v1 =	vmul.f32 v10, v21;
	(pc) =	sbr.rel @p0 .LBB2_3-.Ltmp2, $4  }
0x139: {  	v2 =	vmul.f32 v17, v21;
	[tilespmem:v7+s21+$0x0] =	vst.idx.add.f32.msk $0xffff, v3  }
0x13a: {  	v3 =	vmul.f32 v13, v18;
	[tilespmem:v5+s20+$0x0] =	vst.idx.add.f32.msk $0xffff, v1  }
0x13b: {  	v1 =	vmul.f32 v12, v18;
	[tilespmem:v5+s21+$0x0] =	vst.idx.add.f32.msk $0xffff, v2  }
0x13c: {  	[tilespmem:v0+s20+$0x0] =	vst.idx.add.f32.msk $0xffff, v3  }
0x13d: {  	_ =	sdelay $0x1  }
0x13e: {  	s15 =	sshll.u32 s14, $0x9;
	p0 =	seq.s32 s14, $0x41  }
0x13f: {  	s16 =	sadd.s32 @!p0 $0x200, s15  }
0x140: {  	[tilespmem:v0+s21+$0x0] =	vst.idx.add.f32.msk $0xffff, v1;
	s18 =	simm.s32 @!p0 $0x0;
	s19 =	simm.s32 @!p0 $0xC000;
	s17 =	sadd.s32 @!p0 s4, s16  }
0x141: {  	[tilespmem:s19], [sflag:$0x2] =	stream.linear.gather @!p0 [hbm4b:s17+s18], $0x80, $0x38;
	[tilespmem:$0xE000] =	vst v63  }
0x142: {  	s11 =	simm.s32 @!p0 $0xC200;
	s19 =	sadd.s32 @!p0 $0x10, s17  }
0x143: {  	[tilespmem:s11], [sflag:$0x2] =	stream.linear.gather @!p0 [hbm4b:s19+s18], $0x80, $0x38;
	[tilespmem:$0xE000] =	vst v63  }
0x144: {  	s11 =	sadd.s32 @!p0 $0x20, s17;
	s19 =	simm.s32 @!p0 $0xC400  }
0x145: {  	[tilespmem:s19], [sflag:$0x2] =	stream.linear.gather @!p0 [hbm4b:s11+s18], $0x80, $0x38;
	[tilespmem:$0xE000] =	vst v63  }
0x146: {  	s11 =	sadd.s32 @!p0 $0x30, s17;
	s19 =	simm.s32 @!p0 $0xC600  }
0x147: {  	[tilespmem:s19], [sflag:$0x2] =	stream.linear.gather @!p0 [hbm4b:s11+s18], $0x80, $0x38;
	[tilespmem:$0xE000] =	vst v63  }
0x148: {  	s11 =	sadd.s32 @!p0 $0x40, s17;
	s19 =	simm.s32 @!p0 $0xC800  }
0x149: {  	[tilespmem:s19], [sflag:$0x2] =	stream.linear.gather @!p0 [hbm4b:s11+s18], $0x80, $0x38;
	[tilespmem:$0xE000] =	vst v63  }
0x14a: {  	s11 =	sadd.s32 @!p0 $0x50, s17;
	s19 =	simm.s32 @!p0 $0xCA00  }
0x14b: {  	[tilespmem:s19], [sflag:$0x2] =	stream.linear.gather @!p0 [hbm4b:s11+s18], $0x80, $0x38;
	[tilespmem:$0xE000] =	vst v63  }
0x14c: {  	s11 =	sadd.s32 @!p0 $0x60, s17;
	s19 =	simm.s32 @!p0 $0xCC00  }
0x14d: {  	[tilespmem:s19], [sflag:$0x2] =	stream.linear.gather @!p0 [hbm4b:s11+s18], $0x80, $0x38;
	[tilespmem:$0xE000] =	vst v63  }
0x14e: {  	s11 =	sadd.s32 @!p0 $0x70, s17;
	s17 =	simm.s32 @!p0 $0xCE00  }
0x14f: {  	[tilespmem:s17], [sflag:$0x2] =	stream.linear.gather @!p0 [hbm4b:s11+s18], $0x80, $0x38;
	[tilespmem:$0xE000] =	vst v63  }
0x150: {  	s11 =	sadd.s32 @!p0 s5, s16;
	s16 =	simm.s32 @!p0 $0xD000  }
0x151: {  	[tilespmem:s16], [sflag:$0x2] =	stream.linear.gather @!p0 [hbm4b:s11+s18], $0x80, $0x38;
	[tilespmem:$0xE000] =	vst v63  }
0x152: {  	s17 =	simm.s32 @!p0 $0xD200;
	s16 =	sadd.s32 @!p0 $0x10, s11  }
0x153: {  	[tilespmem:s17], [sflag:$0x2] =	stream.linear.gather @!p0 [hbm4b:s16+s18], $0x80, $0x38;
	[tilespmem:$0xE000] =	vst v63  }
0x154: {  	s16 =	sadd.s32 @!p0 $0x20, s11;
	s17 =	simm.s32 @!p0 $0xD400  }
0x155: {  	[tilespmem:s17], [sflag:$0x2] =	stream.linear.gather @!p0 [hbm4b:s16+s18], $0x80, $0x38;
	[tilespmem:$0xE000] =	vst v63  }
0x156: {  	s16 =	sadd.s32 @!p0 $0x30, s11;
	s17 =	simm.s32 @!p0 $0xD600  }
0x157: {  	[tilespmem:s17], [sflag:$0x2] =	stream.linear.gather @!p0 [hbm4b:s16+s18], $0x80, $0x38;
	[tilespmem:$0xE000] =	vst v63  }
0x158: {  	s16 =	sadd.s32 @!p0 $0x40, s11;
	s17 =	simm.s32 @!p0 $0xD800  }
0x159: {  	[tilespmem:s17], [sflag:$0x2] =	stream.linear.gather @!p0 [hbm4b:s16+s18], $0x80, $0x38;
	[tilespmem:$0xE000] =	vst v63  }
0x15a: {  	s16 =	sadd.s32 @!p0 $0x50, s11;
	s17 =	simm.s32 @!p0 $0xDA00  }
0x15b: {  	[tilespmem:s17], [sflag:$0x2] =	stream.linear.gather @!p0 [hbm4b:s16+s18], $0x80, $0x38;
	[tilespmem:$0xE000] =	vst v63  }
0x15c: {  	s16 =	sadd.s32 @!p0 $0x60, s11;
	s17 =	simm.s32 @!p0 $0xDC00  }
0x15d: {  	[tilespmem:s17], [sflag:$0x2] =	stream.linear.gather @!p0 [hbm4b:s16+s18], $0x80, $0x38;
	[tilespmem:$0xE000] =	vst v63  }
0x15e: {  	s11 =	sadd.s32 @!p0 $0x70, s11;
	s16 =	simm.s32 @!p0 $0xDE00  }
0x15f: {  	[tilespmem:s16], [sflag:$0x2] =	stream.linear.gather @!p0 [hbm4b:s11+s18], $0x80, $0x38;
	[tilespmem:$0xE000] =	vst v63  }
0x160: {  	_ =	swait.ge [sflag:s10], $0x400  }
0x161: {  	[sflag:s10] =	ssyncset.done $0x0  }
0x162: {  	[sflag:s10] =	ssyncadd.s32 $0xFFFFFC00  }
0x163: {  	_ =	swait.ge [sflag:s10], $0x400  }
0x164: {  	[sflag:s10] =	ssyncset.done $0x0  }
0x165: {  	s19 =	simm.s32 $0x0;
	[sflag:s10] =	ssyncadd.s32 $0xFFFFFC00  }
0x166: {  	v0 =	vld [tilespmem:s19+$0xC090]  }
0x167: {  	v1 =	vld [tilespmem:s19+$0xD0D0]  }
0x168: {  	v2 =	vld [tilespmem:s19+$0xD0A0]  }
0x169: {  	v3 =	vld [tilespmem:s19+$0xC080]  }
0x16a: {  	v4 =	vld [tilespmem:s19+$0xC0A0]  }
0x16b: {  	v5 =	vld [tilespmem:s19+$0xC0E0]  }
0x16c: {  	v6 =	vld [tilespmem:s19+$0xC0B0]  }
0x16d: {  	v7 =	vld [tilespmem:s19+$0xC0D0]  }
0x16e: {  	v8 =	vld [tilespmem:s19+$0xC0C0]  }
0x16f: {  	v9 =	vld [tilespmem:s19+$0xD090]  }
0x170: {  	v11 =	vld [tilespmem:s19+$0xD0C0]  }
0x171: {  	v12 =	vld [tilespmem:s19+$0xD080];
	v10 =	vand.u32 $0xFFFF, v3  }
0x172: {  	v14 =	vld [tilespmem:s19+$0xC0F0];
	v13 =	vand.u32 $0xFFFF, v0  }
0x173: {  	v15 =	vld [tilespmem:s19+$0xD0B0];
	v16 =	vand.u32 $0xFFFF, v4  }
0x174: {  	v18 =	vld [tilespmem:s19+$0xD0F0];
	v17 =	vand.u32 $0xFFFF, v5  }
0x175: {  	v21 =	vld [tilespmem:s19+$0xD0E0];
	v19 =	vand.u32 $0xFFFF, v6  }
0x176: {  	v20 =	vand.u32 $0xFFFF, v7;
	v10 =	vld.idx.msk [tilespmem:v10+s3+$0x0], $0xffff  }
0x177: {  	v22 =	vand.u32 $0xFFFF, v8;
	v13 =	vld.idx.msk [tilespmem:v13+s3+$0x0], $0xffff  }
0x178: {  	v23 =	vand.u32 $0xFFFF, v14;
	v16 =	vld.idx.msk [tilespmem:v16+s3+$0x0], $0xffff  }
0x179: {  	v3 =	vshrl.u32 v3, $0x10;
	v17 =	vld.idx.msk [tilespmem:v17+s3+$0x0], $0xffff  }
0x17a: {  	v19 =	vld.idx.msk [tilespmem:v19+s3+$0x0], $0xffff  }
0x17b: {  	v0 =	vshrl.u32 v0, $0x10;
	v20 =	vld.idx.msk [tilespmem:v20+s3+$0x0], $0xffff;
	v24 =	vunpack.i.l.bf16.f32 v10  }
0x17c: {  	v22 =	vld.idx.msk [tilespmem:v22+s3+$0x0], $0xffff;
	v10 =	vunpack.i.u.bf16.f32 v10;
	v24 =	vmul.f32 v24, v12  }
0x17d: {  	v4 =	vshrl.u32 v4, $0x10;
	v23 =	vld.idx.msk [tilespmem:v23+s3+$0x0], $0xffff;
	v57 =	vunpack.i.l.bf16.f32 v13;
	v10 =	vmul.f32 v10, v12  }
0x17e: {  	v13 =	vunpack.i.u.bf16.f32 v13;
	v12 =	vmul.f32 v57, v9;
	[tilespmem:v3+s20+$0x0] =	vst.idx.add.f32.msk $0xffff, v24  }
0x17f: {  	v6 =	vshrl.u32 v6, $0x10;
	v58 =	vunpack.i.l.bf16.f32 v16;
	v9 =	vmul.f32 v13, v9;
	[tilespmem:v3+s21+$0x0] =	vst.idx.add.f32.msk $0xffff, v10  }
0x180: {  	v59 =	vmul.f32 v58, v2;
	v3 =	vunpack.i.u.bf16.f32 v16;
	[tilespmem:v0+s20+$0x0] =	vst.idx.add.f32.msk $0xffff, v12  }
0x181: {  	v8 =	vshrl.u32 v8, $0x10;
	v2 =	vmul.f32 v3, v2;
	v3 =	vunpack.i.l.bf16.f32 v19;
	[tilespmem:v0+s21+$0x0] =	vst.idx.add.f32.msk $0xffff, v9  }
0x182: {  	v0 =	vunpack.i.u.bf16.f32 v19;
	v3 =	vmul.f32 v3, v15;
	[tilespmem:v4+s20+$0x0] =	vst.idx.add.f32.msk $0xffff, v59  }
0x183: {  	v7 =	vshrl.u32 v7, $0x10;
	v60 =	vunpack.i.l.bf16.f32 v22;
	v0 =	vmul.f32 v0, v15;
	[tilespmem:v4+s21+$0x0] =	vst.idx.add.f32.msk $0xffff, v2  }
0x184: {  	v61 =	vmul.f32 v60, v11;
	v2 =	vunpack.i.u.bf16.f32 v22;
	[tilespmem:v6+s20+$0x0] =	vst.idx.add.f32.msk $0xffff, v3  }
0x185: {  	v5 =	vshrl.u32 v5, $0x10;
	v2 =	vmul.f32 v2, v11;
	v3 =	vunpack.i.l.bf16.f32 v20;
	[tilespmem:v6+s21+$0x0] =	vst.idx.add.f32.msk $0xffff, v0  }
0x186: {  	v0 =	vunpack.i.u.bf16.f32 v20;
	v3 =	vmul.f32 v3, v1;
	[tilespmem:v8+s20+$0x0] =	vst.idx.add.f32.msk $0xffff, v61  }
0x187: {  	v62 =	vunpack.i.l.bf16.f32 v17;
	v1 =	vmul.f32 v0, v1;
	v0 =	vshrl.u32 v14, $0x10;
	[tilespmem:v8+s21+$0x0] =	vst.idx.add.f32.msk $0xffff, v2  }
0x188: {  	v2 =	vunpack.i.u.bf16.f32 v17;
	[tilespmem:v7+s20+$0x0] =	vst.idx.add.f32.msk $0xffff, v3;
	v3 =	vmul.f32 v62, v21  }
0x189: {  	v63 =	vunpack.i.l.bf16.f32 v23;
	[tilespmem:v7+s21+$0x0] =	vst.idx.add.f32.msk $0xffff, v1;
	v1 =	vmul.f32 v2, v21  }
0x18a: {  	v2 =	vmul.f32 v63, v18;
	[tilespmem:v5+s20+$0x0] =	vst.idx.add.f32.msk $0xffff, v3;
	v3 =	vunpack.i.u.bf16.f32 v23  }
0x18b: {  	[tilespmem:v5+s21+$0x0] =	vst.idx.add.f32.msk $0xffff, v1;
	v1 =	vmul.f32 v3, v18  }
0x18c: {  	s16 =	simm.s32 $0x800;
	[tilespmem:v0+s20+$0x0] =	vst.idx.add.f32.msk $0xffff, v2  }
.LBB2_5:
0x18d: {  	s11 =	sshra.s32 s16, $0x2;
	p1 =	sne.s32 s16, $0x3800;
	s16 =	sadd.s32 $0x800, s16;
	[tilespmem:v0+s21+$0x0] =	vst.idx.add.f32.msk $0xffff, v1  }
0x18e: {  	v0 =	vld [tilespmem:s11+$0xC090]  }
0x18f: {  	v1 =	vld [tilespmem:s11+$0xD0D0]  }
0x190: {  	v2 =	vld [tilespmem:s11+$0xD0A0]  }
0x191: {  	v3 =	vld [tilespmem:s11+$0xC080]  }
0x192: {  	v4 =	vld [tilespmem:s11+$0xC0A0]  }
0x193: {  	v5 =	vld [tilespmem:s11+$0xC0E0]  }
0x194: {  	v6 =	vld [tilespmem:s11+$0xC0B0]  }
0x195: {  	v7 =	vld [tilespmem:s11+$0xC0D0]  }
0x196: {  	v8 =	vld [tilespmem:s11+$0xC0C0]  }
0x197: {  	v10 =	vand.u32 $0xFFFF, v3;
	v9 =	vld [tilespmem:s11+$0xD090]  }
0x198: {  	v11 =	vld [tilespmem:s11+$0xD0C0]  }
0x199: {  	v13 =	vand.u32 $0xFFFF, v0;
	v12 =	vld [tilespmem:s11+$0xD080]  }
0x19a: {  	v14 =	vld [tilespmem:s11+$0xC0F0]  }
0x19b: {  	v16 =	vand.u32 $0xFFFF, v4;
	v15 =	vld [tilespmem:s11+$0xD0B0]  }
0x19c: {  	v17 =	vand.u32 $0xFFFF, v5;
	v10 =	vld.idx.msk [tilespmem:v10+s3+$0x0], $0xffff  }
0x19d: {  	v19 =	vand.u32 $0xFFFF, v6;
	v18 =	vld [tilespmem:s11+$0xD0F0]  }
0x19e: {  	v20 =	vand.u32 $0xFFFF, v7;
	v13 =	vld.idx.msk [tilespmem:v13+s3+$0x0], $0xffff  }
0x19f: {  	v22 =	vand.u32 $0xFFFF, v8;
	v21 =	vld [tilespmem:s11+$0xD0E0];
	v23 =	vand.u32 $0xFFFF, v14  }
0x1a0: {  	v16 =	vld.idx.msk [tilespmem:v16+s3+$0x0], $0xffff  }
0x1a1: {  	v3 =	vshrl.u32 v3, $0x10;
	v17 =	vld.idx.msk [tilespmem:v17+s3+$0x0], $0xffff  }
0x1a2: {  	v7 =	vshrl.u32 v7, $0x10;
	v24 =	vunpack.i.u.bf16.f32 v10;
	v10 =	vunpack.i.l.bf16.f32 v10;
	v19 =	vld.idx.msk [tilespmem:v19+s3+$0x0], $0xffff  }
0x1a3: {  	v0 =	vshrl.u32 v0, $0x10;
	v10 =	vmul.f32 v10, v12;
	v12 =	vmul.f32 v24, v12;
	v20 =	vld.idx.msk [tilespmem:v20+s3+$0x0], $0xffff  }
0x1a4: {  	v8 =	vshrl.u32 v8, $0x10;
	v24 =	vunpack.i.u.bf16.f32 v13;
	v13 =	vunpack.i.l.bf16.f32 v13;
	v22 =	vld.idx.msk [tilespmem:v22+s3+$0x0], $0xffff  }
0x1a5: {  	v4 =	vshrl.u32 v4, $0x10;
	v13 =	vmul.f32 v13, v9;
	v9 =	vmul.f32 v24, v9;
	v23 =	vld.idx.msk [tilespmem:v23+s3+$0x0], $0xffff  }
0x1a6: {  	v6 =	vshrl.u32 v6, $0x10;
	v24 =	vunpack.i.u.bf16.f32 v16;
	v16 =	vunpack.i.l.bf16.f32 v16;
	[tilespmem:v3+s20+$0x0] =	vst.idx.add.f32.msk $0xffff, v10  }
0x1a7: {  	v10 =	vunpack.i.l.bf16.f32 v17;
	[tilespmem:v3+s21+$0x0] =	vst.idx.add.f32.msk $0xffff, v12;
	v3 =	vmul.f32 v16, v2;
	v2 =	vmul.f32 v24, v2  }
0x1a8: {  	v17 =	vunpack.i.u.bf16.f32 v17;
	v12 =	vunpack.i.u.bf16.f32 v19;
	v16 =	vunpack.i.l.bf16.f32 v19;
	[tilespmem:v0+s20+$0x0] =	vst.idx.add.f32.msk $0xffff, v13  }
0x1a9: {  	v13 =	vunpack.i.u.bf16.f32 v20;
	[tilespmem:v0+s21+$0x0] =	vst.idx.add.f32.msk $0xffff, v9;
	v0 =	vmul.f32 v16, v15;
	v9 =	vmul.f32 v12, v15  }
0x1aa: {  	v12 =	vunpack.i.u.bf16.f32 v22;
	v15 =	vunpack.i.l.bf16.f32 v22;
	[tilespmem:v4+s20+$0x0] =	vst.idx.add.f32.msk $0xffff, v3;
	v3 =	vmul.f32 v13, v1  }
0x1ab: {  	v13 =	vunpack.i.l.bf16.f32 v23;
	[tilespmem:v4+s21+$0x0] =	vst.idx.add.f32.msk $0xffff, v2;
	v2 =	vmul.f32 v15, v11;
	v4 =	vmul.f32 v12, v11  }
0x1ac: {  	v11 =	vunpack.i.l.bf16.f32 v20;
	v12 =	vunpack.i.u.bf16.f32 v23;
	[tilespmem:v6+s20+$0x0] =	vst.idx.add.f32.msk $0xffff, v0  }
0x1ad: {  	v5 =	vshrl.u32 v5, $0x10;
	v1 =	vmul.f32 v11, v1;
	[tilespmem:v6+s21+$0x0] =	vst.idx.add.f32.msk $0xffff, v9  }
0x1ae: {  	[tilespmem:v8+s20+$0x0] =	vst.idx.add.f32.msk $0xffff, v2  }
0x1af: {  	v0 =	vshrl.u32 v14, $0x10;
	[tilespmem:v8+s21+$0x0] =	vst.idx.add.f32.msk $0xffff, v4  }
.Ltmp3:
0x1b0: {  	[tilespmem:v7+s20+$0x0] =	vst.idx.add.f32.msk $0xffff, v1;
	v1 =	vmul.f32 v10, v21;
	(pc) =	sbr.rel @p1 .LBB2_5-.Ltmp3, $4  }
0x1b1: {  	v2 =	vmul.f32 v17, v21;
	[tilespmem:v7+s21+$0x0] =	vst.idx.add.f32.msk $0xffff, v3  }
0x1b2: {  	v3 =	vmul.f32 v13, v18;
	[tilespmem:v5+s20+$0x0] =	vst.idx.add.f32.msk $0xffff, v1  }
0x1b3: {  	v1 =	vmul.f32 v12, v18;
	[tilespmem:v5+s21+$0x0] =	vst.idx.add.f32.msk $0xffff, v2  }
0x1b4: {  	[tilespmem:v0+s20+$0x0] =	vst.idx.add.f32.msk $0xffff, v3  }
0x1b5: {  	_ =	sdelay $0x2  }
0x1b6: {  	s11 =	sadd.s32 @!p0 $0x280, s15  }
0x1b7: {  	[tilespmem:v0+s21+$0x0] =	vst.idx.add.f32.msk $0xffff, v1;
	s17 =	simm.s32 @!p0 $0x0;
	s18 =	simm.s32 @!p0 $0xC080;
	s16 =	sadd.s32 @!p0 s4, s11  }
0x1b8: {  	[tilespmem:s18], [sflag:$0x2] =	stream.linear.gather @!p0 [hbm4b:s16+s17], $0x80, $0x38;
	[tilespmem:$0xE000] =	vst v63  }
0x1b9: {  	s19 =	simm.s32 @!p0 $0xC280;
	s18 =	sadd.s32 @!p0 $0x10, s16  }
0x1ba: {  	[tilespmem:s19], [sflag:$0x2] =	stream.linear.gather @!p0 [hbm4b:s18+s17], $0x80, $0x38;
	[tilespmem:$0xE000] =	vst v63  }
0x1bb: {  	s18 =	sadd.s32 @!p0 $0x20, s16;
	s19 =	simm.s32 @!p0 $0xC480  }
0x1bc: {  	[tilespmem:s19], [sflag:$0x2] =	stream.linear.gather @!p0 [hbm4b:s18+s17], $0x80, $0x38;
	[tilespmem:$0xE000] =	vst v63  }
0x1bd: {  	s18 =	sadd.s32 @!p0 $0x30, s16;
	s19 =	simm.s32 @!p0 $0xC680  }
0x1be: {  	[tilespmem:s19], [sflag:$0x2] =	stream.linear.gather @!p0 [hbm4b:s18+s17], $0x80, $0x38;
	[tilespmem:$0xE000] =	vst v63  }
0x1bf: {  	s18 =	sadd.s32 @!p0 $0x40, s16;
	s19 =	simm.s32 @!p0 $0xC880  }
0x1c0: {  	[tilespmem:s19], [sflag:$0x2] =	stream.linear.gather @!p0 [hbm4b:s18+s17], $0x80, $0x38;
	[tilespmem:$0xE000] =	vst v63  }
0x1c1: {  	s18 =	sadd.s32 @!p0 $0x50, s16;
	s19 =	simm.s32 @!p0 $0xCA80  }
0x1c2: {  	[tilespmem:s19], [sflag:$0x2] =	stream.linear.gather @!p0 [hbm4b:s18+s17], $0x80, $0x38;
	[tilespmem:$0xE000] =	vst v63  }
0x1c3: {  	s18 =	sadd.s32 @!p0 $0x60, s16;
	s19 =	simm.s32 @!p0 $0xCC80  }
0x1c4: {  	[tilespmem:s19], [sflag:$0x2] =	stream.linear.gather @!p0 [hbm4b:s18+s17], $0x80, $0x38;
	[tilespmem:$0xE000] =	vst v63  }
0x1c5: {  	s16 =	sadd.s32 @!p0 $0x70, s16;
	s18 =	simm.s32 @!p0 $0xCE80  }
0x1c6: {  	[tilespmem:s18], [sflag:$0x2] =	stream.linear.gather @!p0 [hbm4b:s16+s17], $0x80, $0x38;
	[tilespmem:$0xE000] =	vst v63  }
0x1c7: {  	s11 =	sadd.s32 @!p0 s5, s11;
	s16 =	simm.s32 @!p0 $0xD080  }
0x1c8: {  	[tilespmem:s16], [sflag:$0x2] =	stream.linear.gather @!p0 [hbm4b:s11+s17], $0x80, $0x38;
	[tilespmem:$0xE000] =	vst v63  }
0x1c9: {  	s18 =	simm.s32 @!p0 $0xD280;
	s16 =	sadd.s32 @!p0 $0x10, s11  }
0x1ca: {  	[tilespmem:s18], [sflag:$0x2] =	stream.linear.gather @!p0 [hbm4b:s16+s17], $0x80, $0x38;
	[tilespmem:$0xE000] =	vst v63  }
0x1cb: {  	s16 =	sadd.s32 @!p0 $0x20, s11;
	s18 =	simm.s32 @!p0 $0xD480  }
0x1cc: {  	[tilespmem:s18], [sflag:$0x2] =	stream.linear.gather @!p0 [hbm4b:s16+s17], $0x80, $0x38;
	[tilespmem:$0xE000] =	vst v63  }
0x1cd: {  	s16 =	sadd.s32 @!p0 $0x30, s11;
	s18 =	simm.s32 @!p0 $0xD680  }
0x1ce: {  	[tilespmem:s18], [sflag:$0x2] =	stream.linear.gather @!p0 [hbm4b:s16+s17], $0x80, $0x38;
	[tilespmem:$0xE000] =	vst v63  }
0x1cf: {  	s16 =	sadd.s32 @!p0 $0x40, s11;
	s18 =	simm.s32 @!p0 $0xD880  }
0x1d0: {  	[tilespmem:s18], [sflag:$0x2] =	stream.linear.gather @!p0 [hbm4b:s16+s17], $0x80, $0x38;
	[tilespmem:$0xE000] =	vst v63  }
0x1d1: {  	s16 =	sadd.s32 @!p0 $0x50, s11;
	s18 =	simm.s32 @!p0 $0xDA80  }
0x1d2: {  	[tilespmem:s18], [sflag:$0x2] =	stream.linear.gather @!p0 [hbm4b:s16+s17], $0x80, $0x38;
	[tilespmem:$0xE000] =	vst v63  }
0x1d3: {  	s16 =	sadd.s32 @!p0 $0x60, s11;
	s18 =	simm.s32 @!p0 $0xDC80  }
0x1d4: {  	[tilespmem:s18], [sflag:$0x2] =	stream.linear.gather @!p0 [hbm4b:s16+s17], $0x80, $0x38;
	[tilespmem:$0xE000] =	vst v63  }
0x1d5: {  	s11 =	sadd.s32 @!p0 $0x70, s11;
	s16 =	simm.s32 @!p0 $0xDE80  }
0x1d6: {  	[tilespmem:s16], [sflag:$0x2] =	stream.linear.gather @!p0 [hbm4b:s11+s17], $0x80, $0x38;
	[tilespmem:$0xE000] =	vst v63  }
0x1d7: {  	_ =	swait.ge [sflag:s10], $0x400  }
0x1d8: {  	[sflag:s10] =	ssyncset.done $0x0  }
0x1d9: {  	[sflag:s10] =	ssyncadd.s32 $0xFFFFFC00  }
0x1da: {  	_ =	swait.ge [sflag:s10], $0x400  }
0x1db: {  	[sflag:s10] =	ssyncset.done $0x0  }
0x1dc: {  	s19 =	simm.s32 $0x0;
	[sflag:s10] =	ssyncadd.s32 $0xFFFFFC00  }
0x1dd: {  	v0 =	vld [tilespmem:s19+$0xC110]  }
0x1de: {  	v1 =	vld [tilespmem:s19+$0xD150]  }
0x1df: {  	v2 =	vld [tilespmem:s19+$0xD120]  }
0x1e0: {  	v3 =	vld [tilespmem:s19+$0xC100]  }
0x1e1: {  	v4 =	vld [tilespmem:s19+$0xC120]  }
0x1e2: {  	v5 =	vld [tilespmem:s19+$0xC160]  }
0x1e3: {  	v6 =	vld [tilespmem:s19+$0xC130]  }
0x1e4: {  	v7 =	vld [tilespmem:s19+$0xC150]  }
0x1e5: {  	v8 =	vld [tilespmem:s19+$0xC140]  }
0x1e6: {  	v9 =	vld [tilespmem:s19+$0xD110]  }
0x1e7: {  	v11 =	vld [tilespmem:s19+$0xD140]  }
0x1e8: {  	v12 =	vld [tilespmem:s19+$0xD100];
	v10 =	vand.u32 $0xFFFF, v3  }
0x1e9: {  	v14 =	vld [tilespmem:s19+$0xC170];
	v13 =	vand.u32 $0xFFFF, v0  }
0x1ea: {  	v15 =	vld [tilespmem:s19+$0xD130];
	v16 =	vand.u32 $0xFFFF, v4  }
0x1eb: {  	v18 =	vld [tilespmem:s19+$0xD170];
	v17 =	vand.u32 $0xFFFF, v5  }
0x1ec: {  	v21 =	vld [tilespmem:s19+$0xD160];
	v19 =	vand.u32 $0xFFFF, v6  }
0x1ed: {  	v20 =	vand.u32 $0xFFFF, v7;
	v10 =	vld.idx.msk [tilespmem:v10+s3+$0x0], $0xffff  }
0x1ee: {  	v22 =	vand.u32 $0xFFFF, v8;
	v13 =	vld.idx.msk [tilespmem:v13+s3+$0x0], $0xffff  }
0x1ef: {  	v23 =	vand.u32 $0xFFFF, v14;
	v16 =	vld.idx.msk [tilespmem:v16+s3+$0x0], $0xffff  }
0x1f0: {  	v3 =	vshrl.u32 v3, $0x10;
	v17 =	vld.idx.msk [tilespmem:v17+s3+$0x0], $0xffff  }
0x1f1: {  	v19 =	vld.idx.msk [tilespmem:v19+s3+$0x0], $0xffff  }
0x1f2: {  	v0 =	vshrl.u32 v0, $0x10;
	v20 =	vld.idx.msk [tilespmem:v20+s3+$0x0], $0xffff;
	v24 =	vunpack.i.l.bf16.f32 v10  }
0x1f3: {  	v22 =	vld.idx.msk [tilespmem:v22+s3+$0x0], $0xffff;
	v10 =	vunpack.i.u.bf16.f32 v10;
	v24 =	vmul.f32 v24, v12  }
0x1f4: {  	v4 =	vshrl.u32 v4, $0x10;
	v23 =	vld.idx.msk [tilespmem:v23+s3+$0x0], $0xffff;
	v57 =	vunpack.i.l.bf16.f32 v13;
	v10 =	vmul.f32 v10, v12  }
0x1f5: {  	v13 =	vunpack.i.u.bf16.f32 v13;
	v12 =	vmul.f32 v57, v9;
	[tilespmem:v3+s20+$0x0] =	vst.idx.add.f32.msk $0xffff, v24  }
0x1f6: {  	v6 =	vshrl.u32 v6, $0x10;
	v58 =	vunpack.i.l.bf16.f32 v16;
	v9 =	vmul.f32 v13, v9;
	[tilespmem:v3+s21+$0x0] =	vst.idx.add.f32.msk $0xffff, v10  }
0x1f7: {  	v59 =	vmul.f32 v58, v2;
	v3 =	vunpack.i.u.bf16.f32 v16;
	[tilespmem:v0+s20+$0x0] =	vst.idx.add.f32.msk $0xffff, v12  }
0x1f8: {  	v8 =	vshrl.u32 v8, $0x10;
	v2 =	vmul.f32 v3, v2;
	v3 =	vunpack.i.l.bf16.f32 v19;
	[tilespmem:v0+s21+$0x0] =	vst.idx.add.f32.msk $0xffff, v9  }
0x1f9: {  	v0 =	vunpack.i.u.bf16.f32 v19;
	v3 =	vmul.f32 v3, v15;
	[tilespmem:v4+s20+$0x0] =	vst.idx.add.f32.msk $0xffff, v59  }
0x1fa: {  	v7 =	vshrl.u32 v7, $0x10;
	v60 =	vunpack.i.l.bf16.f32 v22;
	v0 =	vmul.f32 v0, v15;
	[tilespmem:v4+s21+$0x0] =	vst.idx.add.f32.msk $0xffff, v2  }
0x1fb: {  	v61 =	vmul.f32 v60, v11;
	v2 =	vunpack.i.u.bf16.f32 v22;
	[tilespmem:v6+s20+$0x0] =	vst.idx.add.f32.msk $0xffff, v3  }
0x1fc: {  	v5 =	vshrl.u32 v5, $0x10;
	v2 =	vmul.f32 v2, v11;
	v3 =	vunpack.i.l.bf16.f32 v20;
	[tilespmem:v6+s21+$0x0] =	vst.idx.add.f32.msk $0xffff, v0  }
0x1fd: {  	v0 =	vunpack.i.u.bf16.f32 v20;
	v3 =	vmul.f32 v3, v1;
	[tilespmem:v8+s20+$0x0] =	vst.idx.add.f32.msk $0xffff, v61  }
0x1fe: {  	v62 =	vunpack.i.l.bf16.f32 v17;
	v1 =	vmul.f32 v0, v1;
	v0 =	vshrl.u32 v14, $0x10;
	[tilespmem:v8+s21+$0x0] =	vst.idx.add.f32.msk $0xffff, v2  }
0x1ff: {  	v2 =	vunpack.i.u.bf16.f32 v17;
	[tilespmem:v7+s20+$0x0] =	vst.idx.add.f32.msk $0xffff, v3;
	v3 =	vmul.f32 v62, v21  }
0x200: {  	v63 =	vunpack.i.l.bf16.f32 v23;
	[tilespmem:v7+s21+$0x0] =	vst.idx.add.f32.msk $0xffff, v1;
	v1 =	vmul.f32 v2, v21  }
0x201: {  	v2 =	vmul.f32 v63, v18;
	[tilespmem:v5+s20+$0x0] =	vst.idx.add.f32.msk $0xffff, v3;
	v3 =	vunpack.i.u.bf16.f32 v23  }
0x202: {  	[tilespmem:v5+s21+$0x0] =	vst.idx.add.f32.msk $0xffff, v1;
	v1 =	vmul.f32 v3, v18  }
0x203: {  	s16 =	simm.s32 $0x800;
	[tilespmem:v0+s20+$0x0] =	vst.idx.add.f32.msk $0xffff, v2  }
.LBB2_7:
0x204: {  	s11 =	sshra.s32 s16, $0x2;
	p1 =	sne.s32 s16, $0x3800;
	s16 =	sadd.s32 $0x800, s16;
	[tilespmem:v0+s21+$0x0] =	vst.idx.add.f32.msk $0xffff, v1  }
0x205: {  	v0 =	vld [tilespmem:s11+$0xC110]  }
0x206: {  	v1 =	vld [tilespmem:s11+$0xD150]  }
0x207: {  	v2 =	vld [tilespmem:s11+$0xD120]  }
0x208: {  	v3 =	vld [tilespmem:s11+$0xC100]  }
0x209: {  	v4 =	vld [tilespmem:s11+$0xC120]  }
0x20a: {  	v5 =	vld [tilespmem:s11+$0xC160]  }
0x20b: {  	v6 =	vld [tilespmem:s11+$0xC130]  }
0x20c: {  	v7 =	vld [tilespmem:s11+$0xC150]  }
0x20d: {  	v8 =	vld [tilespmem:s11+$0xC140]  }
0x20e: {  	v10 =	vand.u32 $0xFFFF, v3;
	v9 =	vld [tilespmem:s11+$0xD110]  }
0x20f: {  	v11 =	vld [tilespmem:s11+$0xD140]  }
0x210: {  	v13 =	vand.u32 $0xFFFF, v0;
	v12 =	vld [tilespmem:s11+$0xD100]  }
0x211: {  	v14 =	vld [tilespmem:s11+$0xC170]  }
0x212: {  	v16 =	vand.u32 $0xFFFF, v4;
	v15 =	vld [tilespmem:s11+$0xD130]  }
0x213: {  	v17 =	vand.u32 $0xFFFF, v5;
	v10 =	vld.idx.msk [tilespmem:v10+s3+$0x0], $0xffff  }
0x214: {  	v19 =	vand.u32 $0xFFFF, v6;
	v18 =	vld [tilespmem:s11+$0xD170]  }
0x215: {  	v20 =	vand.u32 $0xFFFF, v7;
	v13 =	vld.idx.msk [tilespmem:v13+s3+$0x0], $0xffff  }
0x216: {  	v22 =	vand.u32 $0xFFFF, v8;
	v21 =	vld [tilespmem:s11+$0xD160];
	v23 =	vand.u32 $0xFFFF, v14  }
0x217: {  	v16 =	vld.idx.msk [tilespmem:v16+s3+$0x0], $0xffff  }
0x218: {  	v3 =	vshrl.u32 v3, $0x10;
	v17 =	vld.idx.msk [tilespmem:v17+s3+$0x0], $0xffff  }
0x219: {  	v7 =	vshrl.u32 v7, $0x10;
	v24 =	vunpack.i.u.bf16.f32 v10;
	v10 =	vunpack.i.l.bf16.f32 v10;
	v19 =	vld.idx.msk [tilespmem:v19+s3+$0x0], $0xffff  }
0x21a: {  	v0 =	vshrl.u32 v0, $0x10;
	v10 =	vmul.f32 v10, v12;
	v12 =	vmul.f32 v24, v12;
	v20 =	vld.idx.msk [tilespmem:v20+s3+$0x0], $0xffff  }
0x21b: {  	v8 =	vshrl.u32 v8, $0x10;
	v24 =	vunpack.i.u.bf16.f32 v13;
	v13 =	vunpack.i.l.bf16.f32 v13;
	v22 =	vld.idx.msk [tilespmem:v22+s3+$0x0], $0xffff  }
0x21c: {  	v4 =	vshrl.u32 v4, $0x10;
	v13 =	vmul.f32 v13, v9;
	v9 =	vmul.f32 v24, v9;
	v23 =	vld.idx.msk [tilespmem:v23+s3+$0x0], $0xffff  }
0x21d: {  	v6 =	vshrl.u32 v6, $0x10;
	v24 =	vunpack.i.u.bf16.f32 v16;
	v16 =	vunpack.i.l.bf16.f32 v16;
	[tilespmem:v3+s20+$0x0] =	vst.idx.add.f32.msk $0xffff, v10  }
0x21e: {  	v10 =	vunpack.i.l.bf16.f32 v17;
	[tilespmem:v3+s21+$0x0] =	vst.idx.add.f32.msk $0xffff, v12;
	v3 =	vmul.f32 v16, v2;
	v2 =	vmul.f32 v24, v2  }
0x21f: {  	v17 =	vunpack.i.u.bf16.f32 v17;
	v12 =	vunpack.i.u.bf16.f32 v19;
	v16 =	vunpack.i.l.bf16.f32 v19;
	[tilespmem:v0+s20+$0x0] =	vst.idx.add.f32.msk $0xffff, v13  }
0x220: {  	v13 =	vunpack.i.u.bf16.f32 v20;
	[tilespmem:v0+s21+$0x0] =	vst.idx.add.f32.msk $0xffff, v9;
	v0 =	vmul.f32 v16, v15;
	v9 =	vmul.f32 v12, v15  }
0x221: {  	v12 =	vunpack.i.u.bf16.f32 v22;
	v15 =	vunpack.i.l.bf16.f32 v22;
	[tilespmem:v4+s20+$0x0] =	vst.idx.add.f32.msk $0xffff, v3;
	v3 =	vmul.f32 v13, v1  }
0x222: {  	v13 =	vunpack.i.l.bf16.f32 v23;
	[tilespmem:v4+s21+$0x0] =	vst.idx.add.f32.msk $0xffff, v2;
	v2 =	vmul.f32 v15, v11;
	v4 =	vmul.f32 v12, v11  }
0x223: {  	v11 =	vunpack.i.l.bf16.f32 v20;
	v12 =	vunpack.i.u.bf16.f32 v23;
	[tilespmem:v6+s20+$0x0] =	vst.idx.add.f32.msk $0xffff, v0  }
0x224: {  	v5 =	vshrl.u32 v5, $0x10;
	v1 =	vmul.f32 v11, v1;
	[tilespmem:v6+s21+$0x0] =	vst.idx.add.f32.msk $0xffff, v9  }
0x225: {  	[tilespmem:v8+s20+$0x0] =	vst.idx.add.f32.msk $0xffff, v2  }
0x226: {  	v0 =	vshrl.u32 v14, $0x10;
	[tilespmem:v8+s21+$0x0] =	vst.idx.add.f32.msk $0xffff, v4  }
.Ltmp4:
0x227: {  	[tilespmem:v7+s20+$0x0] =	vst.idx.add.f32.msk $0xffff, v1;
	v1 =	vmul.f32 v10, v21;
	(pc) =	sbr.rel @p1 .LBB2_7-.Ltmp4, $4  }
0x228: {  	v2 =	vmul.f32 v17, v21;
	[tilespmem:v7+s21+$0x0] =	vst.idx.add.f32.msk $0xffff, v3  }
0x229: {  	v3 =	vmul.f32 v13, v18;
	[tilespmem:v5+s20+$0x0] =	vst.idx.add.f32.msk $0xffff, v1  }
0x22a: {  	v1 =	vmul.f32 v12, v18;
	[tilespmem:v5+s21+$0x0] =	vst.idx.add.f32.msk $0xffff, v2  }
0x22b: {  	[tilespmem:v0+s20+$0x0] =	vst.idx.add.f32.msk $0xffff, v3  }
0x22c: {  	_ =	sdelay $0x2  }
0x22d: {  	s11 =	sadd.s32 @!p0 $0x300, s15  }
0x22e: {  	[tilespmem:v0+s21+$0x0] =	vst.idx.add.f32.msk $0xffff, v1;
	s17 =	simm.s32 @!p0 $0x0;
	s18 =	simm.s32 @!p0 $0xC100;
	s16 =	sadd.s32 @!p0 s4, s11  }
0x22f: {  	[tilespmem:s18], [sflag:$0x2] =	stream.linear.gather @!p0 [hbm4b:s16+s17], $0x80, $0x38;
	[tilespmem:$0xE000] =	vst v63  }
0x230: {  	s19 =	simm.s32 @!p0 $0xC300;
	s18 =	sadd.s32 @!p0 $0x10, s16  }
0x231: {  	[tilespmem:s19], [sflag:$0x2] =	stream.linear.gather @!p0 [hbm4b:s18+s17], $0x80, $0x38;
	[tilespmem:$0xE000] =	vst v63  }
0x232: {  	s18 =	sadd.s32 @!p0 $0x20, s16;
	s19 =	simm.s32 @!p0 $0xC500  }
0x233: {  	[tilespmem:s19], [sflag:$0x2] =	stream.linear.gather @!p0 [hbm4b:s18+s17], $0x80, $0x38;
	[tilespmem:$0xE000] =	vst v63  }
0x234: {  	s18 =	sadd.s32 @!p0 $0x30, s16;
	s19 =	simm.s32 @!p0 $0xC700  }
0x235: {  	[tilespmem:s19], [sflag:$0x2] =	stream.linear.gather @!p0 [hbm4b:s18+s17], $0x80, $0x38;
	[tilespmem:$0xE000] =	vst v63  }
0x236: {  	s18 =	sadd.s32 @!p0 $0x40, s16;
	s19 =	simm.s32 @!p0 $0xC900  }
0x237: {  	[tilespmem:s19], [sflag:$0x2] =	stream.linear.gather @!p0 [hbm4b:s18+s17], $0x80, $0x38;
	[tilespmem:$0xE000] =	vst v63  }
0x238: {  	s18 =	sadd.s32 @!p0 $0x50, s16;
	s19 =	simm.s32 @!p0 $0xCB00  }
0x239: {  	[tilespmem:s19], [sflag:$0x2] =	stream.linear.gather @!p0 [hbm4b:s18+s17], $0x80, $0x38;
	[tilespmem:$0xE000] =	vst v63  }
0x23a: {  	s18 =	sadd.s32 @!p0 $0x60, s16;
	s19 =	simm.s32 @!p0 $0xCD00  }
0x23b: {  	[tilespmem:s19], [sflag:$0x2] =	stream.linear.gather @!p0 [hbm4b:s18+s17], $0x80, $0x38;
	[tilespmem:$0xE000] =	vst v63  }
0x23c: {  	s16 =	sadd.s32 @!p0 $0x70, s16;
	s18 =	simm.s32 @!p0 $0xCF00  }
0x23d: {  	[tilespmem:s18], [sflag:$0x2] =	stream.linear.gather @!p0 [hbm4b:s16+s17], $0x80, $0x38;
	[tilespmem:$0xE000] =	vst v63  }
0x23e: {  	s11 =	sadd.s32 @!p0 s5, s11;
	s16 =	simm.s32 @!p0 $0xD100  }
0x23f: {  	[tilespmem:s16], [sflag:$0x2] =	stream.linear.gather @!p0 [hbm4b:s11+s17], $0x80, $0x38;
	[tilespmem:$0xE000] =	vst v63  }
0x240: {  	s18 =	simm.s32 @!p0 $0xD300;
	s16 =	sadd.s32 @!p0 $0x10, s11  }
0x241: {  	[tilespmem:s18], [sflag:$0x2] =	stream.linear.gather @!p0 [hbm4b:s16+s17], $0x80, $0x38;
	[tilespmem:$0xE000] =	vst v63  }
0x242: {  	s16 =	sadd.s32 @!p0 $0x20, s11;
	s18 =	simm.s32 @!p0 $0xD500  }
0x243: {  	[tilespmem:s18], [sflag:$0x2] =	stream.linear.gather @!p0 [hbm4b:s16+s17], $0x80, $0x38;
	[tilespmem:$0xE000] =	vst v63  }
0x244: {  	s16 =	sadd.s32 @!p0 $0x30, s11;
	s18 =	simm.s32 @!p0 $0xD700  }
0x245: {  	[tilespmem:s18], [sflag:$0x2] =	stream.linear.gather @!p0 [hbm4b:s16+s17], $0x80, $0x38;
	[tilespmem:$0xE000] =	vst v63  }
0x246: {  	s16 =	sadd.s32 @!p0 $0x40, s11;
	s18 =	simm.s32 @!p0 $0xD900  }
0x247: {  	[tilespmem:s18], [sflag:$0x2] =	stream.linear.gather @!p0 [hbm4b:s16+s17], $0x80, $0x38;
	[tilespmem:$0xE000] =	vst v63  }
0x248: {  	s16 =	sadd.s32 @!p0 $0x50, s11;
	s18 =	simm.s32 @!p0 $0xDB00  }
0x249: {  	[tilespmem:s18], [sflag:$0x2] =	stream.linear.gather @!p0 [hbm4b:s16+s17], $0x80, $0x38;
	[tilespmem:$0xE000] =	vst v63  }
0x24a: {  	s16 =	sadd.s32 @!p0 $0x60, s11;
	s18 =	simm.s32 @!p0 $0xDD00  }
0x24b: {  	[tilespmem:s18], [sflag:$0x2] =	stream.linear.gather @!p0 [hbm4b:s16+s17], $0x80, $0x38;
	[tilespmem:$0xE000] =	vst v63  }
0x24c: {  	s11 =	sadd.s32 @!p0 $0x70, s11;
	s16 =	simm.s32 @!p0 $0xDF00  }
0x24d: {  	[tilespmem:s16], [sflag:$0x2] =	stream.linear.gather @!p0 [hbm4b:s11+s17], $0x80, $0x38;
	[tilespmem:$0xE000] =	vst v63  }
0x24e: {  	_ =	swait.ge [sflag:s10], $0x400  }
0x24f: {  	[sflag:s10] =	ssyncset.done $0x0  }
0x250: {  	[sflag:s10] =	ssyncadd.s32 $0xFFFFFC00  }
0x251: {  	_ =	swait.ge [sflag:s10], $0x400  }
0x252: {  	[sflag:s10] =	ssyncset.done $0x0  }
0x253: {  	s19 =	simm.s32 $0x0;
	[sflag:s10] =	ssyncadd.s32 $0xFFFFFC00  }
0x254: {  	v0 =	vld [tilespmem:s19+$0xC190]  }
0x255: {  	v1 =	vld [tilespmem:s19+$0xD1D0]  }
0x256: {  	v2 =	vld [tilespmem:s19+$0xD1A0]  }
0x257: {  	v3 =	vld [tilespmem:s19+$0xC180]  }
0x258: {  	v4 =	vld [tilespmem:s19+$0xC1A0]  }
0x259: {  	v5 =	vld [tilespmem:s19+$0xC1E0]  }
0x25a: {  	v6 =	vld [tilespmem:s19+$0xC1B0]  }
0x25b: {  	v7 =	vld [tilespmem:s19+$0xC1D0]  }
0x25c: {  	v8 =	vld [tilespmem:s19+$0xC1C0]  }
0x25d: {  	v9 =	vld [tilespmem:s19+$0xD190]  }
0x25e: {  	v11 =	vld [tilespmem:s19+$0xD1C0]  }
0x25f: {  	v12 =	vld [tilespmem:s19+$0xD180];
	v10 =	vand.u32 $0xFFFF, v3  }
0x260: {  	v14 =	vld [tilespmem:s19+$0xC1F0];
	v13 =	vand.u32 $0xFFFF, v0  }
0x261: {  	v15 =	vld [tilespmem:s19+$0xD1B0];
	v16 =	vand.u32 $0xFFFF, v4  }
0x262: {  	v18 =	vld [tilespmem:s19+$0xD1F0];
	v17 =	vand.u32 $0xFFFF, v5  }
0x263: {  	v21 =	vld [tilespmem:s19+$0xD1E0];
	v19 =	vand.u32 $0xFFFF, v6  }
0x264: {  	v20 =	vand.u32 $0xFFFF, v7;
	v10 =	vld.idx.msk [tilespmem:v10+s3+$0x0], $0xffff  }
0x265: {  	v22 =	vand.u32 $0xFFFF, v8;
	v13 =	vld.idx.msk [tilespmem:v13+s3+$0x0], $0xffff  }
0x266: {  	v23 =	vand.u32 $0xFFFF, v14;
	v16 =	vld.idx.msk [tilespmem:v16+s3+$0x0], $0xffff  }
0x267: {  	v3 =	vshrl.u32 v3, $0x10;
	v17 =	vld.idx.msk [tilespmem:v17+s3+$0x0], $0xffff  }
0x268: {  	v19 =	vld.idx.msk [tilespmem:v19+s3+$0x0], $0xffff  }
0x269: {  	v0 =	vshrl.u32 v0, $0x10;
	v20 =	vld.idx.msk [tilespmem:v20+s3+$0x0], $0xffff;
	v24 =	vunpack.i.l.bf16.f32 v10  }
0x26a: {  	v22 =	vld.idx.msk [tilespmem:v22+s3+$0x0], $0xffff;
	v10 =	vunpack.i.u.bf16.f32 v10;
	v24 =	vmul.f32 v24, v12  }
0x26b: {  	v4 =	vshrl.u32 v4, $0x10;
	v23 =	vld.idx.msk [tilespmem:v23+s3+$0x0], $0xffff;
	v57 =	vunpack.i.l.bf16.f32 v13;
	v10 =	vmul.f32 v10, v12  }
0x26c: {  	v13 =	vunpack.i.u.bf16.f32 v13;
	v12 =	vmul.f32 v57, v9;
	[tilespmem:v3+s20+$0x0] =	vst.idx.add.f32.msk $0xffff, v24  }
0x26d: {  	v6 =	vshrl.u32 v6, $0x10;
	v58 =	vunpack.i.l.bf16.f32 v16;
	v9 =	vmul.f32 v13, v9;
	[tilespmem:v3+s21+$0x0] =	vst.idx.add.f32.msk $0xffff, v10  }
0x26e: {  	v59 =	vmul.f32 v58, v2;
	v3 =	vunpack.i.u.bf16.f32 v16;
	[tilespmem:v0+s20+$0x0] =	vst.idx.add.f32.msk $0xffff, v12  }
0x26f: {  	v8 =	vshrl.u32 v8, $0x10;
	v2 =	vmul.f32 v3, v2;
	v3 =	vunpack.i.l.bf16.f32 v19;
	[tilespmem:v0+s21+$0x0] =	vst.idx.add.f32.msk $0xffff, v9  }
0x270: {  	v0 =	vunpack.i.u.bf16.f32 v19;
	v3 =	vmul.f32 v3, v15;
	[tilespmem:v4+s20+$0x0] =	vst.idx.add.f32.msk $0xffff, v59  }
0x271: {  	v7 =	vshrl.u32 v7, $0x10;
	v60 =	vunpack.i.l.bf16.f32 v22;
	v0 =	vmul.f32 v0, v15;
	[tilespmem:v4+s21+$0x0] =	vst.idx.add.f32.msk $0xffff, v2  }
0x272: {  	v61 =	vmul.f32 v60, v11;
	v2 =	vunpack.i.u.bf16.f32 v22;
	[tilespmem:v6+s20+$0x0] =	vst.idx.add.f32.msk $0xffff, v3  }
0x273: {  	v5 =	vshrl.u32 v5, $0x10;
	v2 =	vmul.f32 v2, v11;
	v3 =	vunpack.i.l.bf16.f32 v20;
	[tilespmem:v6+s21+$0x0] =	vst.idx.add.f32.msk $0xffff, v0  }
0x274: {  	v0 =	vunpack.i.u.bf16.f32 v20;
	v3 =	vmul.f32 v3, v1;
	[tilespmem:v8+s20+$0x0] =	vst.idx.add.f32.msk $0xffff, v61  }
0x275: {  	v62 =	vunpack.i.l.bf16.f32 v17;
	v1 =	vmul.f32 v0, v1;
	v0 =	vshrl.u32 v14, $0x10;
	[tilespmem:v8+s21+$0x0] =	vst.idx.add.f32.msk $0xffff, v2  }
0x276: {  	v2 =	vunpack.i.u.bf16.f32 v17;
	[tilespmem:v7+s20+$0x0] =	vst.idx.add.f32.msk $0xffff, v3;
	v3 =	vmul.f32 v62, v21  }
0x277: {  	v63 =	vunpack.i.l.bf16.f32 v23;
	[tilespmem:v7+s21+$0x0] =	vst.idx.add.f32.msk $0xffff, v1;
	v1 =	vmul.f32 v2, v21  }
0x278: {  	v2 =	vmul.f32 v63, v18;
	[tilespmem:v5+s20+$0x0] =	vst.idx.add.f32.msk $0xffff, v3;
	v3 =	vunpack.i.u.bf16.f32 v23  }
0x279: {  	[tilespmem:v5+s21+$0x0] =	vst.idx.add.f32.msk $0xffff, v1;
	v1 =	vmul.f32 v3, v18  }
0x27a: {  	s16 =	simm.s32 $0x800;
	[tilespmem:v0+s20+$0x0] =	vst.idx.add.f32.msk $0xffff, v2  }
.LBB2_9:
0x27b: {  	s11 =	sshra.s32 s16, $0x2;
	p1 =	sne.s32 s16, $0x3800;
	s16 =	sadd.s32 $0x800, s16;
	[tilespmem:v0+s21+$0x0] =	vst.idx.add.f32.msk $0xffff, v1  }
0x27c: {  	v0 =	vld [tilespmem:s11+$0xC190]  }
0x27d: {  	v1 =	vld [tilespmem:s11+$0xD1D0]  }
0x27e: {  	v2 =	vld [tilespmem:s11+$0xD1A0]  }
0x27f: {  	v3 =	vld [tilespmem:s11+$0xC180]  }
0x280: {  	v4 =	vld [tilespmem:s11+$0xC1A0]  }
0x281: {  	v5 =	vld [tilespmem:s11+$0xC1E0]  }
0x282: {  	v6 =	vld [tilespmem:s11+$0xC1B0]  }
0x283: {  	v7 =	vld [tilespmem:s11+$0xC1D0]  }
0x284: {  	v8 =	vld [tilespmem:s11+$0xC1C0]  }
0x285: {  	v10 =	vand.u32 $0xFFFF, v3;
	v9 =	vld [tilespmem:s11+$0xD190]  }
0x286: {  	v11 =	vld [tilespmem:s11+$0xD1C0]  }
0x287: {  	v13 =	vand.u32 $0xFFFF, v0;
	v12 =	vld [tilespmem:s11+$0xD180]  }
0x288: {  	v14 =	vld [tilespmem:s11+$0xC1F0]  }
0x289: {  	v16 =	vand.u32 $0xFFFF, v4;
	v15 =	vld [tilespmem:s11+$0xD1B0]  }
0x28a: {  	v17 =	vand.u32 $0xFFFF, v5;
	v10 =	vld.idx.msk [tilespmem:v10+s3+$0x0], $0xffff  }
0x28b: {  	v19 =	vand.u32 $0xFFFF, v6;
	v18 =	vld [tilespmem:s11+$0xD1F0]  }
0x28c: {  	v20 =	vand.u32 $0xFFFF, v7;
	v13 =	vld.idx.msk [tilespmem:v13+s3+$0x0], $0xffff  }
0x28d: {  	v22 =	vand.u32 $0xFFFF, v8;
	v21 =	vld [tilespmem:s11+$0xD1E0];
	v23 =	vand.u32 $0xFFFF, v14  }
0x28e: {  	v16 =	vld.idx.msk [tilespmem:v16+s3+$0x0], $0xffff  }
0x28f: {  	v3 =	vshrl.u32 v3, $0x10;
	v17 =	vld.idx.msk [tilespmem:v17+s3+$0x0], $0xffff  }
0x290: {  	v7 =	vshrl.u32 v7, $0x10;
	v24 =	vunpack.i.u.bf16.f32 v10;
	v10 =	vunpack.i.l.bf16.f32 v10;
	v19 =	vld.idx.msk [tilespmem:v19+s3+$0x0], $0xffff  }
0x291: {  	v0 =	vshrl.u32 v0, $0x10;
	v10 =	vmul.f32 v10, v12;
	v12 =	vmul.f32 v24, v12;
	v20 =	vld.idx.msk [tilespmem:v20+s3+$0x0], $0xffff  }
0x292: {  	v8 =	vshrl.u32 v8, $0x10;
	v24 =	vunpack.i.u.bf16.f32 v13;
	v13 =	vunpack.i.l.bf16.f32 v13;
	v22 =	vld.idx.msk [tilespmem:v22+s3+$0x0], $0xffff  }
0x293: {  	v4 =	vshrl.u32 v4, $0x10;
	v13 =	vmul.f32 v13, v9;
	v9 =	vmul.f32 v24, v9;
	v23 =	vld.idx.msk [tilespmem:v23+s3+$0x0], $0xffff  }
0x294: {  	v6 =	vshrl.u32 v6, $0x10;
	v24 =	vunpack.i.u.bf16.f32 v16;
	v16 =	vunpack.i.l.bf16.f32 v16;
	[tilespmem:v3+s20+$0x0] =	vst.idx.add.f32.msk $0xffff, v10  }
0x295: {  	v10 =	vunpack.i.l.bf16.f32 v17;
	[tilespmem:v3+s21+$0x0] =	vst.idx.add.f32.msk $0xffff, v12;
	v3 =	vmul.f32 v16, v2;
	v2 =	vmul.f32 v24, v2  }
0x296: {  	v17 =	vunpack.i.u.bf16.f32 v17;
	v12 =	vunpack.i.u.bf16.f32 v19;
	v16 =	vunpack.i.l.bf16.f32 v19;
	[tilespmem:v0+s20+$0x0] =	vst.idx.add.f32.msk $0xffff, v13  }
0x297: {  	v13 =	vunpack.i.u.bf16.f32 v20;
	[tilespmem:v0+s21+$0x0] =	vst.idx.add.f32.msk $0xffff, v9;
	v0 =	vmul.f32 v16, v15;
	v9 =	vmul.f32 v12, v15  }
0x298: {  	v12 =	vunpack.i.u.bf16.f32 v22;
	v15 =	vunpack.i.l.bf16.f32 v22;
	[tilespmem:v4+s20+$0x0] =	vst.idx.add.f32.msk $0xffff, v3;
	v3 =	vmul.f32 v13, v1  }
0x299: {  	v13 =	vunpack.i.l.bf16.f32 v23;
	[tilespmem:v4+s21+$0x0] =	vst.idx.add.f32.msk $0xffff, v2;
	v2 =	vmul.f32 v15, v11;
	v4 =	vmul.f32 v12, v11  }
0x29a: {  	v11 =	vunpack.i.l.bf16.f32 v20;
	v12 =	vunpack.i.u.bf16.f32 v23;
	[tilespmem:v6+s20+$0x0] =	vst.idx.add.f32.msk $0xffff, v0  }
0x29b: {  	v5 =	vshrl.u32 v5, $0x10;
	v1 =	vmul.f32 v11, v1;
	[tilespmem:v6+s21+$0x0] =	vst.idx.add.f32.msk $0xffff, v9  }
0x29c: {  	[tilespmem:v8+s20+$0x0] =	vst.idx.add.f32.msk $0xffff, v2  }
0x29d: {  	v0 =	vshrl.u32 v14, $0x10;
	[tilespmem:v8+s21+$0x0] =	vst.idx.add.f32.msk $0xffff, v4  }
.Ltmp5:
0x29e: {  	[tilespmem:v7+s20+$0x0] =	vst.idx.add.f32.msk $0xffff, v1;
	v1 =	vmul.f32 v10, v21;
	(pc) =	sbr.rel @p1 .LBB2_9-.Ltmp5, $4  }
0x29f: {  	v2 =	vmul.f32 v17, v21;
	[tilespmem:v7+s21+$0x0] =	vst.idx.add.f32.msk $0xffff, v3  }
0x2a0: {  	v3 =	vmul.f32 v13, v18;
	[tilespmem:v5+s20+$0x0] =	vst.idx.add.f32.msk $0xffff, v1  }
0x2a1: {  	v1 =	vmul.f32 v12, v18;
	[tilespmem:v5+s21+$0x0] =	vst.idx.add.f32.msk $0xffff, v2  }
0x2a2: {  	[tilespmem:v0+s20+$0x0] =	vst.idx.add.f32.msk $0xffff, v3  }
.Ltmp6:
0x2a3: {  	_ = 	snop;
	(pc) =	sbr.rel @p0 .LBB2_12-.Ltmp6, $2  }
0x2a4: {  	_ =	sdelay $0x2  }
0x2a5: {  	[tilespmem:v0+s21+$0x0] =	vst.idx.add.f32.msk $0xffff, v1  }
0x2a6: {  	s11 =	sadd.s32 $0x380, s15  }
0x2a7: {  	s15 =	sadd.s32 s4, s11  }
0x2a8: {  	[tilespmem:s22], [sflag:$0x2] =	stream.linear.gather [hbm4b:s15+s3], $0x80, $0x38;
	[tilespmem:$0xE000] =	vst v63  }
0x2a9: {  	s16 =	sadd.s32 $0x10, s15  }
0x2aa: {  	[tilespmem:s23], [sflag:$0x2] =	stream.linear.gather [hbm4b:s16+s3], $0x80, $0x38;
	[tilespmem:$0xE000] =	vst v63  }
0x2ab: {  	s19 =	sadd.s32 $0x20, s15  }
0x2ac: {  	[tilespmem:s24], [sflag:$0x2] =	stream.linear.gather [hbm4b:s19+s3], $0x80, $0x38;
	[tilespmem:$0xE000] =	vst v63  }
0x2ad: {  	s17 =	sadd.s32 $0x30, s15  }
0x2ae: {  	[tilespmem:s25], [sflag:$0x2] =	stream.linear.gather [hbm4b:s17+s3], $0x80, $0x38;
	[tilespmem:$0xE000] =	vst v63  }
0x2af: {  	s18 =	sadd.s32 $0x40, s15  }
0x2b0: {  	[tilespmem:s26], [sflag:$0x2] =	stream.linear.gather [hbm4b:s18+s3], $0x80, $0x38;
	[tilespmem:$0xE000] =	vst v63  }
0x2b1: {  	s19 =	sadd.s32 $0x50, s15  }
0x2b2: {  	[tilespmem:s13], [sflag:$0x2] =	stream.linear.gather [hbm4b:s19+s3], $0x80, $0x38;
	[tilespmem:$0xE000] =	vst v63  }
0x2b3: {  	s17 =	sadd.s32 $0x60, s15  }
0x2b4: {  	[tilespmem:s28], [sflag:$0x2] =	stream.linear.gather [hbm4b:s17+s3], $0x80, $0x38;
	[tilespmem:$0xE000] =	vst v63  }
0x2b5: {  	s15 =	sadd.s32 $0x70, s15  }
0x2b6: {  	[tilespmem:s29], [sflag:$0x2] =	stream.linear.gather [hbm4b:s15+s3], $0x80, $0x38;
	[tilespmem:$0xE000] =	vst v63  }
0x2b7: {  	s11 =	sadd.s32 s5, s11  }
0x2b8: {  	[tilespmem:s30], [sflag:$0x2] =	stream.linear.gather [hbm4b:s11+s3], $0x80, $0x38;
	[tilespmem:$0xE000] =	vst v63  }
0x2b9: {  	s18 =	sadd.s32 $0x10, s11  }
0x2ba: {  	[tilespmem:s31], [sflag:$0x2] =	stream.linear.gather [hbm4b:s18+s3], $0x80, $0x38;
	[tilespmem:$0xE000] =	vst v63  }
0x2bb: {  	s19 =	sadd.s32 $0x20, s11  }
0x2bc: {  	[tilespmem:s0], [sflag:$0x2] =	stream.linear.gather [hbm4b:s19+s3], $0x80, $0x38;
	[tilespmem:$0xE000] =	vst v63  }
0x2bd: {  	s16 =	sadd.s32 $0x30, s11  }
0x2be: {  	[tilespmem:s1], [sflag:$0x2] =	stream.linear.gather [hbm4b:s16+s3], $0x80, $0x38;
	[tilespmem:$0xE000] =	vst v63  }
0x2bf: {  	s17 =	sadd.s32 $0x40, s11  }
0x2c0: {  	[tilespmem:s2], [sflag:$0x2] =	stream.linear.gather [hbm4b:s17+s3], $0x80, $0x38;
	[tilespmem:$0xE000] =	vst v63  }
0x2c1: {  	s18 =	sadd.s32 $0x50, s11  }
0x2c2: {  	[tilespmem:s6], [sflag:$0x2] =	stream.linear.gather [hbm4b:s18+s3], $0x80, $0x38;
	[tilespmem:$0xE000] =	vst v63  }
.Ltmp7:
0x2c3: {  	_ = 	snop;
	(pc) =	sbr.rel .LBB2_2-.Ltmp7, $4  }
0x2c4: {  	s19 =	sadd.s32 $0x60, s11  }
0x2c5: {  	[tilespmem:s7], [sflag:$0x2] =	stream.linear.gather [hbm4b:s19+s3], $0x80, $0x38;
	[tilespmem:$0xE000] =	vst v63  }
0x2c6: {  	s14 =	sadd.s32 $0x1, s14;
	s11 =	sadd.s32 $0x70, s11  }
0x2c7: {  	[tilespmem:s8], [sflag:$0x2] =	stream.linear.gather [hbm4b:s11+s3], $0x80, $0x38;
	[tilespmem:$0xE000] =	vst v63  }
.LBB2_13:
0x2c8: {  	_ =	sfence.sel $0x180000  }
0x2c9: {  	[bflag:$0x0] =	sbarrier.arrive $0xFFFF  }
0x2ca: {  	_ =	strace $0x90000047  }
0x2cb: {  	s0 =	stileid.u32;
	[bflag:$0x2] =	sbarrier.arrive $0xFFFF  }
0x2cc: {  	p0 =	sne.s32 s0, $0x0;
	s0 =	rddreg [dreg:$0x3]  }
0x2cd: {  	s0 =	sadd.s32 @!p0 $0x100000, s0  }
0x2ce: {  	[sflag:s0] =	ssyncadd.tile.s32 @!p0 $0x1;
	_ =	shalt  }
.Lfunc_end2:
_tile_overlayer_lowered:
.L_overlay_start_2:
0x2cf: {  	(tag) =	ssettag $0x2  }
0x2d0: {  	s0 =	rddreg [dreg:$0x0];
	s2 =	stileid.u32  }
0x2d1: {  	s1 =	rddreg [dreg:$0x1];
	p0 =	sne.s32 s2, $0x0  }
0x2d2: {  	s3 =	rddreg [dreg:$0x2];
	[bflag:$0x3] =	sbarrier.arrive $0xFFFF;
	s2 =	simm.s32 @!p0 $0x1C03  }
0x2d3: {  	[timem:s3], [sflag:s2] =	dma.local @!p0 [hbm:s0], s1  }
0x2d4: {  	s0 =	simm.s32 @!p0 $0x3  }
0x2d5: {  	_ =	swait.ge @!p0 [sflag:s0], s1  }
0x2d6: {  	s1 =	ssub.s32 @!p0 $0x0, s1;
	[sflag:s0] =	ssyncset.done @!p0 $0x0  }
0x2d7: {  	[sflag:s0] =	ssyncadd.s32 @!p0 s1  }
0x2d8: {  	[bflag:$0x3] =	sbarrier.arrive $0xFFFF  }
0x2d9: {  	_ =	shalt  }

</sc_bundles>
